<compile_context>
chip_gen: v7x
topology: tpu7x:2x2x1
jax: 0.10.2.dev20260603
libtpu: 0.0.44.dev20260713+nightly
codegen_flags: <defaults>
</compile_context>

<pallas_src>
import jax
import jax.numpy as jnp
from jax import lax
from jax.experimental import pallas as pl
from jax.experimental.pallas import tpu as pltpu
from jax.experimental.pallas import tpu_sc as plsc

_NC, _NS, _L = 2, 16, 16
_NW = _NC * _NS
_E = 64
_B, _S = 4, 4096
_SCB = 1
_T = _SCB * _S
_TPW = _T // _NW
_GRP = _TPW // _L

_LN2 = 0.6931471805599453
_SQRT2 = 1.4142135623730951


def _vlog(x):
    bits = plsc.bitcast(x, jnp.int32)
    e = (bits >> 23) - 127
    m = plsc.bitcast((bits & 0x007FFFFF) | 0x3F800000, jnp.float32)
    big = m > _SQRT2
    m = jnp.where(big, m * 0.5, m)
    e = jnp.where(big, e + 1, e)
    z = (m - 1.0) / (m + 1.0)
    z2 = z * z
    p = z * (2.0 + z2 * (2.0 / 3.0 + z2 * (2.0 / 5.0 + z2 * (2.0 / 7.0
        + z2 * (2.0 / 9.0)))))
    return e.astype(jnp.float32) * _LN2 + p


def _sc_body(t_hbm, s_hbm, out_hbm, t_v, s_v, acc_v, sem_t, sem_s):
    wid = lax.axis_index("s") * _NC + lax.axis_index("c")
    wpb = _NW // _SCB
    b = wid // wpb
    s0 = (wid % wpb) * _TPW
    cps = [
        pltpu.async_copy(t_hbm.at[b, :, pl.ds(s0, _TPW)], t_v, sem_t),
        pltpu.async_copy(s_hbm.at[b, :, pl.ds(s0, _TPW)], s_v, sem_s),
    ]

    def grp(g, acc):
        tok = pl.ds(pl.multiple_of(g * _L, _L), _L)
        mt = [jnp.full((_L,), -jnp.inf, jnp.float32) for _ in range(4)]
        ms = [jnp.full((_L,), -jnp.inf, jnp.float32) for _ in range(4)]
        for e in range(_E):
            k = e % 4
            mt[k] = jnp.maximum(mt[k], t_v[e, tok])
            ms[k] = jnp.maximum(ms[k], s_v[e, tok])
        mtt = jnp.maximum(jnp.maximum(mt[0], mt[1]), jnp.maximum(mt[2], mt[3]))
        mst = jnp.maximum(jnp.maximum(ms[0], ms[1]), jnp.maximum(ms[2], ms[3]))
        st = [jnp.zeros((_L,), jnp.float32) for _ in range(4)]
        ss = [jnp.zeros((_L,), jnp.float32) for _ in range(4)]
        dt = [jnp.zeros((_L,), jnp.float32) for _ in range(4)]
        for e in range(_E):
            k = e % 4
            tv = t_v[e, tok]
            sv = s_v[e, tok]
            et = jnp.exp(tv - mtt)
            st[k] = st[k] + et
            dt[k] = dt[k] + et * (tv - sv)
            ss[k] = ss[k] + jnp.exp(sv - mst)
        stt = (st[0] + st[1]) + (st[2] + st[3])
        sst = (ss[0] + ss[1]) + (ss[2] + ss[3])
        dtt = (dt[0] + dt[1]) + (dt[2] + dt[3])
        kl = dtt / stt + (mst + _vlog(sst)) - (mtt + _vlog(stt))
        return acc + kl

    for cp in cps:
        cp.wait()
    acc_v[...] = lax.fori_loop(0, _GRP, grp, jnp.zeros((_L,), jnp.float32))
    pltpu.sync_copy(acc_v, out_hbm.at[wid])


_SC_KL = pl.kernel(
    _sc_body,
    out_type=jax.ShapeDtypeStruct((_NW, _L), jnp.float32),
    mesh=plsc.VectorSubcoreMesh(
        core_axis_name="c", subcore_axis_name="s",
        num_cores=_NC, num_subcores=_NS),
    scratch_types=[
        pltpu.VMEM((_E, _TPW), jnp.float32),
        pltpu.VMEM((_E, _TPW), jnp.float32),
        pltpu.VMEM((_L,), jnp.float32),
        pltpu.SemaphoreType.DMA,
        pltpu.SemaphoreType.DMA,
    ],
    compiler_params=pltpu.CompilerParams(needs_layout_passes=False),
)

_TC_GRID = _B - _SCB


def _tc_body(t_ref, s_ref, out_ref):
    i = pl.program_id(0)
    t = t_ref[0]
    s = s_ref[0]
    mt = jnp.max(t, axis=0)
    ms = jnp.max(s, axis=0)
    et = jnp.exp(t - mt[None, :])
    st = jnp.sum(et, axis=0)
    dt = jnp.sum(et * (t - s), axis=0)
    ss = jnp.sum(jnp.exp(s - ms[None, :]), axis=0)
    kl = dt / st + (ms + jnp.log(ss)) - (mt + jnp.log(st))

    @pl.when(i == 0)
    def _():
        out_ref[...] = jnp.zeros_like(out_ref)

    out_ref[...] += kl.reshape(32, 128)


_TC_KL = pl.pallas_call(
    _tc_body,
    grid=(_TC_GRID,),
    in_specs=[
        pl.BlockSpec((1, _E, _S), lambda i: (_SCB + i, 0, 0)),
        pl.BlockSpec((1, _E, _S), lambda i: (_SCB + i, 0, 0)),
    ],
    out_specs=pl.BlockSpec((32, 128), lambda i: (0, 0)),
    out_shape=jax.ShapeDtypeStruct((32, 128), jnp.float32),
)


def kernel(teacher_gates, student_gates, teacher_hidden_states,
           student_hidden_states, teacher_model, student_model,
           input_ids, attention_mask):
    tt = jnp.transpose(teacher_gates, (0, 2, 1))
    st = jnp.transpose(student_gates, (0, 2, 1))
    sc_parts = _SC_KL(tt, st)
    tc_parts = _TC_KL(tt, st)
    allp = jnp.concatenate([sc_parts.reshape(-1), tc_parts.reshape(-1)])
    return jnp.sum(allp) / teacher_gates.shape[0]

# --- scband reference (transcript-rebuilt; emitter-appended) ---
"""Pipeline reference for scband-expert-distillation-loss-17102559773158 (READ-ONLY COPY).

The authoritative reference and input builder live on the scoring server;
editing this copy changes nothing except your own understanding.
"""

import jax, jax.numpy as jnp
import numpy as np


def setup_inputs(seed: int = 0) -> dict:
    key = jax.random.key(seed)
    k1, k2, k3, k4 = jax.random.split(key, 4)
    B, S, E, D = 4, 4096, 64, 2048
    return {
        "teacher_gates": jax.random.normal(k1, (B, S, E), dtype=jnp.float32),
        "student_gates": jax.random.normal(k2, (B, S, E), dtype=jnp.float32),
        "teacher_hidden_states": jax.random.normal(k3, (B, S, D), dtype=jnp.float32),
        "student_hidden_states": jax.random.normal(k4, (B, S, D), dtype=jnp.float32),
        "teacher_model": jnp.zeros((1,), dtype=jnp.float32),
        "student_model": jnp.zeros((1,), dtype=jnp.float32),
        "input_ids": jax.random.randint(jax.random.fold_in(key, 5), (B, S), 0, 32000, dtype=jnp.int32),
        "attention_mask": jnp.ones((B, S), dtype=jnp.int32),
    }


def reference(teacher_gates, student_gates, teacher_hidden_states, student_hidden_states, teacher_model, student_model, input_ids, attention_mask):
    # With enable_method_a=False and enable_method_b=False, the module computes
    # the base gate KL loss:
    #   F.kl_div(log_softmax(student_gates, -1), softmax(teacher_gates, -1), reduction='batchmean')
    # which equals sum(t * (log t - log_softmax(s))) / batch_size.
    t = jax.nn.softmax(teacher_gates, axis=-1)
    log_s = jax.nn.log_softmax(student_gates, axis=-1)
    log_t = jnp.log(jnp.clip(t, 1e-12, None))
    kl = jnp.sum(t * (log_t - log_s)) / teacher_gates.shape[0]
    # expert_total_loss (the dict's main gradient-carrying entry)
    return kl

if __name__ == "__main__":
    import jax
    _d = setup_inputs()
    print(jax.jit(kernel)(*tuple(_d.values())))

</pallas_src>

<mosaic_0001>
#map = affine_map<(d0, d1) -> (0, 0, 0)>
#map1 = affine_map<(d0, d1) -> (0, 0)>
module attributes {stable_mosaic.version = 14 : i64} {
  func.func @_sc_body(%arg0: i32, %arg1: i32, %arg2: memref<4x64x4096xf32, #tpu.memory_space<hbm>>, %arg3: memref<4x64x4096xf32, #tpu.memory_space<hbm>>, %arg4: memref<32x16xf32, #tpu.memory_space<hbm>>, %arg5: memref<64x128xf32, #tpu.memory_space<vmem>>, %arg6: memref<64x128xf32, #tpu.memory_space<vmem>>, %arg7: memref<16xf32, #tpu.memory_space<vmem>>, %arg8: memref<!tpu.dma_semaphore, #tpu.memory_space<semaphore_mem>>, %arg9: memref<!tpu.dma_semaphore, #tpu.memory_space<semaphore_mem>>) attributes {dimension_semantics = [#tpu.dimension_semantics<core_parallel>, #tpu.dimension_semantics<subcore_parallel>], iteration_bounds = array<i64: 2, 16>, scalar_prefetch = 0 : i64, scratch_operands = 5 : i64, tpu.core_type = #tpu.core_type<sc_vector_subcore>, window_params = [{transform_indices = #map}, {transform_indices = #map}, {transform_indices = #map1}]} {
    %mul3A = arith.constant 2 : i32
    %mul3A_0 = arith.muli %arg1, %mul3A : i32
    %add3A = arith.addi %mul3A_0, %arg0 : i32
    %jit3A = arith.constant 32 : i32
    %div3A = arith.divsi %add3A, %jit3A : i32
    %sign3A = arith.constant 0 : i32
    %sign3A_1 = arith.cmpi sgt, %add3A, %sign3A : i32
    %sign3A_2 = arith.extui %sign3A_1 : i1 to i32
    %sign3A_3 = arith.constant 0 : i32
    %sign3A_4 = arith.cmpi slt, %add3A, %sign3A_3 : i32
    %sign3A_5 = arith.extui %sign3A_4 : i1 to i32
    %sign3A_6 = arith.subi %sign3A_2, %sign3A_5 : i32
    %sign3A_7 = arith.constant 0 : i32
    %sign3A_8 = arith.cmpi sgt, %jit3A, %sign3A_7 : i32
    %sign3A_9 = arith.extui %sign3A_8 : i1 to i32
    %sign3A_10 = arith.constant 0 : i32
    %sign3A_11 = arith.cmpi slt, %jit3A, %sign3A_10 : i32
    %sign3A_12 = arith.extui %sign3A_11 : i1 to i32
    %sign3A_13 = arith.subi %sign3A_9, %sign3A_12 : i32
    %ne3A = arith.cmpi ne, %sign3A_6, %sign3A_13 : i32
    %rem3A = arith.remsi %add3A, %jit3A : i32
    %ne3A_14 = arith.constant 0 : i32
    %ne3A_15 = arith.cmpi ne, %rem3A, %ne3A_14 : i32
    %and3A = arith.andi %ne3A, %ne3A_15 : i1
    %sub3A = arith.constant 1 : i32
    %sub3A_16 = arith.subi %div3A, %sub3A : i32
    %select_n3A = arith.select %and3A, %sub3A_16, %div3A : i32
    %jit3A_17 = arith.constant 32 : i32
    %eq3A = arith.constant 0 : i32
    %eq3A_18 = arith.cmpi eq, %jit3A_17, %eq3A : i32
    %jit3A_19 = arith.constant 1 : i32
    %select_n3A_20 = arith.select %eq3A_18, %jit3A_19, %jit3A_17 : i32
    %rem3A_21 = arith.remsi %add3A, %select_n3A_20 : i32
    %ne3A_22 = arith.constant 0 : i32
    %ne3A_23 = arith.cmpi ne, %rem3A_21, %ne3A_22 : i32
    %lt3A = arith.constant 0 : i32
    %lt3A_24 = arith.cmpi slt, %rem3A_21, %lt3A : i32
    %lt3A_25 = arith.constant 0 : i32
    %lt3A_26 = arith.cmpi slt, %select_n3A_20, %lt3A_25 : i32
    %ne3A_27 = arith.xori %lt3A_24, %lt3A_26 : i1
    %and3A_28 = arith.andi %ne3A_27, %ne3A_23 : i1
    %add3A_29 = arith.addi %rem3A_21, %select_n3A_20 : i32
    %select_n3A_30 = arith.select %and3A_28, %add3A_29, %rem3A_21 : i32
    %mul3A_31 = arith.constant 128 : i32
    %mul3A_32 = arith.muli %select_n3A_30, %mul3A_31 : i32
    %dma_start3A = arith.constant 0 : i32
    %dma_start3A_33 = tpu.memref_slice %arg2[%select_n3A, %dma_start3A, %mul3A_32] : memref<4x64x4096xf32, #tpu.memory_space<hbm>> -> memref<1x64x128xf32, #tpu.memory_space<hbm>>
    %dma_start3A_34 = tpu.memref_squeeze %dma_start3A_33 : memref<1x64x128xf32, #tpu.memory_space<hbm>> -> memref<64x128xf32, #tpu.memory_space<hbm>>
    %dma_start3A_35 = arith.constant 0 : i32
    %dma_start3A_36 = tpu.memref_slice %arg2[%select_n3A, %dma_start3A_35, %mul3A_32] : memref<4x64x4096xf32, #tpu.memory_space<hbm>> -> memref<1x64x128xf32, #tpu.memory_space<hbm>>
    %dma_start3A_37 = tpu.memref_squeeze %dma_start3A_36 : memref<1x64x128xf32, #tpu.memory_space<hbm>> -> memref<64x128xf32, #tpu.memory_space<hbm>>
    tpu.enqueue_dma source(%dma_start3A_37 : memref<64x128xf32, #tpu.memory_space<hbm>>) target(%arg5 : memref<64x128xf32, #tpu.memory_space<vmem>>) target_semaphore(%arg8 : memref<!tpu.dma_semaphore, #tpu.memory_space<semaphore_mem>>)
    %dma_start3A_38 = arith.constant 0 : i32
    %dma_start3A_39 = tpu.memref_slice %arg3[%select_n3A, %dma_start3A_38, %mul3A_32] : memref<4x64x4096xf32, #tpu.memory_space<hbm>> -> memref<1x64x128xf32, #tpu.memory_space<hbm>>
    %dma_start3A_40 = tpu.memref_squeeze %dma_start3A_39 : memref<1x64x128xf32, #tpu.memory_space<hbm>> -> memref<64x128xf32, #tpu.memory_space<hbm>>
    %dma_start3A_41 = arith.constant 0 : i32
    %dma_start3A_42 = tpu.memref_slice %arg3[%select_n3A, %dma_start3A_41, %mul3A_32] : memref<4x64x4096xf32, #tpu.memory_space<hbm>> -> memref<1x64x128xf32, #tpu.memory_space<hbm>>
    %dma_start3A_43 = tpu.memref_squeeze %dma_start3A_42 : memref<1x64x128xf32, #tpu.memory_space<hbm>> -> memref<64x128xf32, #tpu.memory_space<hbm>>
    tpu.enqueue_dma source(%dma_start3A_43 : memref<64x128xf32, #tpu.memory_space<hbm>>) target(%arg6 : memref<64x128xf32, #tpu.memory_space<vmem>>) target_semaphore(%arg9 : memref<!tpu.dma_semaphore, #tpu.memory_space<semaphore_mem>>)
    %dma_wait3A = arith.constant 0 : i32
    %dma_wait3A_44 = tpu.memref_slice %arg2[%select_n3A, %dma_wait3A, %mul3A_32] : memref<4x64x4096xf32, #tpu.memory_space<hbm>> -> memref<1x64x128xf32, #tpu.memory_space<hbm>>
    %dma_wait3A_45 = tpu.memref_squeeze %dma_wait3A_44 : memref<1x64x128xf32, #tpu.memory_space<hbm>> -> memref<64x128xf32, #tpu.memory_space<hbm>>
    %dma_wait3A_46 = arith.constant 0 : i32
    %dma_wait3A_47 = tpu.memref_slice %arg2[%select_n3A, %dma_wait3A_46, %mul3A_32] : memref<4x64x4096xf32, #tpu.memory_space<hbm>> -> memref<1x64x128xf32, #tpu.memory_space<hbm>>
    %dma_wait3A_48 = tpu.memref_squeeze %dma_wait3A_47 : memref<1x64x128xf32, #tpu.memory_space<hbm>> -> memref<64x128xf32, #tpu.memory_space<hbm>>
    tpu.wait_dma2 semaphore(%arg8 : memref<!tpu.dma_semaphore, #tpu.memory_space<semaphore_mem>>) src(%dma_wait3A_48 : memref<64x128xf32, #tpu.memory_space<hbm>>) dst(%arg5 : memref<64x128xf32, #tpu.memory_space<vmem>>)
    %dma_wait3A_49 = arith.constant 0 : i32
    %dma_wait3A_50 = tpu.memref_slice %arg3[%select_n3A, %dma_wait3A_49, %mul3A_32] : memref<4x64x4096xf32, #tpu.memory_space<hbm>> -> memref<1x64x128xf32, #tpu.memory_space<hbm>>
    %dma_wait3A_51 = tpu.memref_squeeze %dma_wait3A_50 : memref<1x64x128xf32, #tpu.memory_space<hbm>> -> memref<64x128xf32, #tpu.memory_space<hbm>>
    %dma_wait3A_52 = arith.constant 0 : i32
    %dma_wait3A_53 = tpu.memref_slice %arg3[%select_n3A, %dma_wait3A_52, %mul3A_32] : memref<4x64x4096xf32, #tpu.memory_space<hbm>> -> memref<1x64x128xf32, #tpu.memory_space<hbm>>
    %dma_wait3A_54 = tpu.memref_squeeze %dma_wait3A_53 : memref<1x64x128xf32, #tpu.memory_space<hbm>> -> memref<64x128xf32, #tpu.memory_space<hbm>>
    tpu.wait_dma2 semaphore(%arg9 : memref<!tpu.dma_semaphore, #tpu.memory_space<semaphore_mem>>) src(%dma_wait3A_54 : memref<64x128xf32, #tpu.memory_space<hbm>>) dst(%arg6 : memref<64x128xf32, #tpu.memory_space<vmem>>)
    %broadcast_in_dim3A = arith.constant 0.000000e+00 : f32
    %broadcast_in_dim3A_55 = vector.broadcast %broadcast_in_dim3A : f32 to vector<16xf32>
    %scan3A = arith.constant 0 : i32
    %scan3A_56 = arith.constant 8 : i32
    %scan3A_57 = arith.addi %scan3A, %scan3A_56 : i32
    %scan3A_58 = arith.constant 1 : i32
    %scan3A_59 = scf.for %scan3A_62 = %scan3A to %scan3A_57 step %scan3A_58 iter_args(%scan3A_63 = %broadcast_in_dim3A_55) -> (vector<16xf32>)  : i32 {
      %mul3A_64 = arith.constant 16 : i32
      %mul3A_65 = arith.muli %scan3A_62, %mul3A_64 : i32
      %multiple_of3A = tpu.assume_multiple %mul3A_65, 16 : i32
      %broadcast_in_dim3A_66 = arith.constant 0xFF800000 : f32
      %broadcast_in_dim3A_67 = vector.broadcast %broadcast_in_dim3A_66 : f32 to vector<16xf32>
      %broadcast_in_dim3A_68 = arith.constant 0xFF800000 : f32
      %broadcast_in_dim3A_69 = vector.broadcast %broadcast_in_dim3A_68 : f32 to vector<16xf32>
      %broadcast_in_dim3A_70 = arith.constant 0xFF800000 : f32
      %broadcast_in_dim3A_71 = vector.broadcast %broadcast_in_dim3A_70 : f32 to vector<16xf32>
      %broadcast_in_dim3A_72 = arith.constant 0xFF800000 : f32
      %broadcast_in_dim3A_73 = vector.broadcast %broadcast_in_dim3A_72 : f32 to vector<16xf32>
      %broadcast_in_dim3A_74 = arith.constant 0xFF800000 : f32
      %broadcast_in_dim3A_75 = vector.broadcast %broadcast_in_dim3A_74 : f32 to vector<16xf32>
      %broadcast_in_dim3A_76 = arith.constant 0xFF800000 : f32
      %broadcast_in_dim3A_77 = vector.broadcast %broadcast_in_dim3A_76 : f32 to vector<16xf32>
      %broadcast_in_dim3A_78 = arith.constant 0xFF800000 : f32
      %broadcast_in_dim3A_79 = vector.broadcast %broadcast_in_dim3A_78 : f32 to vector<16xf32>
      %broadcast_in_dim3A_80 = arith.constant 0xFF800000 : f32
      %broadcast_in_dim3A_81 = vector.broadcast %broadcast_in_dim3A_80 : f32 to vector<16xf32>
      %get3A = arith.constant 0 : i32
      %get3A_82 = arith.index_cast %get3A : i32 to index
      %get3A_83 = arith.index_cast %multiple_of3A : i32 to index
      %get3A_84 = tpu.vector_load %arg5[%get3A_82, %get3A_83] {strides = array<i32>} : memref<64x128xf32, #tpu.memory_space<vmem>>, vector<16xf32>,
      %max3A = arith.maximumf %broadcast_in_dim3A_67, %get3A_84 : vector<16xf32>
      %get3A_85 = arith.constant 0 : i32
      %get3A_86 = arith.index_cast %get3A_85 : i32 to index
      %get3A_87 = arith.index_cast %multiple_of3A : i32 to index
      %get3A_88 = tpu.vector_load %arg6[%get3A_86, %get3A_87] {strides = array<i32>} : memref<64x128xf32, #tpu.memory_space<vmem>>, vector<16xf32>,
      %max3A_89 = arith.maximumf %broadcast_in_dim3A_75, %get3A_88 : vector<16xf32>
      %get3A_90 = arith.constant 1 : i32
      %get3A_91 = arith.index_cast %get3A_90 : i32 to index
      %get3A_92 = arith.index_cast %multiple_of3A : i32 to index
      %get3A_93 = tpu.vector_load %arg5[%get3A_91, %get3A_92] {strides = array<i32>} : memref<64x128xf32, #tpu.memory_space<vmem>>, vector<16xf32>,
      %max3A_94 = arith.maximumf %broadcast_in_dim3A_69, %get3A_93 : vector<16xf32>
      %get3A_95 = arith.constant 1 : i32
      %get3A_96 = arith.index_cast %get3A_95 : i32 to index
      %get3A_97 = arith.index_cast %multiple_of3A : i32 to index
      %get3A_98 = tpu.vector_load %arg6[%get3A_96, %get3A_97] {strides = array<i32>} : memref<64x128xf32, #tpu.memory_space<vmem>>, vector<16xf32>,
      %max3A_99 = arith.maximumf %broadcast_in_dim3A_77, %get3A_98 : vector<16xf32>
      %get3A_100 = arith.constant 2 : i32
      %get3A_101 = arith.index_cast %get3A_100 : i32 to index
      %get3A_102 = arith.index_cast %multiple_of3A : i32 to index
      %get3A_103 = tpu.vector_load %arg5[%get3A_101, %get3A_102] {strides = array<i32>} : memref<64x128xf32, #tpu.memory_space<vmem>>, vector<16xf32>,
      %max3A_104 = arith.maximumf %broadcast_in_dim3A_71, %get3A_103 : vector<16xf32>
      %get3A_105 = arith.constant 2 : i32
      %get3A_106 = arith.index_cast %get3A_105 : i32 to index
      %get3A_107 = arith.index_cast %multiple_of3A : i32 to index
      %get3A_108 = tpu.vector_load %arg6[%get3A_106, %get3A_107] {strides = array<i32>} : memref<64x128xf32, #tpu.memory_space<vmem>>, vector<16xf32>,
      %max3A_109 = arith.maximumf %broadcast_in_dim3A_79, %get3A_108 : vector<16xf32>
      %get3A_110 = arith.constant 3 : i32
      %get3A_111 = arith.index_cast %get3A_110 : i32 to index
      %get3A_112 = arith.index_cast %multiple_of3A : i32 to index
      %get3A_113 = tpu.vector_load %arg5[%get3A_111, %get3A_112] {strides = array<i32>} : memref<64x128xf32, #tpu.memory_space<vmem>>, vector<16xf32>,
      %max3A_114 = arith.maximumf %broadcast_in_dim3A_73, %get3A_113 : vector<16xf32>
      %get3A_115 = arith.constant 3 : i32
      %get3A_116 = arith.index_cast %get3A_115 : i32 to index
      %get3A_117 = arith.index_cast %multiple_of3A : i32 to index
      %get3A_118 = tpu.vector_load %arg6[%get3A_116, %get3A_117] {strides = array<i32>} : memref<64x128xf32, #tpu.memory_space<vmem>>, vector<16xf32>,
      %max3A_119 = arith.maximumf %broadcast_in_dim3A_81, %get3A_118 : vector<16xf32>
      %get3A_120 = arith.constant 4 : i32
      %get3A_121 = arith.index_cast %get3A_120 : i32 to index
      %get3A_122 = arith.index_cast %multiple_of3A : i32 to index
      %get3A_123 = tpu.vector_load %arg5[%get3A_121, %get3A_122] {strides = array<i32>} : memref<64x128xf32, #tpu.memory_space<vmem>>, vector<16xf32>,
      %max3A_124 = arith.maximumf %max3A, %get3A_123 : vector<16xf32>
      %get3A_125 = arith.constant 4 : i32
      %get3A_126 = arith.index_cast %get3A_125 : i32 to index
      %get3A_127 = arith.index_cast %multiple_of3A : i32 to index
      %get3A_128 = tpu.vector_load %arg6[%get3A_126, %get3A_127] {strides = array<i32>} : memref<64x128xf32, #tpu.memory_space<vmem>>, vector<16xf32>,
      %max3A_129 = arith.maximumf %max3A_89, %get3A_128 : vector<16xf32>
      %get3A_130 = arith.constant 5 : i32
      %get3A_131 = arith.index_cast %get3A_130 : i32 to index
      %get3A_132 = arith.index_cast %multiple_of3A : i32 to index
      %get3A_133 = tpu.vector_load %arg5[%get3A_131, %get3A_132] {strides = array<i32>} : memref<64x128xf32, #tpu.memory_space<vmem>>, vector<16xf32>,
      %max3A_134 = arith.maximumf %max3A_94, %get3A_133 : vector<16xf32>
      %get3A_135 = arith.constant 5 : i32
      %get3A_136 = arith.index_cast %get3A_135 : i32 to index
      %get3A_137 = arith.index_cast %multiple_of3A : i32 to index
      %get3A_138 = tpu.vector_load %arg6[%get3A_136, %get3A_137] {strides = array<i32>} : memref<64x128xf32, #tpu.memory_space<vmem>>, vector<16xf32>,
      %max3A_139 = arith.maximumf %max3A_99, %get3A_138 : vector<16xf32>
      %get3A_140 = arith.constant 6 : i32
      %get3A_141 = arith.index_cast %get3A_140 : i32 to index
      %get3A_142 = arith.index_cast %multiple_of3A : i32 to index
      %get3A_143 = tpu.vector_load %arg5[%get3A_141, %get3A_142] {strides = array<i32>} : memref<64x128xf32, #tpu.memory_space<vmem>>, vector<16xf32>,
      %max3A_144 = arith.maximumf %max3A_104, %get3A_143 : vector<16xf32>
      %get3A_145 = arith.constant 6 : i32
      %get3A_146 = arith.index_cast %get3A_145 : i32 to index
      %get3A_147 = arith.index_cast %multiple_of3A : i32 to index
      %get3A_148 = tpu.vector_load %arg6[%get3A_146, %get3A_147] {strides = array<i32>} : memref<64x128xf32, #tpu.memory_space<vmem>>, vector<16xf32>,
      %max3A_149 = arith.maximumf %max3A_109, %get3A_148 : vector<16xf32>
      %get3A_150 = arith.constant 7 : i32
      %get3A_151 = arith.index_cast %get3A_150 : i32 to index
      %get3A_152 = arith.index_cast %multiple_of3A : i32 to index
      %get3A_153 = tpu.vector_load %arg5[%get3A_151, %get3A_152] {strides = array<i32>} : memref<64x128xf32, #tpu.memory_space<vmem>>, vector<16xf32>,
      %max3A_154 = arith.maximumf %max3A_114, %get3A_153 : vector<16xf32>
      %get3A_155 = arith.constant 7 : i32
      %get3A_156 = arith.index_cast %get3A_155 : i32 to index
      %get3A_157 = arith.index_cast %multiple_of3A : i32 to index
      %get3A_158 = tpu.vector_load %arg6[%get3A_156, %get3A_157] {strides = array<i32>} : memref<64x128xf32, #tpu.memory_space<vmem>>, vector<16xf32>,
      %max3A_159 = arith.maximumf %max3A_119, %get3A_158 : vector<16xf32>
      %get3A_160 = arith.constant 8 : i32
      %get3A_161 = arith.index_cast %get3A_160 : i32 to index
      %get3A_162 = arith.index_cast %multiple_of3A : i32 to index
      %get3A_163 = tpu.vector_load %arg5[%get3A_161, %get3A_162] {strides = array<i32>} : memref<64x128xf32, #tpu.memory_space<vmem>>, vector<16xf32>,
      %max3A_164 = arith.maximumf %max3A_124, %get3A_163 : vector<16xf32>
      %get3A_165 = arith.constant 8 : i32
      %get3A_166 = arith.index_cast %get3A_165 : i32 to index
      %get3A_167 = arith.index_cast %multiple_of3A : i32 to index
      %get3A_168 = tpu.vector_load %arg6[%get3A_166, %get3A_167] {strides = array<i32>} : memref<64x128xf32, #tpu.memory_space<vmem>>, vector<16xf32>,
      %max3A_169 = arith.maximumf %max3A_129, %get3A_168 : vector<16xf32>
      %get3A_170 = arith.constant 9 : i32
      %get3A_171 = arith.index_cast %get3A_170 : i32 to index
      %get3A_172 = arith.index_cast %multiple_of3A : i32 to index
      %get3A_173 = tpu.vector_load %arg5[%get3A_171, %get3A_172] {strides = array<i32>} : memref<64x128xf32, #tpu.memory_space<vmem>>, vector<16xf32>,
      %max3A_174 = arith.maximumf %max3A_134, %get3A_173 : vector<16xf32>
      %get3A_175 = arith.constant 9 : i32
      %get3A_176 = arith.index_cast %get3A_175 : i32 to index
      %get3A_177 = arith.index_cast %multiple_of3A : i32 to index
      %get3A_178 = tpu.vector_load %arg6[%get3A_176, %get3A_177] {strides = array<i32>} : memref<64x128xf32, #tpu.memory_space<vmem>>, vector<16xf32>,
      %max3A_179 = arith.maximumf %max3A_139, %get3A_178 : vector<16xf32>
      %get3A_180 = arith.constant 10 : i32
      %get3A_181 = arith.index_cast %get3A_180 : i32 to index
      %get3A_182 = arith.index_cast %multiple_of3A : i32 to index
      %get3A_183 = tpu.vector_load %arg5[%get3A_181, %get3A_182] {strides = array<i32>} : memref<64x128xf32, #tpu.memory_space<vmem>>, vector<16xf32>,
      %max3A_184 = arith.maximumf %max3A_144, %get3A_183 : vector<16xf32>
      %get3A_185 = arith.constant 10 : i32
      %get3A_186 = arith.index_cast %get3A_185 : i32 to index
      %get3A_187 = arith.index_cast %multiple_of3A : i32 to index
      %get3A_188 = tpu.vector_load %arg6[%get3A_186, %get3A_187] {strides = array<i32>} : memref<64x128xf32, #tpu.memory_space<vmem>>, vector<16xf32>,
      %max3A_189 = arith.maximumf %max3A_149, %get3A_188 : vector<16xf32>
      %get3A_190 = arith.constant 11 : i32
      %get3A_191 = arith.index_cast %get3A_190 : i32 to index
      %get3A_192 = arith.index_cast %multiple_of3A : i32 to index
      %get3A_193 = tpu.vector_load %arg5[%get3A_191, %get3A_192] {strides = array<i32>} : memref<64x128xf32, #tpu.memory_space<vmem>>, vector<16xf32>,
      %max3A_194 = arith.maximumf %max3A_154, %get3A_193 : vector<16xf32>
      %get3A_195 = arith.constant 11 : i32
      %get3A_196 = arith.index_cast %get3A_195 : i32 to index
      %get3A_197 = arith.index_cast %multiple_of3A : i32 to index
      %get3A_198 = tpu.vector_load %arg6[%get3A_196, %get3A_197] {strides = array<i32>} : memref<64x128xf32, #tpu.memory_space<vmem>>, vector<16xf32>,
      %max3A_199 = arith.maximumf %max3A_159, %get3A_198 : vector<16xf32>
      %get3A_200 = arith.constant 12 : i32
      %get3A_201 = arith.index_cast %get3A_200 : i32 to index
      %get3A_202 = arith.index_cast %multiple_of3A : i32 to index
      %get3A_203 = tpu.vector_load %arg5[%get3A_201, %get3A_202] {strides = array<i32>} : memref<64x128xf32, #tpu.memory_space<vmem>>, vector<16xf32>,
      %max3A_204 = arith.maximumf %max3A_164, %get3A_203 : vector<16xf32>
      %get3A_205 = arith.constant 12 : i32
      %get3A_206 = arith.index_cast %get3A_205 : i32 to index
      %get3A_207 = arith.index_cast %multiple_of3A : i32 to index
      %get3A_208 = tpu.vector_load %arg6[%get3A_206, %get3A_207] {strides = array<i32>} : memref<64x128xf32, #tpu.memory_space<vmem>>, vector<16xf32>,
      %max3A_209 = arith.maximumf %max3A_169, %get3A_208 : vector<16xf32>
      %get3A_210 = arith.constant 13 : i32
      %get3A_211 = arith.index_cast %get3A_210 : i32 to index
      %get3A_212 = arith.index_cast %multiple_of3A : i32 to index
      %get3A_213 = tpu.vector_load %arg5[%get3A_211, %get3A_212] {strides = array<i32>} : memref<64x128xf32, #tpu.memory_space<vmem>>, vector<16xf32>,
      %max3A_214 = arith.maximumf %max3A_174, %get3A_213 : vector<16xf32>
      %get3A_215 = arith.constant 13 : i32
      %get3A_216 = arith.index_cast %get3A_215 : i32 to index
      %get3A_217 = arith.index_cast %multiple_of3A : i32 to index
      %get3A_218 = tpu.vector_load %arg6[%get3A_216, %get3A_217] {strides = array<i32>} : memref<64x128xf32, #tpu.memory_space<vmem>>, vector<16xf32>,
      %max3A_219 = arith.maximumf %max3A_179, %get3A_218 : vector<16xf32>
      %get3A_220 = arith.constant 14 : i32
      %get3A_221 = arith.index_cast %get3A_220 : i32 to index
      %get3A_222 = arith.index_cast %multiple_of3A : i32 to index
      %get3A_223 = tpu.vector_load %arg5[%get3A_221, %get3A_222] {strides = array<i32>} : memref<64x128xf32, #tpu.memory_space<vmem>>, vector<16xf32>,
      %max3A_224 = arith.maximumf %max3A_184, %get3A_223 : vector<16xf32>
      %get3A_225 = arith.constant 14 : i32
      %get3A_226 = arith.index_cast %get3A_225 : i32 to index
      %get3A_227 = arith.index_cast %multiple_of3A : i32 to index
      %get3A_228 = tpu.vector_load %arg6[%get3A_226, %get3A_227] {strides = array<i32>} : memref<64x128xf32, #tpu.memory_space<vmem>>, vector<16xf32>,
      %max3A_229 = arith.maximumf %max3A_189, %get3A_228 : vector<16xf32>
      %get3A_230 = arith.constant 15 : i32
      %get3A_231 = arith.index_cast %get3A_230 : i32 to index
      %get3A_232 = arith.index_cast %multiple_of3A : i32 to index
      %get3A_233 = tpu.vector_load %arg5[%get3A_231, %get3A_232] {strides = array<i32>} : memref<64x128xf32, #tpu.memory_space<vmem>>, vector<16xf32>,
      %max3A_234 = arith.maximumf %max3A_194, %get3A_233 : vector<16xf32>
      %get3A_235 = arith.constant 15 : i32
      %get3A_236 = arith.index_cast %get3A_235 : i32 to index
      %get3A_237 = arith.index_cast %multiple_of3A : i32 to index
      %get3A_238 = tpu.vector_load %arg6[%get3A_236, %get3A_237] {strides = array<i32>} : memref<64x128xf32, #tpu.memory_space<vmem>>, vector<16xf32>,
      %max3A_239 = arith.maximumf %max3A_199, %get3A_238 : vector<16xf32>
      %get3A_240 = arith.constant 16 : i32
      %get3A_241 = arith.index_cast %get3A_240 : i32 to index
      %get3A_242 = arith.index_cast %multiple_of3A : i32 to index
      %get3A_243 = tpu.vector_load %arg5[%get3A_241, %get3A_242] {strides = array<i32>} : memref<64x128xf32, #tpu.memory_space<vmem>>, vector<16xf32>,
      %max3A_244 = arith.maximumf %max3A_204, %get3A_243 : vector<16xf32>
      %get3A_245 = arith.constant 16 : i32
      %get3A_246 = arith.index_cast %get3A_245 : i32 to index
      %get3A_247 = arith.index_cast %multiple_of3A : i32 to index
      %get3A_248 = tpu.vector_load %arg6[%get3A_246, %get3A_247] {strides = array<i32>} : memref<64x128xf32, #tpu.memory_space<vmem>>, vector<16xf32>,
      %max3A_249 = arith.maximumf %max3A_209, %get3A_248 : vector<16xf32>
      %get3A_250 = arith.constant 17 : i32
      %get3A_251 = arith.index_cast %get3A_250 : i32 to index
      %get3A_252 = arith.index_cast %multiple_of3A : i32 to index
      %get3A_253 = tpu.vector_load %arg5[%get3A_251, %get3A_252] {strides = array<i32>} : memref<64x128xf32, #tpu.memory_space<vmem>>, vector<16xf32>,
      %max3A_254 = arith.maximumf %max3A_214, %get3A_253 : vector<16xf32>
      %get3A_255 = arith.constant 17 : i32
      %get3A_256 = arith.index_cast %get3A_255 : i32 to index
      %get3A_257 = arith.index_cast %multiple_of3A : i32 to index
      %get3A_258 = tpu.vector_load %arg6[%get3A_256, %get3A_257] {strides = array<i32>} : memref<64x128xf32, #tpu.memory_space<vmem>>, vector<16xf32>,
      %max3A_259 = arith.maximumf %max3A_219, %get3A_258 : vector<16xf32>
      %get3A_260 = arith.constant 18 : i32
      %get3A_261 = arith.index_cast %get3A_260 : i32 to index
      %get3A_262 = arith.index_cast %multiple_of3A : i32 to index
      %get3A_263 = tpu.vector_load %arg5[%get3A_261, %get3A_262] {strides = array<i32>} : memref<64x128xf32, #tpu.memory_space<vmem>>, vector<16xf32>,
      %max3A_264 = arith.maximumf %max3A_224, %get3A_263 : vector<16xf32>
      %get3A_265 = arith.constant 18 : i32
      %get3A_266 = arith.index_cast %get3A_265 : i32 to index
      %get3A_267 = arith.index_cast %multiple_of3A : i32 to index
      %get3A_268 = tpu.vector_load %arg6[%get3A_266, %get3A_267] {strides = array<i32>} : memref<64x128xf32, #tpu.memory_space<vmem>>, vector<16xf32>,
      %max3A_269 = arith.maximumf %max3A_229, %get3A_268 : vector<16xf32>
      %get3A_270 = arith.constant 19 : i32
      %get3A_271 = arith.index_cast %get3A_270 : i32 to index
      %get3A_272 = arith.index_cast %multiple_of3A : i32 to index
      %get3A_273 = tpu.vector_load %arg5[%get3A_271, %get3A_272] {strides = array<i32>} : memref<64x128xf32, #tpu.memory_space<vmem>>, vector<16xf32>,
      %max3A_274 = arith.maximumf %max3A_234, %get3A_273 : vector<16xf32>
      %get3A_275 = arith.constant 19 : i32
      %get3A_276 = arith.index_cast %get3A_275 : i32 to index
      %get3A_277 = arith.index_cast %multiple_of3A : i32 to index
      %get3A_278 = tpu.vector_load %arg6[%get3A_276, %get3A_277] {strides = array<i32>} : memref<64x128xf32, #tpu.memory_space<vmem>>, vector<16xf32>,
      %max3A_279 = arith.maximumf %max3A_239, %get3A_278 : vector<16xf32>
      %get3A_280 = arith.constant 20 : i32
      %get3A_281 = arith.index_cast %get3A_280 : i32 to index
      %get3A_282 = arith.index_cast %multiple_of3A : i32 to index
      %get3A_283 = tpu.vector_load %arg5[%get3A_281, %get3A_282] {strides = array<i32>} : memref<64x128xf32, #tpu.memory_space<vmem>>, vector<16xf32>,
      %max3A_284 = arith.maximumf %max3A_244, %get3A_283 : vector<16xf32>
      %get3A_285 = arith.constant 20 : i32
      %get3A_286 = arith.index_cast %get3A_285 : i32 to index
      %get3A_287 = arith.index_cast %multiple_of3A : i32 to index
      %get3A_288 = tpu.vector_load %arg6[%get3A_286, %get3A_287] {strides = array<i32>} : memref<64x128xf32, #tpu.memory_space<vmem>>, vector<16xf32>,
      %max3A_289 = arith.maximumf %max3A_249, %get3A_288 : vector<16xf32>
      %get3A_290 = arith.constant 21 : i32
      %get3A_291 = arith.index_cast %get3A_290 : i32 to index
      %get3A_292 = arith.index_cast %multiple_of3A : i32 to index
      %get3A_293 = tpu.vector_load %arg5[%get3A_291, %get3A_292] {strides = array<i32>} : memref<64x128xf32, #tpu.memory_space<vmem>>, vector<16xf32>,
      %max3A_294 = arith.maximumf %max3A_254, %get3A_293 : vector<16xf32>
      %get3A_295 = arith.constant 21 : i32
      %get3A_296 = arith.index_cast %get3A_295 : i32 to index
      %get3A_297 = arith.index_cast %multiple_of3A : i32 to index
      %get3A_298 = tpu.vector_load %arg6[%get3A_296, %get3A_297] {strides = array<i32>} : memref<64x128xf32, #tpu.memory_space<vmem>>, vector<16xf32>,
      %max3A_299 = arith.maximumf %max3A_259, %get3A_298 : vector<16xf32>
      %get3A_300 = arith.constant 22 : i32
      %get3A_301 = arith.index_cast %get3A_300 : i32 to index
      %get3A_302 = arith.index_cast %multiple_of3A : i32 to index
      %get3A_303 = tpu.vector_load %arg5[%get3A_301, %get3A_302] {strides = array<i32>} : memref<64x128xf32, #tpu.memory_space<vmem>>, vector<16xf32>,
      %max3A_304 = arith.maximumf %max3A_264, %get3A_303 : vector<16xf32>
      %get3A_305 = arith.constant 22 : i32
      %get3A_306 = arith.index_cast %get3A_305 : i32 to index
      %get3A_307 = arith.index_cast %multiple_of3A : i32 to index
      %get3A_308 = tpu.vector_load %arg6[%get3A_306, %get3A_307] {strides = array<i32>} : memref<64x128xf32, #tpu.memory_space<vmem>>, vector<16xf32>,
      %max3A_309 = arith.maximumf %max3A_269, %get3A_308 : vector<16xf32>
      %get3A_310 = arith.constant 23 : i32
      %get3A_311 = arith.index_cast %get3A_310 : i32 to index
      %get3A_312 = arith.index_cast %multiple_of3A : i32 to index
      %get3A_313 = tpu.vector_load %arg5[%get3A_311, %get3A_312] {strides = array<i32>} : memref<64x128xf32, #tpu.memory_space<vmem>>, vector<16xf32>,
      %max3A_314 = arith.maximumf %max3A_274, %get3A_313 : vector<16xf32>
      %get3A_315 = arith.constant 23 : i32
      %get3A_316 = arith.index_cast %get3A_315 : i32 to index
      %get3A_317 = arith.index_cast %multiple_of3A : i32 to index
      %get3A_318 = tpu.vector_load %arg6[%get3A_316, %get3A_317] {strides = array<i32>} : memref<64x128xf32, #tpu.memory_space<vmem>>, vector<16xf32>,
      %max3A_319 = arith.maximumf %max3A_279, %get3A_318 : vector<16xf32>
      %get3A_320 = arith.constant 24 : i32
      %get3A_321 = arith.index_cast %get3A_320 : i32 to index
      %get3A_322 = arith.index_cast %multiple_of3A : i32 to index
      %get3A_323 = tpu.vector_load %arg5[%get3A_321, %get3A_322] {strides = array<i32>} : memref<64x128xf32, #tpu.memory_space<vmem>>, vector<16xf32>,
      %max3A_324 = arith.maximumf %max3A_284, %get3A_323 : vector<16xf32>
      %get3A_325 = arith.constant 24 : i32
      %get3A_326 = arith.index_cast %get3A_325 : i32 to index
      %get3A_327 = arith.index_cast %multiple_of3A : i32 to index
      %get3A_328 = tpu.vector_load %arg6[%get3A_326, %get3A_327] {strides = array<i32>} : memref<64x128xf32, #tpu.memory_space<vmem>>, vector<16xf32>,
      %max3A_329 = arith.maximumf %max3A_289, %get3A_328 : vector<16xf32>
      %get3A_330 = arith.constant 25 : i32
      %get3A_331 = arith.index_cast %get3A_330 : i32 to index
      %get3A_332 = arith.index_cast %multiple_of3A : i32 to index
      %get3A_333 = tpu.vector_load %arg5[%get3A_331, %get3A_332] {strides = array<i32>} : memref<64x128xf32, #tpu.memory_space<vmem>>, vector<16xf32>,
      %max3A_334 = arith.maximumf %max3A_294, %get3A_333 : vector<16xf32>
      %get3A_335 = arith.constant 25 : i32
      %get3A_336 = arith.index_cast %get3A_335 : i32 to index
      %get3A_337 = arith.index_cast %multiple_of3A : i32 to index
      %get3A_338 = tpu.vector_load %arg6[%get3A_336, %get3A_337] {strides = array<i32>} : memref<64x128xf32, #tpu.memory_space<vmem>>, vector<16xf32>,
      %max3A_339 = arith.maximumf %max3A_299, %get3A_338 : vector<16xf32>
      %get3A_340 = arith.constant 26 : i32
      %get3A_341 = arith.index_cast %get3A_340 : i32 to index
      %get3A_342 = arith.index_cast %multiple_of3A : i32 to index
      %get3A_343 = tpu.vector_load %arg5[%get3A_341, %get3A_342] {strides = array<i32>} : memref<64x128xf32, #tpu.memory_space<vmem>>, vector<16xf32>,
      %max3A_344 = arith.maximumf %max3A_304, %get3A_343 : vector<16xf32>
      %get3A_345 = arith.constant 26 : i32
      %get3A_346 = arith.index_cast %get3A_345 : i32 to index
      %get3A_347 = arith.index_cast %multiple_of3A : i32 to index
      %get3A_348 = tpu.vector_load %arg6[%get3A_346, %get3A_347] {strides = array<i32>} : memref<64x128xf32, #tpu.memory_space<vmem>>, vector<16xf32>,
      %max3A_349 = arith.maximumf %max3A_309, %get3A_348 : vector<16xf32>
      %get3A_350 = arith.constant 27 : i32
      %get3A_351 = arith.index_cast %get3A_350 : i32 to index
      %get3A_352 = arith.index_cast %multiple_of3A : i32 to index
      %get3A_353 = tpu.vector_load %arg5[%get3A_351, %get3A_352] {strides = array<i32>} : memref<64x128xf32, #tpu.memory_space<vmem>>, vector<16xf32>,
      %max3A_354 = arith.maximumf %max3A_314, %get3A_353 : vector<16xf32>
      %get3A_355 = arith.constant 27 : i32
      %get3A_356 = arith.index_cast %get3A_355 : i32 to index
      %get3A_357 = arith.index_cast %multiple_of3A : i32 to index
      %get3A_358 = tpu.vector_load %arg6[%get3A_356, %get3A_357] {strides = array<i32>} : memref<64x128xf32, #tpu.memory_space<vmem>>, vector<16xf32>,
      %max3A_359 = arith.maximumf %max3A_319, %get3A_358 : vector<16xf32>
      %get3A_360 = arith.constant 28 : i32
      %get3A_361 = arith.index_cast %get3A_360 : i32 to index
      %get3A_362 = arith.index_cast %multiple_of3A : i32 to index
      %get3A_363 = tpu.vector_load %arg5[%get3A_361, %get3A_362] {strides = array<i32>} : memref<64x128xf32, #tpu.memory_space<vmem>>, vector<16xf32>,
      %max3A_364 = arith.maximumf %max3A_324, %get3A_363 : vector<16xf32>
      %get3A_365 = arith.constant 28 : i32
      %get3A_366 = arith.index_cast %get3A_365 : i32 to index
      %get3A_367 = arith.index_cast %multiple_of3A : i32 to index
      %get3A_368 = tpu.vector_load %arg6[%get3A_366, %get3A_367] {strides = array<i32>} : memref<64x128xf32, #tpu.memory_space<vmem>>, vector<16xf32>,
      %max3A_369 = arith.maximumf %max3A_329, %get3A_368 : vector<16xf32>
      %get3A_370 = arith.constant 29 : i32
      %get3A_371 = arith.index_cast %get3A_370 : i32 to index
      %get3A_372 = arith.index_cast %multiple_of3A : i32 to index
      %get3A_373 = tpu.vector_load %arg5[%get3A_371, %get3A_372] {strides = array<i32>} : memref<64x128xf32, #tpu.memory_space<vmem>>, vector<16xf32>,
      %max3A_374 = arith.maximumf %max3A_334, %get3A_373 : vector<16xf32>
      %get3A_375 = arith.constant 29 : i32
      %get3A_376 = arith.index_cast %get3A_375 : i32 to index
      %get3A_377 = arith.index_cast %multiple_of3A : i32 to index
      %get3A_378 = tpu.vector_load %arg6[%get3A_376, %get3A_377] {strides = array<i32>} : memref<64x128xf32, #tpu.memory_space<vmem>>, vector<16xf32>,
      %max3A_379 = arith.maximumf %max3A_339, %get3A_378 : vector<16xf32>
      %get3A_380 = arith.constant 30 : i32
      %get3A_381 = arith.index_cast %get3A_380 : i32 to index
      %get3A_382 = arith.index_cast %multiple_of3A : i32 to index
      %get3A_383 = tpu.vector_load %arg5[%get3A_381, %get3A_382] {strides = array<i32>} : memref<64x128xf32, #tpu.memory_space<vmem>>, vector<16xf32>,
      %max3A_384 = arith.maximumf %max3A_344, %get3A_383 : vector<16xf32>
      %get3A_385 = arith.constant 30 : i32
      %get3A_386 = arith.index_cast %get3A_385 : i32 to index
      %get3A_387 = arith.index_cast %multiple_of3A : i32 to index
      %get3A_388 = tpu.vector_load %arg6[%get3A_386, %get3A_387] {strides = array<i32>} : memref<64x128xf32, #tpu.memory_space<vmem>>, vector<16xf32>,
      %max3A_389 = arith.maximumf %max3A_349, %get3A_388 : vector<16xf32>
      %get3A_390 = arith.constant 31 : i32
      %get3A_391 = arith.index_cast %get3A_390 : i32 to index
      %get3A_392 = arith.index_cast %multiple_of3A : i32 to index
      %get3A_393 = tpu.vector_load %arg5[%get3A_391, %get3A_392] {strides = array<i32>} : memref<64x128xf32, #tpu.memory_space<vmem>>, vector<16xf32>,
      %max3A_394 = arith.maximumf %max3A_354, %get3A_393 : vector<16xf32>
      %get3A_395 = arith.constant 31 : i32
      %get3A_396 = arith.index_cast %get3A_395 : i32 to index
      %get3A_397 = arith.index_cast %multiple_of3A : i32 to index
      %get3A_398 = tpu.vector_load %arg6[%get3A_396, %get3A_397] {strides = array<i32>} : memref<64x128xf32, #tpu.memory_space<vmem>>, vector<16xf32>,
      %max3A_399 = arith.maximumf %max3A_359, %get3A_398 : vector<16xf32>
      %get3A_400 = arith.constant 32 : i32
      %get3A_401 = arith.index_cast %get3A_400 : i32 to index
      %get3A_402 = arith.index_cast %multiple_of3A : i32 to index
      %get3A_403 = tpu.vector_load %arg5[%get3A_401, %get3A_402] {strides = array<i32>} : memref<64x128xf32, #tpu.memory_space<vmem>>, vector<16xf32>,
      %max3A_404 = arith.maximumf %max3A_364, %get3A_403 : vector<16xf32>
      %get3A_405 = arith.constant 32 : i32
      %get3A_406 = arith.index_cast %get3A_405 : i32 to index
      %get3A_407 = arith.index_cast %multiple_of3A : i32 to index
      %get3A_408 = tpu.vector_load %arg6[%get3A_406, %get3A_407] {strides = array<i32>} : memref<64x128xf32, #tpu.memory_space<vmem>>, vector<16xf32>,
      %max3A_409 = arith.maximumf %max3A_369, %get3A_408 : vector<16xf32>
      %get3A_410 = arith.constant 33 : i32
      %get3A_411 = arith.index_cast %get3A_410 : i32 to index
      %get3A_412 = arith.index_cast %multiple_of3A : i32 to index
      %get3A_413 = tpu.vector_load %arg5[%get3A_411, %get3A_412] {strides = array<i32>} : memref<64x128xf32, #tpu.memory_space<vmem>>, vector<16xf32>,
      %max3A_414 = arith.maximumf %max3A_374, %get3A_413 : vector<16xf32>
      %get3A_415 = arith.constant 33 : i32
      %get3A_416 = arith.index_cast %get3A_415 : i32 to index
      %get3A_417 = arith.index_cast %multiple_of3A : i32 to index
      %get3A_418 = tpu.vector_load %arg6[%get3A_416, %get3A_417] {strides = array<i32>} : memref<64x128xf32, #tpu.memory_space<vmem>>, vector<16xf32>,
      %max3A_419 = arith.maximumf %max3A_379, %get3A_418 : vector<16xf32>
      %get3A_420 = arith.constant 34 : i32
      %get3A_421 = arith.index_cast %get3A_420 : i32 to index
      %get3A_422 = arith.index_cast %multiple_of3A : i32 to index
      %get3A_423 = tpu.vector_load %arg5[%get3A_421, %get3A_422] {strides = array<i32>} : memref<64x128xf32, #tpu.memory_space<vmem>>, vector<16xf32>,
      %max3A_424 = arith.maximumf %max3A_384, %get3A_423 : vector<16xf32>
      %get3A_425 = arith.constant 34 : i32
      %get3A_426 = arith.index_cast %get3A_425 : i32 to index
      %get3A_427 = arith.index_cast %multiple_of3A : i32 to index
      %get3A_428 = tpu.vector_load %arg6[%get3A_426, %get3A_427] {strides = array<i32>} : memref<64x128xf32, #tpu.memory_space<vmem>>, vector<16xf32>,
      %max3A_429 = arith.maximumf %max3A_389, %get3A_428 : vector<16xf32>
      %get3A_430 = arith.constant 35 : i32
      %get3A_431 = arith.index_cast %get3A_430 : i32 to index
      %get3A_432 = arith.index_cast %multiple_of3A : i32 to index
      %get3A_433 = tpu.vector_load %arg5[%get3A_431, %get3A_432] {strides = array<i32>} : memref<64x128xf32, #tpu.memory_space<vmem>>, vector<16xf32>,
      %max3A_434 = arith.maximumf %max3A_394, %get3A_433 : vector<16xf32>
      %get3A_435 = arith.constant 35 : i32
      %get3A_436 = arith.index_cast %get3A_435 : i32 to index
      %get3A_437 = arith.index_cast %multiple_of3A : i32 to index
      %get3A_438 = tpu.vector_load %arg6[%get3A_436, %get3A_437] {strides = array<i32>} : memref<64x128xf32, #tpu.memory_space<vmem>>, vector<16xf32>,
      %max3A_439 = arith.maximumf %max3A_399, %get3A_438 : vector<16xf32>
      %get3A_440 = arith.constant 36 : i32
      %get3A_441 = arith.index_cast %get3A_440 : i32 to index
      %get3A_442 = arith.index_cast %multiple_of3A : i32 to index
      %get3A_443 = tpu.vector_load %arg5[%get3A_441, %get3A_442] {strides = array<i32>} : memref<64x128xf32, #tpu.memory_space<vmem>>, vector<16xf32>,
      %max3A_444 = arith.maximumf %max3A_404, %get3A_443 : vector<16xf32>
      %get3A_445 = arith.constant 36 : i32
      %get3A_446 = arith.index_cast %get3A_445 : i32 to index
      %get3A_447 = arith.index_cast %multiple_of3A : i32 to index
      %get3A_448 = tpu.vector_load %arg6[%get3A_446, %get3A_447] {strides = array<i32>} : memref<64x128xf32, #tpu.memory_space<vmem>>, vector<16xf32>,
      %max3A_449 = arith.maximumf %max3A_409, %get3A_448 : vector<16xf32>
      %get3A_450 = arith.constant 37 : i32
      %get3A_451 = arith.index_cast %get3A_450 : i32 to index
      %get3A_452 = arith.index_cast %multiple_of3A : i32 to index
      %get3A_453 = tpu.vector_load %arg5[%get3A_451, %get3A_452] {strides = array<i32>} : memref<64x128xf32, #tpu.memory_space<vmem>>, vector<16xf32>,
      %max3A_454 = arith.maximumf %max3A_414, %get3A_453 : vector<16xf32>
      %get3A_455 = arith.constant 37 : i32
      %get3A_456 = arith.index_cast %get3A_455 : i32 to index
      %get3A_457 = arith.index_cast %multiple_of3A : i32 to index
      %get3A_458 = tpu.vector_load %arg6[%get3A_456, %get3A_457] {strides = array<i32>} : memref<64x128xf32, #tpu.memory_space<vmem>>, vector<16xf32>,
      %max3A_459 = arith.maximumf %max3A_419, %get3A_458 : vector<16xf32>
      %get3A_460 = arith.constant 38 : i32
      %get3A_461 = arith.index_cast %get3A_460 : i32 to index
      %get3A_462 = arith.index_cast %multiple_of3A : i32 to index
      %get3A_463 = tpu.vector_load %arg5[%get3A_461, %get3A_462] {strides = array<i32>} : memref<64x128xf32, #tpu.memory_space<vmem>>, vector<16xf32>,
      %max3A_464 = arith.maximumf %max3A_424, %get3A_463 : vector<16xf32>
      %get3A_465 = arith.constant 38 : i32
      %get3A_466 = arith.index_cast %get3A_465 : i32 to index
      %get3A_467 = arith.index_cast %multiple_of3A : i32 to index
      %get3A_468 = tpu.vector_load %arg6[%get3A_466, %get3A_467] {strides = array<i32>} : memref<64x128xf32, #tpu.memory_space<vmem>>, vector<16xf32>,
      %max3A_469 = arith.maximumf %max3A_429, %get3A_468 : vector<16xf32>
      %get3A_470 = arith.constant 39 : i32
      %get3A_471 = arith.index_cast %get3A_470 : i32 to index
      %get3A_472 = arith.index_cast %multiple_of3A : i32 to index
      %get3A_473 = tpu.vector_load %arg5[%get3A_471, %get3A_472] {strides = array<i32>} : memref<64x128xf32, #tpu.memory_space<vmem>>, vector<16xf32>,
      %max3A_474 = arith.maximumf %max3A_434, %get3A_473 : vector<16xf32>
      %get3A_475 = arith.constant 39 : i32
      %get3A_476 = arith.index_cast %get3A_475 : i32 to index
      %get3A_477 = arith.index_cast %multiple_of3A : i32 to index
      %get3A_478 = tpu.vector_load %arg6[%get3A_476, %get3A_477] {strides = array<i32>} : memref<64x128xf32, #tpu.memory_space<vmem>>, vector<16xf32>,
      %max3A_479 = arith.maximumf %max3A_439, %get3A_478 : vector<16xf32>
      %get3A_480 = arith.constant 40 : i32
      %get3A_481 = arith.index_cast %get3A_480 : i32 to index
      %get3A_482 = arith.index_cast %multiple_of3A : i32 to index
      %get3A_483 = tpu.vector_load %arg5[%get3A_481, %get3A_482] {strides = array<i32>} : memref<64x128xf32, #tpu.memory_space<vmem>>, vector<16xf32>,
      %max3A_484 = arith.maximumf %max3A_444, %get3A_483 : vector<16xf32>
      %get3A_485 = arith.constant 40 : i32
      %get3A_486 = arith.index_cast %get3A_485 : i32 to index
      %get3A_487 = arith.index_cast %multiple_of3A : i32 to index
      %get3A_488 = tpu.vector_load %arg6[%get3A_486, %get3A_487] {strides = array<i32>} : memref<64x128xf32, #tpu.memory_space<vmem>>, vector<16xf32>,
      %max3A_489 = arith.maximumf %max3A_449, %get3A_488 : vector<16xf32>
      %get3A_490 = arith.constant 41 : i32
      %get3A_491 = arith.index_cast %get3A_490 : i32 to index
      %get3A_492 = arith.index_cast %multiple_of3A : i32 to index
      %get3A_493 = tpu.vector_load %arg5[%get3A_491, %get3A_492] {strides = array<i32>} : memref<64x128xf32, #tpu.memory_space<vmem>>, vector<16xf32>,
      %max3A_494 = arith.maximumf %max3A_454, %get3A_493 : vector<16xf32>
      %get3A_495 = arith.constant 41 : i32
      %get3A_496 = arith.index_cast %get3A_495 : i32 to index
      %get3A_497 = arith.index_cast %multiple_of3A : i32 to index
      %get3A_498 = tpu.vector_load %arg6[%get3A_496, %get3A_497] {strides = array<i32>} : memref<64x128xf32, #tpu.memory_space<vmem>>, vector<16xf32>,
      %max3A_499 = arith.maximumf %max3A_459, %get3A_498 : vector<16xf32>
      %get3A_500 = arith.constant 42 : i32
      %get3A_501 = arith.index_cast %get3A_500 : i32 to index
      %get3A_502 = arith.index_cast %multiple_of3A : i32 to index
      %get3A_503 = tpu.vector_load %arg5[%get3A_501, %get3A_502] {strides = array<i32>} : memref<64x128xf32, #tpu.memory_space<vmem>>, vector<16xf32>,
      %max3A_504 = arith.maximumf %max3A_464, %get3A_503 : vector<16xf32>
      %get3A_505 = arith.constant 42 : i32
      %get3A_506 = arith.index_cast %get3A_505 : i32 to index
      %get3A_507 = arith.index_cast %multiple_of3A : i32 to index
      %get3A_508 = tpu.vector_load %arg6[%get3A_506, %get3A_507] {strides = array<i32>} : memref<64x128xf32, #tpu.memory_space<vmem>>, vector<16xf32>,
      %max3A_509 = arith.maximumf %max3A_469, %get3A_508 : vector<16xf32>
      %get3A_510 = arith.constant 43 : i32
      %get3A_511 = arith.index_cast %get3A_510 : i32 to index
      %get3A_512 = arith.index_cast %multiple_of3A : i32 to index
      %get3A_513 = tpu.vector_load %arg5[%get3A_511, %get3A_512] {strides = array<i32>} : memref<64x128xf32, #tpu.memory_space<vmem>>, vector<16xf32>,
      %max3A_514 = arith.maximumf %max3A_474, %get3A_513 : vector<16xf32>
      %get3A_515 = arith.constant 43 : i32
      %get3A_516 = arith.index_cast %get3A_515 : i32 to index
      %get3A_517 = arith.index_cast %multiple_of3A : i32 to index
      %get3A_518 = tpu.vector_load %arg6[%get3A_516, %get3A_517] {strides = array<i32>} : memref<64x128xf32, #tpu.memory_space<vmem>>, vector<16xf32>,
      %max3A_519 = arith.maximumf %max3A_479, %get3A_518 : vector<16xf32>
      %get3A_520 = arith.constant 44 : i32
      %get3A_521 = arith.index_cast %get3A_520 : i32 to index
      %get3A_522 = arith.index_cast %multiple_of3A : i32 to index
      %get3A_523 = tpu.vector_load %arg5[%get3A_521, %get3A_522] {strides = array<i32>} : memref<64x128xf32, #tpu.memory_space<vmem>>, vector<16xf32>,
      %max3A_524 = arith.maximumf %max3A_484, %get3A_523 : vector<16xf32>
      %get3A_525 = arith.constant 44 : i32
      %get3A_526 = arith.index_cast %get3A_525 : i32 to index
      %get3A_527 = arith.index_cast %multiple_of3A : i32 to index
      %get3A_528 = tpu.vector_load %arg6[%get3A_526, %get3A_527] {strides = array<i32>} : memref<64x128xf32, #tpu.memory_space<vmem>>, vector<16xf32>,
      %max3A_529 = arith.maximumf %max3A_489, %get3A_528 : vector<16xf32>
      %get3A_530 = arith.constant 45 : i32
      %get3A_531 = arith.index_cast %get3A_530 : i32 to index
      %get3A_532 = arith.index_cast %multiple_of3A : i32 to index
      %get3A_533 = tpu.vector_load %arg5[%get3A_531, %get3A_532] {strides = array<i32>} : memref<64x128xf32, #tpu.memory_space<vmem>>, vector<16xf32>,
      %max3A_534 = arith.maximumf %max3A_494, %get3A_533 : vector<16xf32>
      %get3A_535 = arith.constant 45 : i32
      %get3A_536 = arith.index_cast %get3A_535 : i32 to index
      %get3A_537 = arith.index_cast %multiple_of3A : i32 to index
      %get3A_538 = tpu.vector_load %arg6[%get3A_536, %get3A_537] {strides = array<i32>} : memref<64x128xf32, #tpu.memory_space<vmem>>, vector<16xf32>,
      %max3A_539 = arith.maximumf %max3A_499, %get3A_538 : vector<16xf32>
      %get3A_540 = arith.constant 46 : i32
      %get3A_541 = arith.index_cast %get3A_540 : i32 to index
      %get3A_542 = arith.index_cast %multiple_of3A : i32 to index
      %get3A_543 = tpu.vector_load %arg5[%get3A_541, %get3A_542] {strides = array<i32>} : memref<64x128xf32, #tpu.memory_space<vmem>>, vector<16xf32>,
      %max3A_544 = arith.maximumf %max3A_504, %get3A_543 : vector<16xf32>
      %get3A_545 = arith.constant 46 : i32
      %get3A_546 = arith.index_cast %get3A_545 : i32 to index
      %get3A_547 = arith.index_cast %multiple_of3A : i32 to index
      %get3A_548 = tpu.vector_load %arg6[%get3A_546, %get3A_547] {strides = array<i32>} : memref<64x128xf32, #tpu.memory_space<vmem>>, vector<16xf32>,
      %max3A_549 = arith.maximumf %max3A_509, %get3A_548 : vector<16xf32>
      %get3A_550 = arith.constant 47 : i32
      %get3A_551 = arith.index_cast %get3A_550 : i32 to index
      %get3A_552 = arith.index_cast %multiple_of3A : i32 to index
      %get3A_553 = tpu.vector_load %arg5[%get3A_551, %get3A_552] {strides = array<i32>} : memref<64x128xf32, #tpu.memory_space<vmem>>, vector<16xf32>,
      %max3A_554 = arith.maximumf %max3A_514, %get3A_553 : vector<16xf32>
      %get3A_555 = arith.constant 47 : i32
      %get3A_556 = arith.index_cast %get3A_555 : i32 to index
      %get3A_557 = arith.index_cast %multiple_of3A : i32 to index
      %get3A_558 = tpu.vector_load %arg6[%get3A_556, %get3A_557] {strides = array<i32>} : memref<64x128xf32, #tpu.memory_space<vmem>>, vector<16xf32>,
      %max3A_559 = arith.maximumf %max3A_519, %get3A_558 : vector<16xf32>
      %get3A_560 = arith.constant 48 : i32
      %get3A_561 = arith.index_cast %get3A_560 : i32 to index
      %get3A_562 = arith.index_cast %multiple_of3A : i32 to index
      %get3A_563 = tpu.vector_load %arg5[%get3A_561, %get3A_562] {strides = array<i32>} : memref<64x128xf32, #tpu.memory_space<vmem>>, vector<16xf32>,
      %max3A_564 = arith.maximumf %max3A_524, %get3A_563 : vector<16xf32>
      %get3A_565 = arith.constant 48 : i32
      %get3A_566 = arith.index_cast %get3A_565 : i32 to index
      %get3A_567 = arith.index_cast %multiple_of3A : i32 to index
      %get3A_568 = tpu.vector_load %arg6[%get3A_566, %get3A_567] {strides = array<i32>} : memref<64x128xf32, #tpu.memory_space<vmem>>, vector<16xf32>,
      %max3A_569 = arith.maximumf %max3A_529, %get3A_568 : vector<16xf32>
      %get3A_570 = arith.constant 49 : i32
      %get3A_571 = arith.index_cast %get3A_570 : i32 to index
      %get3A_572 = arith.index_cast %multiple_of3A : i32 to index
      %get3A_573 = tpu.vector_load %arg5[%get3A_571, %get3A_572] {strides = array<i32>} : memref<64x128xf32, #tpu.memory_space<vmem>>, vector<16xf32>,
      %max3A_574 = arith.maximumf %max3A_534, %get3A_573 : vector<16xf32>
      %get3A_575 = arith.constant 49 : i32
      %get3A_576 = arith.index_cast %get3A_575 : i32 to index
      %get3A_577 = arith.index_cast %multiple_of3A : i32 to index
      %get3A_578 = tpu.vector_load %arg6[%get3A_576, %get3A_577] {strides = array<i32>} : memref<64x128xf32, #tpu.memory_space<vmem>>, vector<16xf32>,
      %max3A_579 = arith.maximumf %max3A_539, %get3A_578 : vector<16xf32>
      %get3A_580 = arith.constant 50 : i32
      %get3A_581 = arith.index_cast %get3A_580 : i32 to index
      %get3A_582 = arith.index_cast %multiple_of3A : i32 to index
      %get3A_583 = tpu.vector_load %arg5[%get3A_581, %get3A_582] {strides = array<i32>} : memref<64x128xf32, #tpu.memory_space<vmem>>, vector<16xf32>,
      %max3A_584 = arith.maximumf %max3A_544, %get3A_583 : vector<16xf32>
      %get3A_585 = arith.constant 50 : i32
      %get3A_586 = arith.index_cast %get3A_585 : i32 to index
      %get3A_587 = arith.index_cast %multiple_of3A : i32 to index
      %get3A_588 = tpu.vector_load %arg6[%get3A_586, %get3A_587] {strides = array<i32>} : memref<64x128xf32, #tpu.memory_space<vmem>>, vector<16xf32>,
      %max3A_589 = arith.maximumf %max3A_549, %get3A_588 : vector<16xf32>
      %get3A_590 = arith.constant 51 : i32
      %get3A_591 = arith.index_cast %get3A_590 : i32 to index
      %get3A_592 = arith.index_cast %multiple_of3A : i32 to index
      %get3A_593 = tpu.vector_load %arg5[%get3A_591, %get3A_592] {strides = array<i32>} : memref<64x128xf32, #tpu.memory_space<vmem>>, vector<16xf32>,
      %max3A_594 = arith.maximumf %max3A_554, %get3A_593 : vector<16xf32>
      %get3A_595 = arith.constant 51 : i32
      %get3A_596 = arith.index_cast %get3A_595 : i32 to index
      %get3A_597 = arith.index_cast %multiple_of3A : i32 to index
      %get3A_598 = tpu.vector_load %arg6[%get3A_596, %get3A_597] {strides = array<i32>} : memref<64x128xf32, #tpu.memory_space<vmem>>, vector<16xf32>,
      %max3A_599 = arith.maximumf %max3A_559, %get3A_598 : vector<16xf32>
      %get3A_600 = arith.constant 52 : i32
      %get3A_601 = arith.index_cast %get3A_600 : i32 to index
      %get3A_602 = arith.index_cast %multiple_of3A : i32 to index
      %get3A_603 = tpu.vector_load %arg5[%get3A_601, %get3A_602] {strides = array<i32>} : memref<64x128xf32, #tpu.memory_space<vmem>>, vector<16xf32>,
      %max3A_604 = arith.maximumf %max3A_564, %get3A_603 : vector<16xf32>
      %get3A_605 = arith.constant 52 : i32
      %get3A_606 = arith.index_cast %get3A_605 : i32 to index
      %get3A_607 = arith.index_cast %multiple_of3A : i32 to index
      %get3A_608 = tpu.vector_load %arg6[%get3A_606, %get3A_607] {strides = array<i32>} : memref<64x128xf32, #tpu.memory_space<vmem>>, vector<16xf32>,
      %max3A_609 = arith.maximumf %max3A_569, %get3A_608 : vector<16xf32>
      %get3A_610 = arith.constant 53 : i32
      %get3A_611 = arith.index_cast %get3A_610 : i32 to index
      %get3A_612 = arith.index_cast %multiple_of3A : i32 to index
      %get3A_613 = tpu.vector_load %arg5[%get3A_611, %get3A_612] {strides = array<i32>} : memref<64x128xf32, #tpu.memory_space<vmem>>, vector<16xf32>,
      %max3A_614 = arith.maximumf %max3A_574, %get3A_613 : vector<16xf32>
      %get3A_615 = arith.constant 53 : i32
      %get3A_616 = arith.index_cast %get3A_615 : i32 to index
      %get3A_617 = arith.index_cast %multiple_of3A : i32 to index
      %get3A_618 = tpu.vector_load %arg6[%get3A_616, %get3A_617] {strides = array<i32>} : memref<64x128xf32, #tpu.memory_space<vmem>>, vector<16xf32>,
      %max3A_619 = arith.maximumf %max3A_579, %get3A_618 : vector<16xf32>
      %get3A_620 = arith.constant 54 : i32
      %get3A_621 = arith.index_cast %get3A_620 : i32 to index
      %get3A_622 = arith.index_cast %multiple_of3A : i32 to index
      %get3A_623 = tpu.vector_load %arg5[%get3A_621, %get3A_622] {strides = array<i32>} : memref<64x128xf32, #tpu.memory_space<vmem>>, vector<16xf32>,
      %max3A_624 = arith.maximumf %max3A_584, %get3A_623 : vector<16xf32>
      %get3A_625 = arith.constant 54 : i32
      %get3A_626 = arith.index_cast %get3A_625 : i32 to index
      %get3A_627 = arith.index_cast %multiple_of3A : i32 to index
      %get3A_628 = tpu.vector_load %arg6[%get3A_626, %get3A_627] {strides = array<i32>} : memref<64x128xf32, #tpu.memory_space<vmem>>, vector<16xf32>,
      %max3A_629 = arith.maximumf %max3A_589, %get3A_628 : vector<16xf32>
      %get3A_630 = arith.constant 55 : i32
      %get3A_631 = arith.index_cast %get3A_630 : i32 to index
      %get3A_632 = arith.index_cast %multiple_of3A : i32 to index
      %get3A_633 = tpu.vector_load %arg5[%get3A_631, %get3A_632] {strides = array<i32>} : memref<64x128xf32, #tpu.memory_space<vmem>>, vector<16xf32>,
      %max3A_634 = arith.maximumf %max3A_594, %get3A_633 : vector<16xf32>
      %get3A_635 = arith.constant 55 : i32
      %get3A_636 = arith.index_cast %get3A_635 : i32 to index
      %get3A_637 = arith.index_cast %multiple_of3A : i32 to index
      %get3A_638 = tpu.vector_load %arg6[%get3A_636, %get3A_637] {strides = array<i32>} : memref<64x128xf32, #tpu.memory_space<vmem>>, vector<16xf32>,
      %max3A_639 = arith.maximumf %max3A_599, %get3A_638 : vector<16xf32>
      %get3A_640 = arith.constant 56 : i32
      %get3A_641 = arith.index_cast %get3A_640 : i32 to index
      %get3A_642 = arith.index_cast %multiple_of3A : i32 to index
      %get3A_643 = tpu.vector_load %arg5[%get3A_641, %get3A_642] {strides = array<i32>} : memref<64x128xf32, #tpu.memory_space<vmem>>, vector<16xf32>,
      %max3A_644 = arith.maximumf %max3A_604, %get3A_643 : vector<16xf32>
      %get3A_645 = arith.constant 56 : i32
      %get3A_646 = arith.index_cast %get3A_645 : i32 to index
      %get3A_647 = arith.index_cast %multiple_of3A : i32 to index
      %get3A_648 = tpu.vector_load %arg6[%get3A_646, %get3A_647] {strides = array<i32>} : memref<64x128xf32, #tpu.memory_space<vmem>>, vector<16xf32>,
      %max3A_649 = arith.maximumf %max3A_609, %get3A_648 : vector<16xf32>
      %get3A_650 = arith.constant 57 : i32
      %get3A_651 = arith.index_cast %get3A_650 : i32 to index
      %get3A_652 = arith.index_cast %multiple_of3A : i32 to index
      %get3A_653 = tpu.vector_load %arg5[%get3A_651, %get3A_652] {strides = array<i32>} : memref<64x128xf32, #tpu.memory_space<vmem>>, vector<16xf32>,
      %max3A_654 = arith.maximumf %max3A_614, %get3A_653 : vector<16xf32>
      %get3A_655 = arith.constant 57 : i32
      %get3A_656 = arith.index_cast %get3A_655 : i32 to index
      %get3A_657 = arith.index_cast %multiple_of3A : i32 to index
      %get3A_658 = tpu.vector_load %arg6[%get3A_656, %get3A_657] {strides = array<i32>} : memref<64x128xf32, #tpu.memory_space<vmem>>, vector<16xf32>,
      %max3A_659 = arith.maximumf %max3A_619, %get3A_658 : vector<16xf32>
      %get3A_660 = arith.constant 58 : i32
      %get3A_661 = arith.index_cast %get3A_660 : i32 to index
      %get3A_662 = arith.index_cast %multiple_of3A : i32 to index
      %get3A_663 = tpu.vector_load %arg5[%get3A_661, %get3A_662] {strides = array<i32>} : memref<64x128xf32, #tpu.memory_space<vmem>>, vector<16xf32>,
      %max3A_664 = arith.maximumf %max3A_624, %get3A_663 : vector<16xf32>
      %get3A_665 = arith.constant 58 : i32
      %get3A_666 = arith.index_cast %get3A_665 : i32 to index
      %get3A_667 = arith.index_cast %multiple_of3A : i32 to index
      %get3A_668 = tpu.vector_load %arg6[%get3A_666, %get3A_667] {strides = array<i32>} : memref<64x128xf32, #tpu.memory_space<vmem>>, vector<16xf32>,
      %max3A_669 = arith.maximumf %max3A_629, %get3A_668 : vector<16xf32>
      %get3A_670 = arith.constant 59 : i32
      %get3A_671 = arith.index_cast %get3A_670 : i32 to index
      %get3A_672 = arith.index_cast %multiple_of3A : i32 to index
      %get3A_673 = tpu.vector_load %arg5[%get3A_671, %get3A_672] {strides = array<i32>} : memref<64x128xf32, #tpu.memory_space<vmem>>, vector<16xf32>,
      %max3A_674 = arith.maximumf %max3A_634, %get3A_673 : vector<16xf32>
      %get3A_675 = arith.constant 59 : i32
      %get3A_676 = arith.index_cast %get3A_675 : i32 to index
      %get3A_677 = arith.index_cast %multiple_of3A : i32 to index
      %get3A_678 = tpu.vector_load %arg6[%get3A_676, %get3A_677] {strides = array<i32>} : memref<64x128xf32, #tpu.memory_space<vmem>>, vector<16xf32>,
      %max3A_679 = arith.maximumf %max3A_639, %get3A_678 : vector<16xf32>
      %get3A_680 = arith.constant 60 : i32
      %get3A_681 = arith.index_cast %get3A_680 : i32 to index
      %get3A_682 = arith.index_cast %multiple_of3A : i32 to index
      %get3A_683 = tpu.vector_load %arg5[%get3A_681, %get3A_682] {strides = array<i32>} : memref<64x128xf32, #tpu.memory_space<vmem>>, vector<16xf32>,
      %max3A_684 = arith.maximumf %max3A_644, %get3A_683 : vector<16xf32>
      %get3A_685 = arith.constant 60 : i32
      %get3A_686 = arith.index_cast %get3A_685 : i32 to index
      %get3A_687 = arith.index_cast %multiple_of3A : i32 to index
      %get3A_688 = tpu.vector_load %arg6[%get3A_686, %get3A_687] {strides = array<i32>} : memref<64x128xf32, #tpu.memory_space<vmem>>, vector<16xf32>,
      %max3A_689 = arith.maximumf %max3A_649, %get3A_688 : vector<16xf32>
      %get3A_690 = arith.constant 61 : i32
      %get3A_691 = arith.index_cast %get3A_690 : i32 to index
      %get3A_692 = arith.index_cast %multiple_of3A : i32 to index
      %get3A_693 = tpu.vector_load %arg5[%get3A_691, %get3A_692] {strides = array<i32>} : memref<64x128xf32, #tpu.memory_space<vmem>>, vector<16xf32>,
      %max3A_694 = arith.maximumf %max3A_654, %get3A_693 : vector<16xf32>
      %get3A_695 = arith.constant 61 : i32
      %get3A_696 = arith.index_cast %get3A_695 : i32 to index
      %get3A_697 = arith.index_cast %multiple_of3A : i32 to index
      %get3A_698 = tpu.vector_load %arg6[%get3A_696, %get3A_697] {strides = array<i32>} : memref<64x128xf32, #tpu.memory_space<vmem>>, vector<16xf32>,
      %max3A_699 = arith.maximumf %max3A_659, %get3A_698 : vector<16xf32>
      %get3A_700 = arith.constant 62 : i32
      %get3A_701 = arith.index_cast %get3A_700 : i32 to index
      %get3A_702 = arith.index_cast %multiple_of3A : i32 to index
      %get3A_703 = tpu.vector_load %arg5[%get3A_701, %get3A_702] {strides = array<i32>} : memref<64x128xf32, #tpu.memory_space<vmem>>, vector<16xf32>,
      %max3A_704 = arith.maximumf %max3A_664, %get3A_703 : vector<16xf32>
      %get3A_705 = arith.constant 62 : i32
      %get3A_706 = arith.index_cast %get3A_705 : i32 to index
      %get3A_707 = arith.index_cast %multiple_of3A : i32 to index
      %get3A_708 = tpu.vector_load %arg6[%get3A_706, %get3A_707] {strides = array<i32>} : memref<64x128xf32, #tpu.memory_space<vmem>>, vector<16xf32>,
      %max3A_709 = arith.maximumf %max3A_669, %get3A_708 : vector<16xf32>
      %get3A_710 = arith.constant 63 : i32
      %get3A_711 = arith.index_cast %get3A_710 : i32 to index
      %get3A_712 = arith.index_cast %multiple_of3A : i32 to index
      %get3A_713 = tpu.vector_load %arg5[%get3A_711, %get3A_712] {strides = array<i32>} : memref<64x128xf32, #tpu.memory_space<vmem>>, vector<16xf32>,
      %max3A_714 = arith.maximumf %max3A_674, %get3A_713 : vector<16xf32>
      %get3A_715 = arith.constant 63 : i32
      %get3A_716 = arith.index_cast %get3A_715 : i32 to index
      %get3A_717 = arith.index_cast %multiple_of3A : i32 to index
      %get3A_718 = tpu.vector_load %arg6[%get3A_716, %get3A_717] {strides = array<i32>} : memref<64x128xf32, #tpu.memory_space<vmem>>, vector<16xf32>,
      %max3A_719 = arith.maximumf %max3A_679, %get3A_718 : vector<16xf32>
      %max3A_720 = arith.maximumf %max3A_684, %max3A_694 : vector<16xf32>
      %max3A_721 = arith.maximumf %max3A_704, %max3A_714 : vector<16xf32>
      %max3A_722 = arith.maximumf %max3A_720, %max3A_721 : vector<16xf32>
      %max3A_723 = arith.maximumf %max3A_689, %max3A_699 : vector<16xf32>
      %max3A_724 = arith.maximumf %max3A_709, %max3A_719 : vector<16xf32>
      %max3A_725 = arith.maximumf %max3A_723, %max3A_724 : vector<16xf32>
      %broadcast_in_dim3A_726 = arith.constant 0.000000e+00 : f32
      %broadcast_in_dim3A_727 = vector.broadcast %broadcast_in_dim3A_726 : f32 to vector<16xf32>
      %broadcast_in_dim3A_728 = arith.constant 0.000000e+00 : f32
      %broadcast_in_dim3A_729 = vector.broadcast %broadcast_in_dim3A_728 : f32 to vector<16xf32>
      %broadcast_in_dim3A_730 = arith.constant 0.000000e+00 : f32
      %broadcast_in_dim3A_731 = vector.broadcast %broadcast_in_dim3A_730 : f32 to vector<16xf32>
      %broadcast_in_dim3A_732 = arith.constant 0.000000e+00 : f32
      %broadcast_in_dim3A_733 = vector.broadcast %broadcast_in_dim3A_732 : f32 to vector<16xf32>
      %broadcast_in_dim3A_734 = arith.constant 0.000000e+00 : f32
      %broadcast_in_dim3A_735 = vector.broadcast %broadcast_in_dim3A_734 : f32 to vector<16xf32>
      %broadcast_in_dim3A_736 = arith.constant 0.000000e+00 : f32
      %broadcast_in_dim3A_737 = vector.broadcast %broadcast_in_dim3A_736 : f32 to vector<16xf32>
      %broadcast_in_dim3A_738 = arith.constant 0.000000e+00 : f32
      %broadcast_in_dim3A_739 = vector.broadcast %broadcast_in_dim3A_738 : f32 to vector<16xf32>
      %broadcast_in_dim3A_740 = arith.constant 0.000000e+00 : f32
      %broadcast_in_dim3A_741 = vector.broadcast %broadcast_in_dim3A_740 : f32 to vector<16xf32>
      %broadcast_in_dim3A_742 = arith.constant 0.000000e+00 : f32
      %broadcast_in_dim3A_743 = vector.broadcast %broadcast_in_dim3A_742 : f32 to vector<16xf32>
      %broadcast_in_dim3A_744 = arith.constant 0.000000e+00 : f32
      %broadcast_in_dim3A_745 = vector.broadcast %broadcast_in_dim3A_744 : f32 to vector<16xf32>
      %broadcast_in_dim3A_746 = arith.constant 0.000000e+00 : f32
      %broadcast_in_dim3A_747 = vector.broadcast %broadcast_in_dim3A_746 : f32 to vector<16xf32>
      %broadcast_in_dim3A_748 = arith.constant 0.000000e+00 : f32
      %broadcast_in_dim3A_749 = vector.broadcast %broadcast_in_dim3A_748 : f32 to vector<16xf32>
      %get3A_750 = arith.constant 0 : i32
      %get3A_751 = arith.index_cast %get3A_750 : i32 to index
      %get3A_752 = arith.index_cast %multiple_of3A : i32 to index
      %get3A_753 = tpu.vector_load %arg5[%get3A_751, %get3A_752] {strides = array<i32>} : memref<64x128xf32, #tpu.memory_space<vmem>>, vector<16xf32>,
      %get3A_754 = arith.constant 0 : i32
      %get3A_755 = arith.index_cast %get3A_754 : i32 to index
      %get3A_756 = arith.index_cast %multiple_of3A : i32 to index
      %get3A_757 = tpu.vector_load %arg6[%get3A_755, %get3A_756] {strides = array<i32>} : memref<64x128xf32, #tpu.memory_space<vmem>>, vector<16xf32>,
      %sub3A_758 = arith.subf %get3A_753, %max3A_722 : vector<16xf32>
      %exp3A = math.exp %sub3A_758 : vector<16xf32>
      %add3A_759 = arith.addf %broadcast_in_dim3A_727, %exp3A : vector<16xf32>
      %sub3A_760 = arith.subf %get3A_753, %get3A_757 : vector<16xf32>
      %mul3A_761 = arith.mulf %exp3A, %sub3A_760 : vector<16xf32>
      %add3A_762 = arith.addf %broadcast_in_dim3A_743, %mul3A_761 : vector<16xf32>
      %sub3A_763 = arith.subf %get3A_757, %max3A_725 : vector<16xf32>
      %exp3A_764 = math.exp %sub3A_763 : vector<16xf32>
      %add3A_765 = arith.addf %broadcast_in_dim3A_735, %exp3A_764 : vector<16xf32>
      %get3A_766 = arith.constant 1 : i32
      %get3A_767 = arith.index_cast %get3A_766 : i32 to index
      %get3A_768 = arith.index_cast %multiple_of3A : i32 to index
      %get3A_769 = tpu.vector_load %arg5[%get3A_767, %get3A_768] {strides = array<i32>} : memref<64x128xf32, #tpu.memory_space<vmem>>, vector<16xf32>,
      %get3A_770 = arith.constant 1 : i32
      %get3A_771 = arith.index_cast %get3A_770 : i32 to index
      %get3A_772 = arith.index_cast %multiple_of3A : i32 to index
      %get3A_773 = tpu.vector_load %arg6[%get3A_771, %get3A_772] {strides = array<i32>} : memref<64x128xf32, #tpu.memory_space<vmem>>, vector<16xf32>,
      %sub3A_774 = arith.subf %get3A_769, %max3A_722 : vector<16xf32>
      %exp3A_775 = math.exp %sub3A_774 : vector<16xf32>
      %add3A_776 = arith.addf %broadcast_in_dim3A_729, %exp3A_775 : vector<16xf32>
      %sub3A_777 = arith.subf %get3A_769, %get3A_773 : vector<16xf32>
      %mul3A_778 = arith.mulf %exp3A_775, %sub3A_777 : vector<16xf32>
      %add3A_779 = arith.addf %broadcast_in_dim3A_745, %mul3A_778 : vector<16xf32>
      %sub3A_780 = arith.subf %get3A_773, %max3A_725 : vector<16xf32>
      %exp3A_781 = math.exp %sub3A_780 : vector<16xf32>
      %add3A_782 = arith.addf %broadcast_in_dim3A_737, %exp3A_781 : vector<16xf32>
      %get3A_783 = arith.constant 2 : i32
      %get3A_784 = arith.index_cast %get3A_783 : i32 to index
      %get3A_785 = arith.index_cast %multiple_of3A : i32 to index
      %get3A_786 = tpu.vector_load %arg5[%get3A_784, %get3A_785] {strides = array<i32>} : memref<64x128xf32, #tpu.memory_space<vmem>>, vector<16xf32>,
      %get3A_787 = arith.constant 2 : i32
      %get3A_788 = arith.index_cast %get3A_787 : i32 to index
      %get3A_789 = arith.index_cast %multiple_of3A : i32 to index
      %get3A_790 = tpu.vector_load %arg6[%get3A_788, %get3A_789] {strides = array<i32>} : memref<64x128xf32, #tpu.memory_space<vmem>>, vector<16xf32>,
      %sub3A_791 = arith.subf %get3A_786, %max3A_722 : vector<16xf32>
      %exp3A_792 = math.exp %sub3A_791 : vector<16xf32>
      %add3A_793 = arith.addf %broadcast_in_dim3A_731, %exp3A_792 : vector<16xf32>
      %sub3A_794 = arith.subf %get3A_786, %get3A_790 : vector<16xf32>
      %mul3A_795 = arith.mulf %exp3A_792, %sub3A_794 : vector<16xf32>
      %add3A_796 = arith.addf %broadcast_in_dim3A_747, %mul3A_795 : vector<16xf32>
      %sub3A_797 = arith.subf %get3A_790, %max3A_725 : vector<16xf32>
      %exp3A_798 = math.exp %sub3A_797 : vector<16xf32>
      %add3A_799 = arith.addf %broadcast_in_dim3A_739, %exp3A_798 : vector<16xf32>
      %get3A_800 = arith.constant 3 : i32
      %get3A_801 = arith.index_cast %get3A_800 : i32 to index
      %get3A_802 = arith.index_cast %multiple_of3A : i32 to index
      %get3A_803 = tpu.vector_load %arg5[%get3A_801, %get3A_802] {strides = array<i32>} : memref<64x128xf32, #tpu.memory_space<vmem>>, vector<16xf32>,
      %get3A_804 = arith.constant 3 : i32
      %get3A_805 = arith.index_cast %get3A_804 : i32 to index
      %get3A_806 = arith.index_cast %multiple_of3A : i32 to index
      %get3A_807 = tpu.vector_load %arg6[%get3A_805, %get3A_806] {strides = array<i32>} : memref<64x128xf32, #tpu.memory_space<vmem>>, vector<16xf32>,
      %sub3A_808 = arith.subf %get3A_803, %max3A_722 : vector<16xf32>
      %exp3A_809 = math.exp %sub3A_808 : vector<16xf32>
      %add3A_810 = arith.addf %broadcast_in_dim3A_733, %exp3A_809 : vector<16xf32>
      %sub3A_811 = arith.subf %get3A_803, %get3A_807 : vector<16xf32>
      %mul3A_812 = arith.mulf %exp3A_809, %sub3A_811 : vector<16xf32>
      %add3A_813 = arith.addf %broadcast_in_dim3A_749, %mul3A_812 : vector<16xf32>
      %sub3A_814 = arith.subf %get3A_807, %max3A_725 : vector<16xf32>
      %exp3A_815 = math.exp %sub3A_814 : vector<16xf32>
      %add3A_816 = arith.addf %broadcast_in_dim3A_741, %exp3A_815 : vector<16xf32>
      %get3A_817 = arith.constant 4 : i32
      %get3A_818 = arith.index_cast %get3A_817 : i32 to index
      %get3A_819 = arith.index_cast %multiple_of3A : i32 to index
      %get3A_820 = tpu.vector_load %arg5[%get3A_818, %get3A_819] {strides = array<i32>} : memref<64x128xf32, #tpu.memory_space<vmem>>, vector<16xf32>,
      %get3A_821 = arith.constant 4 : i32
      %get3A_822 = arith.index_cast %get3A_821 : i32 to index
      %get3A_823 = arith.index_cast %multiple_of3A : i32 to index
      %get3A_824 = tpu.vector_load %arg6[%get3A_822, %get3A_823] {strides = array<i32>} : memref<64x128xf32, #tpu.memory_space<vmem>>, vector<16xf32>,
      %sub3A_825 = arith.subf %get3A_820, %max3A_722 : vector<16xf32>
      %exp3A_826 = math.exp %sub3A_825 : vector<16xf32>
      %add3A_827 = arith.addf %add3A_759, %exp3A_826 : vector<16xf32>
      %sub3A_828 = arith.subf %get3A_820, %get3A_824 : vector<16xf32>
      %mul3A_829 = arith.mulf %exp3A_826, %sub3A_828 : vector<16xf32>
      %add3A_830 = arith.addf %add3A_762, %mul3A_829 : vector<16xf32>
      %sub3A_831 = arith.subf %get3A_824, %max3A_725 : vector<16xf32>
      %exp3A_832 = math.exp %sub3A_831 : vector<16xf32>
      %add3A_833 = arith.addf %add3A_765, %exp3A_832 : vector<16xf32>
      %get3A_834 = arith.constant 5 : i32
      %get3A_835 = arith.index_cast %get3A_834 : i32 to index
      %get3A_836 = arith.index_cast %multiple_of3A : i32 to index
      %get3A_837 = tpu.vector_load %arg5[%get3A_835, %get3A_836] {strides = array<i32>} : memref<64x128xf32, #tpu.memory_space<vmem>>, vector<16xf32>,
      %get3A_838 = arith.constant 5 : i32
      %get3A_839 = arith.index_cast %get3A_838 : i32 to index
      %get3A_840 = arith.index_cast %multiple_of3A : i32 to index
      %get3A_841 = tpu.vector_load %arg6[%get3A_839, %get3A_840] {strides = array<i32>} : memref<64x128xf32, #tpu.memory_space<vmem>>, vector<16xf32>,
      %sub3A_842 = arith.subf %get3A_837, %max3A_722 : vector<16xf32>
      %exp3A_843 = math.exp %sub3A_842 : vector<16xf32>
      %add3A_844 = arith.addf %add3A_776, %exp3A_843 : vector<16xf32>
      %sub3A_845 = arith.subf %get3A_837, %get3A_841 : vector<16xf32>
      %mul3A_846 = arith.mulf %exp3A_843, %sub3A_845 : vector<16xf32>
      %add3A_847 = arith.addf %add3A_779, %mul3A_846 : vector<16xf32>
      %sub3A_848 = arith.subf %get3A_841, %max3A_725 : vector<16xf32>
      %exp3A_849 = math.exp %sub3A_848 : vector<16xf32>
      %add3A_850 = arith.addf %add3A_782, %exp3A_849 : vector<16xf32>
      %get3A_851 = arith.constant 6 : i32
      %get3A_852 = arith.index_cast %get3A_851 : i32 to index
      %get3A_853 = arith.index_cast %multiple_of3A : i32 to index
      %get3A_854 = tpu.vector_load %arg5[%get3A_852, %get3A_853] {strides = array<i32>} : memref<64x128xf32, #tpu.memory_space<vmem>>, vector<16xf32>,
      %get3A_855 = arith.constant 6 : i32
      %get3A_856 = arith.index_cast %get3A_855 : i32 to index
      %get3A_857 = arith.index_cast %multiple_of3A : i32 to index
      %get3A_858 = tpu.vector_load %arg6[%get3A_856, %get3A_857] {strides = array<i32>} : memref<64x128xf32, #tpu.memory_space<vmem>>, vector<16xf32>,
      %sub3A_859 = arith.subf %get3A_854, %max3A_722 : vector<16xf32>
      %exp3A_860 = math.exp %sub3A_859 : vector<16xf32>
      %add3A_861 = arith.addf %add3A_793, %exp3A_860 : vector<16xf32>
      %sub3A_862 = arith.subf %get3A_854, %get3A_858 : vector<16xf32>
      %mul3A_863 = arith.mulf %exp3A_860, %sub3A_862 : vector<16xf32>
      %add3A_864 = arith.addf %add3A_796, %mul3A_863 : vector<16xf32>
      %sub3A_865 = arith.subf %get3A_858, %max3A_725 : vector<16xf32>
      %exp3A_866 = math.exp %sub3A_865 : vector<16xf32>
      %add3A_867 = arith.addf %add3A_799, %exp3A_866 : vector<16xf32>
      %get3A_868 = arith.constant 7 : i32
      %get3A_869 = arith.index_cast %get3A_868 : i32 to index
      %get3A_870 = arith.index_cast %multiple_of3A : i32 to index
      %get3A_871 = tpu.vector_load %arg5[%get3A_869, %get3A_870] {strides = array<i32>} : memref<64x128xf32, #tpu.memory_space<vmem>>, vector<16xf32>,
      %get3A_872 = arith.constant 7 : i32
      %get3A_873 = arith.index_cast %get3A_872 : i32 to index
      %get3A_874 = arith.index_cast %multiple_of3A : i32 to index
      %get3A_875 = tpu.vector_load %arg6[%get3A_873, %get3A_874] {strides = array<i32>} : memref<64x128xf32, #tpu.memory_space<vmem>>, vector<16xf32>,
      %sub3A_876 = arith.subf %get3A_871, %max3A_722 : vector<16xf32>
      %exp3A_877 = math.exp %sub3A_876 : vector<16xf32>
      %add3A_878 = arith.addf %add3A_810, %exp3A_877 : vector<16xf32>
      %sub3A_879 = arith.subf %get3A_871, %get3A_875 : vector<16xf32>
      %mul3A_880 = arith.mulf %exp3A_877, %sub3A_879 : vector<16xf32>
      %add3A_881 = arith.addf %add3A_813, %mul3A_880 : vector<16xf32>
      %sub3A_882 = arith.subf %get3A_875, %max3A_725 : vector<16xf32>
      %exp3A_883 = math.exp %sub3A_882 : vector<16xf32>
      %add3A_884 = arith.addf %add3A_816, %exp3A_883 : vector<16xf32>
      %get3A_885 = arith.constant 8 : i32
      %get3A_886 = arith.index_cast %get3A_885 : i32 to index
      %get3A_887 = arith.index_cast %multiple_of3A : i32 to index
      %get3A_888 = tpu.vector_load %arg5[%get3A_886, %get3A_887] {strides = array<i32>} : memref<64x128xf32, #tpu.memory_space<vmem>>, vector<16xf32>,
      %get3A_889 = arith.constant 8 : i32
      %get3A_890 = arith.index_cast %get3A_889 : i32 to index
      %get3A_891 = arith.index_cast %multiple_of3A : i32 to index
      %get3A_892 = tpu.vector_load %arg6[%get3A_890, %get3A_891] {strides = array<i32>} : memref<64x128xf32, #tpu.memory_space<vmem>>, vector<16xf32>,
      %sub3A_893 = arith.subf %get3A_888, %max3A_722 : vector<16xf32>
      %exp3A_894 = math.exp %sub3A_893 : vector<16xf32>
      %add3A_895 = arith.addf %add3A_827, %exp3A_894 : vector<16xf32>
      %sub3A_896 = arith.subf %get3A_888, %get3A_892 : vector<16xf32>
      %mul3A_897 = arith.mulf %exp3A_894, %sub3A_896 : vector<16xf32>
      %add3A_898 = arith.addf %add3A_830, %mul3A_897 : vector<16xf32>
      %sub3A_899 = arith.subf %get3A_892, %max3A_725 : vector<16xf32>
      %exp3A_900 = math.exp %sub3A_899 : vector<16xf32>
      %add3A_901 = arith.addf %add3A_833, %exp3A_900 : vector<16xf32>
      %get3A_902 = arith.constant 9 : i32
      %get3A_903 = arith.index_cast %get3A_902 : i32 to index
      %get3A_904 = arith.index_cast %multiple_of3A : i32 to index
      %get3A_905 = tpu.vector_load %arg5[%get3A_903, %get3A_904] {strides = array<i32>} : memref<64x128xf32, #tpu.memory_space<vmem>>, vector<16xf32>,
      %get3A_906 = arith.constant 9 : i32
      %get3A_907 = arith.index_cast %get3A_906 : i32 to index
      %get3A_908 = arith.index_cast %multiple_of3A : i32 to index
      %get3A_909 = tpu.vector_load %arg6[%get3A_907, %get3A_908] {strides = array<i32>} : memref<64x128xf32, #tpu.memory_space<vmem>>, vector<16xf32>,
      %sub3A_910 = arith.subf %get3A_905, %max3A_722 : vector<16xf32>
      %exp3A_911 = math.exp %sub3A_910 : vector<16xf32>
      %add3A_912 = arith.addf %add3A_844, %exp3A_911 : vector<16xf32>
      %sub3A_913 = arith.subf %get3A_905, %get3A_909 : vector<16xf32>
      %mul3A_914 = arith.mulf %exp3A_911, %sub3A_913 : vector<16xf32>
      %add3A_915 = arith.addf %add3A_847, %mul3A_914 : vector<16xf32>
      %sub3A_916 = arith.subf %get3A_909, %max3A_725 : vector<16xf32>
      %exp3A_917 = math.exp %sub3A_916 : vector<16xf32>
      %add3A_918 = arith.addf %add3A_850, %exp3A_917 : vector<16xf32>
      %get3A_919 = arith.constant 10 : i32
      %get3A_920 = arith.index_cast %get3A_919 : i32 to index
      %get3A_921 = arith.index_cast %multiple_of3A : i32 to index
      %get3A_922 = tpu.vector_load %arg5[%get3A_920, %get3A_921] {strides = array<i32>} : memref<64x128xf32, #tpu.memory_space<vmem>>, vector<16xf32>,
      %get3A_923 = arith.constant 10 : i32
      %get3A_924 = arith.index_cast %get3A_923 : i32 to index
      %get3A_925 = arith.index_cast %multiple_of3A : i32 to index
      %get3A_926 = tpu.vector_load %arg6[%get3A_924, %get3A_925] {strides = array<i32>} : memref<64x128xf32, #tpu.memory_space<vmem>>, vector<16xf32>,
      %sub3A_927 = arith.subf %get3A_922, %max3A_722 : vector<16xf32>
      %exp3A_928 = math.exp %sub3A_927 : vector<16xf32>
      %add3A_929 = arith.addf %add3A_861, %exp3A_928 : vector<16xf32>
      %sub3A_930 = arith.subf %get3A_922, %get3A_926 : vector<16xf32>
      %mul3A_931 = arith.mulf %exp3A_928, %sub3A_930 : vector<16xf32>
      %add3A_932 = arith.addf %add3A_864, %mul3A_931 : vector<16xf32>
      %sub3A_933 = arith.subf %get3A_926, %max3A_725 : vector<16xf32>
      %exp3A_934 = math.exp %sub3A_933 : vector<16xf32>
      %add3A_935 = arith.addf %add3A_867, %exp3A_934 : vector<16xf32>
      %get3A_936 = arith.constant 11 : i32
      %get3A_937 = arith.index_cast %get3A_936 : i32 to index
      %get3A_938 = arith.index_cast %multiple_of3A : i32 to index
      %get3A_939 = tpu.vector_load %arg5[%get3A_937, %get3A_938] {strides = array<i32>} : memref<64x128xf32, #tpu.memory_space<vmem>>, vector<16xf32>,
      %get3A_940 = arith.constant 11 : i32
      %get3A_941 = arith.index_cast %get3A_940 : i32 to index
      %get3A_942 = arith.index_cast %multiple_of3A : i32 to index
      %get3A_943 = tpu.vector_load %arg6[%get3A_941, %get3A_942] {strides = array<i32>} : memref<64x128xf32, #tpu.memory_space<vmem>>, vector<16xf32>,
      %sub3A_944 = arith.subf %get3A_939, %max3A_722 : vector<16xf32>
      %exp3A_945 = math.exp %sub3A_944 : vector<16xf32>
      %add3A_946 = arith.addf %add3A_878, %exp3A_945 : vector<16xf32>
      %sub3A_947 = arith.subf %get3A_939, %get3A_943 : vector<16xf32>
      %mul3A_948 = arith.mulf %exp3A_945, %sub3A_947 : vector<16xf32>
      %add3A_949 = arith.addf %add3A_881, %mul3A_948 : vector<16xf32>
      %sub3A_950 = arith.subf %get3A_943, %max3A_725 : vector<16xf32>
      %exp3A_951 = math.exp %sub3A_950 : vector<16xf32>
      %add3A_952 = arith.addf %add3A_884, %exp3A_951 : vector<16xf32>
      %get3A_953 = arith.constant 12 : i32
      %get3A_954 = arith.index_cast %get3A_953 : i32 to index
      %get3A_955 = arith.index_cast %multiple_of3A : i32 to index
      %get3A_956 = tpu.vector_load %arg5[%get3A_954, %get3A_955] {strides = array<i32>} : memref<64x128xf32, #tpu.memory_space<vmem>>, vector<16xf32>,
      %get3A_957 = arith.constant 12 : i32
      %get3A_958 = arith.index_cast %get3A_957 : i32 to index
      %get3A_959 = arith.index_cast %multiple_of3A : i32 to index
      %get3A_960 = tpu.vector_load %arg6[%get3A_958, %get3A_959] {strides = array<i32>} : memref<64x128xf32, #tpu.memory_space<vmem>>, vector<16xf32>,
      %sub3A_961 = arith.subf %get3A_956, %max3A_722 : vector<16xf32>
      %exp3A_962 = math.exp %sub3A_961 : vector<16xf32>
      %add3A_963 = arith.addf %add3A_895, %exp3A_962 : vector<16xf32>
      %sub3A_964 = arith.subf %get3A_956, %get3A_960 : vector<16xf32>
      %mul3A_965 = arith.mulf %exp3A_962, %sub3A_964 : vector<16xf32>
      %add3A_966 = arith.addf %add3A_898, %mul3A_965 : vector<16xf32>
      %sub3A_967 = arith.subf %get3A_960, %max3A_725 : vector<16xf32>
      %exp3A_968 = math.exp %sub3A_967 : vector<16xf32>
      %add3A_969 = arith.addf %add3A_901, %exp3A_968 : vector<16xf32>
      %get3A_970 = arith.constant 13 : i32
      %get3A_971 = arith.index_cast %get3A_970 : i32 to index
      %get3A_972 = arith.index_cast %multiple_of3A : i32 to index
      %get3A_973 = tpu.vector_load %arg5[%get3A_971, %get3A_972] {strides = array<i32>} : memref<64x128xf32, #tpu.memory_space<vmem>>, vector<16xf32>,
      %get3A_974 = arith.constant 13 : i32
      %get3A_975 = arith.index_cast %get3A_974 : i32 to index
      %get3A_976 = arith.index_cast %multiple_of3A : i32 to index
      %get3A_977 = tpu.vector_load %arg6[%get3A_975, %get3A_976] {strides = array<i32>} : memref<64x128xf32, #tpu.memory_space<vmem>>, vector<16xf32>,
      %sub3A_978 = arith.subf %get3A_973, %max3A_722 : vector<16xf32>
      %exp3A_979 = math.exp %sub3A_978 : vector<16xf32>
      %add3A_980 = arith.addf %add3A_912, %exp3A_979 : vector<16xf32>
      %sub3A_981 = arith.subf %get3A_973, %get3A_977 : vector<16xf32>
      %mul3A_982 = arith.mulf %exp3A_979, %sub3A_981 : vector<16xf32>
      %add3A_983 = arith.addf %add3A_915, %mul3A_982 : vector<16xf32>
      %sub3A_984 = arith.subf %get3A_977, %max3A_725 : vector<16xf32>
      %exp3A_985 = math.exp %sub3A_984 : vector<16xf32>
      %add3A_986 = arith.addf %add3A_918, %exp3A_985 : vector<16xf32>
      %get3A_987 = arith.constant 14 : i32
      %get3A_988 = arith.index_cast %get3A_987 : i32 to index
      %get3A_989 = arith.index_cast %multiple_of3A : i32 to index
      %get3A_990 = tpu.vector_load %arg5[%get3A_988, %get3A_989] {strides = array<i32>} : memref<64x128xf32, #tpu.memory_space<vmem>>, vector<16xf32>,
      %get3A_991 = arith.constant 14 : i32
      %get3A_992 = arith.index_cast %get3A_991 : i32 to index
      %get3A_993 = arith.index_cast %multiple_of3A : i32 to index
      %get3A_994 = tpu.vector_load %arg6[%get3A_992, %get3A_993] {strides = array<i32>} : memref<64x128xf32, #tpu.memory_space<vmem>>, vector<16xf32>,
      %sub3A_995 = arith.subf %get3A_990, %max3A_722 : vector<16xf32>
      %exp3A_996 = math.exp %sub3A_995 : vector<16xf32>
      %add3A_997 = arith.addf %add3A_929, %exp3A_996 : vector<16xf32>
      %sub3A_998 = arith.subf %get3A_990, %get3A_994 : vector<16xf32>
      %mul3A_999 = arith.mulf %exp3A_996, %sub3A_998 : vector<16xf32>
      %add3A_1000 = arith.addf %add3A_932, %mul3A_999 : vector<16xf32>
      %sub3A_1001 = arith.subf %get3A_994, %max3A_725 : vector<16xf32>
      %exp3A_1002 = math.exp %sub3A_1001 : vector<16xf32>
      %add3A_1003 = arith.addf %add3A_935, %exp3A_1002 : vector<16xf32>
      %get3A_1004 = arith.constant 15 : i32
      %get3A_1005 = arith.index_cast %get3A_1004 : i32 to index
      %get3A_1006 = arith.index_cast %multiple_of3A : i32 to index
      %get3A_1007 = tpu.vector_load %arg5[%get3A_1005, %get3A_1006] {strides = array<i32>} : memref<64x128xf32, #tpu.memory_space<vmem>>, vector<16xf32>,
      %get3A_1008 = arith.constant 15 : i32
      %get3A_1009 = arith.index_cast %get3A_1008 : i32 to index
      %get3A_1010 = arith.index_cast %multiple_of3A : i32 to index
      %get3A_1011 = tpu.vector_load %arg6[%get3A_1009, %get3A_1010] {strides = array<i32>} : memref<64x128xf32, #tpu.memory_space<vmem>>, vector<16xf32>,
      %sub3A_1012 = arith.subf %get3A_1007, %max3A_722 : vector<16xf32>
      %exp3A_1013 = math.exp %sub3A_1012 : vector<16xf32>
      %add3A_1014 = arith.addf %add3A_946, %exp3A_1013 : vector<16xf32>
      %sub3A_1015 = arith.subf %get3A_1007, %get3A_1011 : vector<16xf32>
      %mul3A_1016 = arith.mulf %exp3A_1013, %sub3A_1015 : vector<16xf32>
      %add3A_1017 = arith.addf %add3A_949, %mul3A_1016 : vector<16xf32>
      %sub3A_1018 = arith.subf %get3A_1011, %max3A_725 : vector<16xf32>
      %exp3A_1019 = math.exp %sub3A_1018 : vector<16xf32>
      %add3A_1020 = arith.addf %add3A_952, %exp3A_1019 : vector<16xf32>
      %get3A_1021 = arith.constant 16 : i32
      %get3A_1022 = arith.index_cast %get3A_1021 : i32 to index
      %get3A_1023 = arith.index_cast %multiple_of3A : i32 to index
      %get3A_1024 = tpu.vector_load %arg5[%get3A_1022, %get3A_1023] {strides = array<i32>} : memref<64x128xf32, #tpu.memory_space<vmem>>, vector<16xf32>,
      %get3A_1025 = arith.constant 16 : i32
      %get3A_1026 = arith.index_cast %get3A_1025 : i32 to index
      %get3A_1027 = arith.index_cast %multiple_of3A : i32 to index
      %get3A_1028 = tpu.vector_load %arg6[%get3A_1026, %get3A_1027] {strides = array<i32>} : memref<64x128xf32, #tpu.memory_space<vmem>>, vector<16xf32>,
      %sub3A_1029 = arith.subf %get3A_1024, %max3A_722 : vector<16xf32>
      %exp3A_1030 = math.exp %sub3A_1029 : vector<16xf32>
      %add3A_1031 = arith.addf %add3A_963, %exp3A_1030 : vector<16xf32>
      %sub3A_1032 = arith.subf %get3A_1024, %get3A_1028 : vector<16xf32>
      %mul3A_1033 = arith.mulf %exp3A_1030, %sub3A_1032 : vector<16xf32>
      %add3A_1034 = arith.addf %add3A_966, %mul3A_1033 : vector<16xf32>
      %sub3A_1035 = arith.subf %get3A_1028, %max3A_725 : vector<16xf32>
      %exp3A_1036 = math.exp %sub3A_1035 : vector<16xf32>
      %add3A_1037 = arith.addf %add3A_969, %exp3A_1036 : vector<16xf32>
      %get3A_1038 = arith.constant 17 : i32
      %get3A_1039 = arith.index_cast %get3A_1038 : i32 to index
      %get3A_1040 = arith.index_cast %multiple_of3A : i32 to index
      %get3A_1041 = tpu.vector_load %arg5[%get3A_1039, %get3A_1040] {strides = array<i32>} : memref<64x128xf32, #tpu.memory_space<vmem>>, vector<16xf32>,
      %get3A_1042 = arith.constant 17 : i32
      %get3A_1043 = arith.index_cast %get3A_1042 : i32 to index
      %get3A_1044 = arith.index_cast %multiple_of3A : i32 to index
      %get3A_1045 = tpu.vector_load %arg6[%get3A_1043, %get3A_1044] {strides = array<i32>} : memref<64x128xf32, #tpu.memory_space<vmem>>, vector<16xf32>,
      %sub3A_1046 = arith.subf %get3A_1041, %max3A_722 : vector<16xf32>
      %exp3A_1047 = math.exp %sub3A_1046 : vector<16xf32>
      %add3A_1048 = arith.addf %add3A_980, %exp3A_1047 : vector<16xf32>
      %sub3A_1049 = arith.subf %get3A_1041, %get3A_1045 : vector<16xf32>
      %mul3A_1050 = arith.mulf %exp3A_1047, %sub3A_1049 : vector<16xf32>
      %add3A_1051 = arith.addf %add3A_983, %mul3A_1050 : vector<16xf32>
      %sub3A_1052 = arith.subf %get3A_1045, %max3A_725 : vector<16xf32>
      %exp3A_1053 = math.exp %sub3A_1052 : vector<16xf32>
      %add3A_1054 = arith.addf %add3A_986, %exp3A_1053 : vector<16xf32>
      %get3A_1055 = arith.constant 18 : i32
      %get3A_1056 = arith.index_cast %get3A_1055 : i32 to index
      %get3A_1057 = arith.index_cast %multiple_of3A : i32 to index
      %get3A_1058 = tpu.vector_load %arg5[%get3A_1056, %get3A_1057] {strides = array<i32>} : memref<64x128xf32, #tpu.memory_space<vmem>>, vector<16xf32>,
      %get3A_1059 = arith.constant 18 : i32
      %get3A_1060 = arith.index_cast %get3A_1059 : i32 to index
      %get3A_1061 = arith.index_cast %multiple_of3A : i32 to index
      %get3A_1062 = tpu.vector_load %arg6[%get3A_1060, %get3A_1061] {strides = array<i32>} : memref<64x128xf32, #tpu.memory_space<vmem>>, vector<16xf32>,
      %sub3A_1063 = arith.subf %get3A_1058, %max3A_722 : vector<16xf32>
      %exp3A_1064 = math.exp %sub3A_1063 : vector<16xf32>
      %add3A_1065 = arith.addf %add3A_997, %exp3A_1064 : vector<16xf32>
      %sub3A_1066 = arith.subf %get3A_1058, %get3A_1062 : vector<16xf32>
      %mul3A_1067 = arith.mulf %exp3A_1064, %sub3A_1066 : vector<16xf32>
      %add3A_1068 = arith.addf %add3A_1000, %mul3A_1067 : vector<16xf32>
      %sub3A_1069 = arith.subf %get3A_1062, %max3A_725 : vector<16xf32>
      %exp3A_1070 = math.exp %sub3A_1069 : vector<16xf32>
      %add3A_1071 = arith.addf %add3A_1003, %exp3A_1070 : vector<16xf32>
      %get3A_1072 = arith.constant 19 : i32
      %get3A_1073 = arith.index_cast %get3A_1072 : i32 to index
      %get3A_1074 = arith.index_cast %multiple_of3A : i32 to index
      %get3A_1075 = tpu.vector_load %arg5[%get3A_1073, %get3A_1074] {strides = array<i32>} : memref<64x128xf32, #tpu.memory_space<vmem>>, vector<16xf32>,
      %get3A_1076 = arith.constant 19 : i32
      %get3A_1077 = arith.index_cast %get3A_1076 : i32 to index
      %get3A_1078 = arith.index_cast %multiple_of3A : i32 to index
      %get3A_1079 = tpu.vector_load %arg6[%get3A_1077, %get3A_1078] {strides = array<i32>} : memref<64x128xf32, #tpu.memory_space<vmem>>, vector<16xf32>,
      %sub3A_1080 = arith.subf %get3A_1075, %max3A_722 : vector<16xf32>
      %exp3A_1081 = math.exp %sub3A_1080 : vector<16xf32>
      %add3A_1082 = arith.addf %add3A_1014, %exp3A_1081 : vector<16xf32>
      %sub3A_1083 = arith.subf %get3A_1075, %get3A_1079 : vector<16xf32>
      %mul3A_1084 = arith.mulf %exp3A_1081, %sub3A_1083 : vector<16xf32>
      %add3A_1085 = arith.addf %add3A_1017, %mul3A_1084 : vector<16xf32>
      %sub3A_1086 = arith.subf %get3A_1079, %max3A_725 : vector<16xf32>
      %exp3A_1087 = math.exp %sub3A_1086 : vector<16xf32>
      %add3A_1088 = arith.addf %add3A_1020, %exp3A_1087 : vector<16xf32>
      %get3A_1089 = arith.constant 20 : i32
      %get3A_1090 = arith.index_cast %get3A_1089 : i32 to index
      %get3A_1091 = arith.index_cast %multiple_of3A : i32 to index
      %get3A_1092 = tpu.vector_load %arg5[%get3A_1090, %get3A_1091] {strides = array<i32>} : memref<64x128xf32, #tpu.memory_space<vmem>>, vector<16xf32>,
      %get3A_1093 = arith.constant 20 : i32
      %get3A_1094 = arith.index_cast %get3A_1093 : i32 to index
      %get3A_1095 = arith.index_cast %multiple_of3A : i32 to index
      %get3A_1096 = tpu.vector_load %arg6[%get3A_1094, %get3A_1095] {strides = array<i32>} : memref<64x128xf32, #tpu.memory_space<vmem>>, vector<16xf32>,
      %sub3A_1097 = arith.subf %get3A_1092, %max3A_722 : vector<16xf32>
      %exp3A_1098 = math.exp %sub3A_1097 : vector<16xf32>
      %add3A_1099 = arith.addf %add3A_1031, %exp3A_1098 : vector<16xf32>
      %sub3A_1100 = arith.subf %get3A_1092, %get3A_1096 : vector<16xf32>
      %mul3A_1101 = arith.mulf %exp3A_1098, %sub3A_1100 : vector<16xf32>
      %add3A_1102 = arith.addf %add3A_1034, %mul3A_1101 : vector<16xf32>
      %sub3A_1103 = arith.subf %get3A_1096, %max3A_725 : vector<16xf32>
      %exp3A_1104 = math.exp %sub3A_1103 : vector<16xf32>
      %add3A_1105 = arith.addf %add3A_1037, %exp3A_1104 : vector<16xf32>
      %get3A_1106 = arith.constant 21 : i32
      %get3A_1107 = arith.index_cast %get3A_1106 : i32 to index
      %get3A_1108 = arith.index_cast %multiple_of3A : i32 to index
      %get3A_1109 = tpu.vector_load %arg5[%get3A_1107, %get3A_1108] {strides = array<i32>} : memref<64x128xf32, #tpu.memory_space<vmem>>, vector<16xf32>,
      %get3A_1110 = arith.constant 21 : i32
      %get3A_1111 = arith.index_cast %get3A_1110 : i32 to index
      %get3A_1112 = arith.index_cast %multiple_of3A : i32 to index
      %get3A_1113 = tpu.vector_load %arg6[%get3A_1111, %get3A_1112] {strides = array<i32>} : memref<64x128xf32, #tpu.memory_space<vmem>>, vector<16xf32>,
      %sub3A_1114 = arith.subf %get3A_1109, %max3A_722 : vector<16xf32>
      %exp3A_1115 = math.exp %sub3A_1114 : vector<16xf32>
      %add3A_1116 = arith.addf %add3A_1048, %exp3A_1115 : vector<16xf32>
      %sub3A_1117 = arith.subf %get3A_1109, %get3A_1113 : vector<16xf32>
      %mul3A_1118 = arith.mulf %exp3A_1115, %sub3A_1117 : vector<16xf32>
      %add3A_1119 = arith.addf %add3A_1051, %mul3A_1118 : vector<16xf32>
      %sub3A_1120 = arith.subf %get3A_1113, %max3A_725 : vector<16xf32>
      %exp3A_1121 = math.exp %sub3A_1120 : vector<16xf32>
      %add3A_1122 = arith.addf %add3A_1054, %exp3A_1121 : vector<16xf32>
      %get3A_1123 = arith.constant 22 : i32
      %get3A_1124 = arith.index_cast %get3A_1123 : i32 to index
      %get3A_1125 = arith.index_cast %multiple_of3A : i32 to index
      %get3A_1126 = tpu.vector_load %arg5[%get3A_1124, %get3A_1125] {strides = array<i32>} : memref<64x128xf32, #tpu.memory_space<vmem>>, vector<16xf32>,
      %get3A_1127 = arith.constant 22 : i32
      %get3A_1128 = arith.index_cast %get3A_1127 : i32 to index
      %get3A_1129 = arith.index_cast %multiple_of3A : i32 to index
      %get3A_1130 = tpu.vector_load %arg6[%get3A_1128, %get3A_1129] {strides = array<i32>} : memref<64x128xf32, #tpu.memory_space<vmem>>, vector<16xf32>,
      %sub3A_1131 = arith.subf %get3A_1126, %max3A_722 : vector<16xf32>
      %exp3A_1132 = math.exp %sub3A_1131 : vector<16xf32>
      %add3A_1133 = arith.addf %add3A_1065, %exp3A_1132 : vector<16xf32>
      %sub3A_1134 = arith.subf %get3A_1126, %get3A_1130 : vector<16xf32>
      %mul3A_1135 = arith.mulf %exp3A_1132, %sub3A_1134 : vector<16xf32>
      %add3A_1136 = arith.addf %add3A_1068, %mul3A_1135 : vector<16xf32>
      %sub3A_1137 = arith.subf %get3A_1130, %max3A_725 : vector<16xf32>
      %exp3A_1138 = math.exp %sub3A_1137 : vector<16xf32>
      %add3A_1139 = arith.addf %add3A_1071, %exp3A_1138 : vector<16xf32>
      %get3A_1140 = arith.constant 23 : i32
      %get3A_1141 = arith.index_cast %get3A_1140 : i32 to index
      %get3A_1142 = arith.index_cast %multiple_of3A : i32 to index
      %get3A_1143 = tpu.vector_load %arg5[%get3A_1141, %get3A_1142] {strides = array<i32>} : memref<64x128xf32, #tpu.memory_space<vmem>>, vector<16xf32>,
      %get3A_1144 = arith.constant 23 : i32
      %get3A_1145 = arith.index_cast %get3A_1144 : i32 to index
      %get3A_1146 = arith.index_cast %multiple_of3A : i32 to index
      %get3A_1147 = tpu.vector_load %arg6[%get3A_1145, %get3A_1146] {strides = array<i32>} : memref<64x128xf32, #tpu.memory_space<vmem>>, vector<16xf32>,
      %sub3A_1148 = arith.subf %get3A_1143, %max3A_722 : vector<16xf32>
      %exp3A_1149 = math.exp %sub3A_1148 : vector<16xf32>
      %add3A_1150 = arith.addf %add3A_1082, %exp3A_1149 : vector<16xf32>
      %sub3A_1151 = arith.subf %get3A_1143, %get3A_1147 : vector<16xf32>
      %mul3A_1152 = arith.mulf %exp3A_1149, %sub3A_1151 : vector<16xf32>
      %add3A_1153 = arith.addf %add3A_1085, %mul3A_1152 : vector<16xf32>
      %sub3A_1154 = arith.subf %get3A_1147, %max3A_725 : vector<16xf32>
      %exp3A_1155 = math.exp %sub3A_1154 : vector<16xf32>
      %add3A_1156 = arith.addf %add3A_1088, %exp3A_1155 : vector<16xf32>
      %get3A_1157 = arith.constant 24 : i32
      %get3A_1158 = arith.index_cast %get3A_1157 : i32 to index
      %get3A_1159 = arith.index_cast %multiple_of3A : i32 to index
      %get3A_1160 = tpu.vector_load %arg5[%get3A_1158, %get3A_1159] {strides = array<i32>} : memref<64x128xf32, #tpu.memory_space<vmem>>, vector<16xf32>,
      %get3A_1161 = arith.constant 24 : i32
      %get3A_1162 = arith.index_cast %get3A_1161 : i32 to index
      %get3A_1163 = arith.index_cast %multiple_of3A : i32 to index
      %get3A_1164 = tpu.vector_load %arg6[%get3A_1162, %get3A_1163] {strides = array<i32>} : memref<64x128xf32, #tpu.memory_space<vmem>>, vector<16xf32>,
      %sub3A_1165 = arith.subf %get3A_1160, %max3A_722 : vector<16xf32>
      %exp3A_1166 = math.exp %sub3A_1165 : vector<16xf32>
      %add3A_1167 = arith.addf %add3A_1099, %exp3A_1166 : vector<16xf32>
      %sub3A_1168 = arith.subf %get3A_1160, %get3A_1164 : vector<16xf32>
      %mul3A_1169 = arith.mulf %exp3A_1166, %sub3A_1168 : vector<16xf32>
      %add3A_1170 = arith.addf %add3A_1102, %mul3A_1169 : vector<16xf32>
      %sub3A_1171 = arith.subf %get3A_1164, %max3A_725 : vector<16xf32>
      %exp3A_1172 = math.exp %sub3A_1171 : vector<16xf32>
      %add3A_1173 = arith.addf %add3A_1105, %exp3A_1172 : vector<16xf32>
      %get3A_1174 = arith.constant 25 : i32
      %get3A_1175 = arith.index_cast %get3A_1174 : i32 to index
      %get3A_1176 = arith.index_cast %multiple_of3A : i32 to index
      %get3A_1177 = tpu.vector_load %arg5[%get3A_1175, %get3A_1176] {strides = array<i32>} : memref<64x128xf32, #tpu.memory_space<vmem>>, vector<16xf32>,
      %get3A_1178 = arith.constant 25 : i32
      %get3A_1179 = arith.index_cast %get3A_1178 : i32 to index
      %get3A_1180 = arith.index_cast %multiple_of3A : i32 to index
      %get3A_1181 = tpu.vector_load %arg6[%get3A_1179, %get3A_1180] {strides = array<i32>} : memref<64x128xf32, #tpu.memory_space<vmem>>, vector<16xf32>,
      %sub3A_1182 = arith.subf %get3A_1177, %max3A_722 : vector<16xf32>
      %exp3A_1183 = math.exp %sub3A_1182 : vector<16xf32>
      %add3A_1184 = arith.addf %add3A_1116, %exp3A_1183 : vector<16xf32>
      %sub3A_1185 = arith.subf %get3A_1177, %get3A_1181 : vector<16xf32>
      %mul3A_1186 = arith.mulf %exp3A_1183, %sub3A_1185 : vector<16xf32>
      %add3A_1187 = arith.addf %add3A_1119, %mul3A_1186 : vector<16xf32>
      %sub3A_1188 = arith.subf %get3A_1181, %max3A_725 : vector<16xf32>
      %exp3A_1189 = math.exp %sub3A_1188 : vector<16xf32>
      %add3A_1190 = arith.addf %add3A_1122, %exp3A_1189 : vector<16xf32>
      %get3A_1191 = arith.constant 26 : i32
      %get3A_1192 = arith.index_cast %get3A_1191 : i32 to index
      %get3A_1193 = arith.index_cast %multiple_of3A : i32 to index
      %get3A_1194 = tpu.vector_load %arg5[%get3A_1192, %get3A_1193] {strides = array<i32>} : memref<64x128xf32, #tpu.memory_space<vmem>>, vector<16xf32>,
      %get3A_1195 = arith.constant 26 : i32
      %get3A_1196 = arith.index_cast %get3A_1195 : i32 to index
      %get3A_1197 = arith.index_cast %multiple_of3A : i32 to index
      %get3A_1198 = tpu.vector_load %arg6[%get3A_1196, %get3A_1197] {strides = array<i32>} : memref<64x128xf32, #tpu.memory_space<vmem>>, vector<16xf32>,
      %sub3A_1199 = arith.subf %get3A_1194, %max3A_722 : vector<16xf32>
      %exp3A_1200 = math.exp %sub3A_1199 : vector<16xf32>
      %add3A_1201 = arith.addf %add3A_1133, %exp3A_1200 : vector<16xf32>
      %sub3A_1202 = arith.subf %get3A_1194, %get3A_1198 : vector<16xf32>
      %mul3A_1203 = arith.mulf %exp3A_1200, %sub3A_1202 : vector<16xf32>
      %add3A_1204 = arith.addf %add3A_1136, %mul3A_1203 : vector<16xf32>
      %sub3A_1205 = arith.subf %get3A_1198, %max3A_725 : vector<16xf32>
      %exp3A_1206 = math.exp %sub3A_1205 : vector<16xf32>
      %add3A_1207 = arith.addf %add3A_1139, %exp3A_1206 : vector<16xf32>
      %get3A_1208 = arith.constant 27 : i32
      %get3A_1209 = arith.index_cast %get3A_1208 : i32 to index
      %get3A_1210 = arith.index_cast %multiple_of3A : i32 to index
      %get3A_1211 = tpu.vector_load %arg5[%get3A_1209, %get3A_1210] {strides = array<i32>} : memref<64x128xf32, #tpu.memory_space<vmem>>, vector<16xf32>,
      %get3A_1212 = arith.constant 27 : i32
      %get3A_1213 = arith.index_cast %get3A_1212 : i32 to index
      %get3A_1214 = arith.index_cast %multiple_of3A : i32 to index
      %get3A_1215 = tpu.vector_load %arg6[%get3A_1213, %get3A_1214] {strides = array<i32>} : memref<64x128xf32, #tpu.memory_space<vmem>>, vector<16xf32>,
      %sub3A_1216 = arith.subf %get3A_1211, %max3A_722 : vector<16xf32>
      %exp3A_1217 = math.exp %sub3A_1216 : vector<16xf32>
      %add3A_1218 = arith.addf %add3A_1150, %exp3A_1217 : vector<16xf32>
      %sub3A_1219 = arith.subf %get3A_1211, %get3A_1215 : vector<16xf32>
      %mul3A_1220 = arith.mulf %exp3A_1217, %sub3A_1219 : vector<16xf32>
      %add3A_1221 = arith.addf %add3A_1153, %mul3A_1220 : vector<16xf32>
      %sub3A_1222 = arith.subf %get3A_1215, %max3A_725 : vector<16xf32>
      %exp3A_1223 = math.exp %sub3A_1222 : vector<16xf32>
      %add3A_1224 = arith.addf %add3A_1156, %exp3A_1223 : vector<16xf32>
      %get3A_1225 = arith.constant 28 : i32
      %get3A_1226 = arith.index_cast %get3A_1225 : i32 to index
      %get3A_1227 = arith.index_cast %multiple_of3A : i32 to index
      %get3A_1228 = tpu.vector_load %arg5[%get3A_1226, %get3A_1227] {strides = array<i32>} : memref<64x128xf32, #tpu.memory_space<vmem>>, vector<16xf32>,
      %get3A_1229 = arith.constant 28 : i32
      %get3A_1230 = arith.index_cast %get3A_1229 : i32 to index
      %get3A_1231 = arith.index_cast %multiple_of3A : i32 to index
      %get3A_1232 = tpu.vector_load %arg6[%get3A_1230, %get3A_1231] {strides = array<i32>} : memref<64x128xf32, #tpu.memory_space<vmem>>, vector<16xf32>,
      %sub3A_1233 = arith.subf %get3A_1228, %max3A_722 : vector<16xf32>
      %exp3A_1234 = math.exp %sub3A_1233 : vector<16xf32>
      %add3A_1235 = arith.addf %add3A_1167, %exp3A_1234 : vector<16xf32>
      %sub3A_1236 = arith.subf %get3A_1228, %get3A_1232 : vector<16xf32>
      %mul3A_1237 = arith.mulf %exp3A_1234, %sub3A_1236 : vector<16xf32>
      %add3A_1238 = arith.addf %add3A_1170, %mul3A_1237 : vector<16xf32>
      %sub3A_1239 = arith.subf %get3A_1232, %max3A_725 : vector<16xf32>
      %exp3A_1240 = math.exp %sub3A_1239 : vector<16xf32>
      %add3A_1241 = arith.addf %add3A_1173, %exp3A_1240 : vector<16xf32>
      %get3A_1242 = arith.constant 29 : i32
      %get3A_1243 = arith.index_cast %get3A_1242 : i32 to index
      %get3A_1244 = arith.index_cast %multiple_of3A : i32 to index
      %get3A_1245 = tpu.vector_load %arg5[%get3A_1243, %get3A_1244] {strides = array<i32>} : memref<64x128xf32, #tpu.memory_space<vmem>>, vector<16xf32>,
      %get3A_1246 = arith.constant 29 : i32
      %get3A_1247 = arith.index_cast %get3A_1246 : i32 to index
      %get3A_1248 = arith.index_cast %multiple_of3A : i32 to index
      %get3A_1249 = tpu.vector_load %arg6[%get3A_1247, %get3A_1248] {strides = array<i32>} : memref<64x128xf32, #tpu.memory_space<vmem>>, vector<16xf32>,
      %sub3A_1250 = arith.subf %get3A_1245, %max3A_722 : vector<16xf32>
      %exp3A_1251 = math.exp %sub3A_1250 : vector<16xf32>
      %add3A_1252 = arith.addf %add3A_1184, %exp3A_1251 : vector<16xf32>
      %sub3A_1253 = arith.subf %get3A_1245, %get3A_1249 : vector<16xf32>
      %mul3A_1254 = arith.mulf %exp3A_1251, %sub3A_1253 : vector<16xf32>
      %add3A_1255 = arith.addf %add3A_1187, %mul3A_1254 : vector<16xf32>
      %sub3A_1256 = arith.subf %get3A_1249, %max3A_725 : vector<16xf32>
      %exp3A_1257 = math.exp %sub3A_1256 : vector<16xf32>
      %add3A_1258 = arith.addf %add3A_1190, %exp3A_1257 : vector<16xf32>
      %get3A_1259 = arith.constant 30 : i32
      %get3A_1260 = arith.index_cast %get3A_1259 : i32 to index
      %get3A_1261 = arith.index_cast %multiple_of3A : i32 to index
      %get3A_1262 = tpu.vector_load %arg5[%get3A_1260, %get3A_1261] {strides = array<i32>} : memref<64x128xf32, #tpu.memory_space<vmem>>, vector<16xf32>,
      %get3A_1263 = arith.constant 30 : i32
      %get3A_1264 = arith.index_cast %get3A_1263 : i32 to index
      %get3A_1265 = arith.index_cast %multiple_of3A : i32 to index
      %get3A_1266 = tpu.vector_load %arg6[%get3A_1264, %get3A_1265] {strides = array<i32>} : memref<64x128xf32, #tpu.memory_space<vmem>>, vector<16xf32>,
      %sub3A_1267 = arith.subf %get3A_1262, %max3A_722 : vector<16xf32>
      %exp3A_1268 = math.exp %sub3A_1267 : vector<16xf32>
      %add3A_1269 = arith.addf %add3A_1201, %exp3A_1268 : vector<16xf32>
      %sub3A_1270 = arith.subf %get3A_1262, %get3A_1266 : vector<16xf32>
      %mul3A_1271 = arith.mulf %exp3A_1268, %sub3A_1270 : vector<16xf32>
      %add3A_1272 = arith.addf %add3A_1204, %mul3A_1271 : vector<16xf32>
      %sub3A_1273 = arith.subf %get3A_1266, %max3A_725 : vector<16xf32>
      %exp3A_1274 = math.exp %sub3A_1273 : vector<16xf32>
      %add3A_1275 = arith.addf %add3A_1207, %exp3A_1274 : vector<16xf32>
      %get3A_1276 = arith.constant 31 : i32
      %get3A_1277 = arith.index_cast %get3A_1276 : i32 to index
      %get3A_1278 = arith.index_cast %multiple_of3A : i32 to index
      %get3A_1279 = tpu.vector_load %arg5[%get3A_1277, %get3A_1278] {strides = array<i32>} : memref<64x128xf32, #tpu.memory_space<vmem>>, vector<16xf32>,
      %get3A_1280 = arith.constant 31 : i32
      %get3A_1281 = arith.index_cast %get3A_1280 : i32 to index
      %get3A_1282 = arith.index_cast %multiple_of3A : i32 to index
      %get3A_1283 = tpu.vector_load %arg6[%get3A_1281, %get3A_1282] {strides = array<i32>} : memref<64x128xf32, #tpu.memory_space<vmem>>, vector<16xf32>,
      %sub3A_1284 = arith.subf %get3A_1279, %max3A_722 : vector<16xf32>
      %exp3A_1285 = math.exp %sub3A_1284 : vector<16xf32>
      %add3A_1286 = arith.addf %add3A_1218, %exp3A_1285 : vector<16xf32>
      %sub3A_1287 = arith.subf %get3A_1279, %get3A_1283 : vector<16xf32>
      %mul3A_1288 = arith.mulf %exp3A_1285, %sub3A_1287 : vector<16xf32>
      %add3A_1289 = arith.addf %add3A_1221, %mul3A_1288 : vector<16xf32>
      %sub3A_1290 = arith.subf %get3A_1283, %max3A_725 : vector<16xf32>
      %exp3A_1291 = math.exp %sub3A_1290 : vector<16xf32>
      %add3A_1292 = arith.addf %add3A_1224, %exp3A_1291 : vector<16xf32>
      %get3A_1293 = arith.constant 32 : i32
      %get3A_1294 = arith.index_cast %get3A_1293 : i32 to index
      %get3A_1295 = arith.index_cast %multiple_of3A : i32 to index
      %get3A_1296 = tpu.vector_load %arg5[%get3A_1294, %get3A_1295] {strides = array<i32>} : memref<64x128xf32, #tpu.memory_space<vmem>>, vector<16xf32>,
      %get3A_1297 = arith.constant 32 : i32
      %get3A_1298 = arith.index_cast %get3A_1297 : i32 to index
      %get3A_1299 = arith.index_cast %multiple_of3A : i32 to index
      %get3A_1300 = tpu.vector_load %arg6[%get3A_1298, %get3A_1299] {strides = array<i32>} : memref<64x128xf32, #tpu.memory_space<vmem>>, vector<16xf32>,
      %sub3A_1301 = arith.subf %get3A_1296, %max3A_722 : vector<16xf32>
      %exp3A_1302 = math.exp %sub3A_1301 : vector<16xf32>
      %add3A_1303 = arith.addf %add3A_1235, %exp3A_1302 : vector<16xf32>
      %sub3A_1304 = arith.subf %get3A_1296, %get3A_1300 : vector<16xf32>
      %mul3A_1305 = arith.mulf %exp3A_1302, %sub3A_1304 : vector<16xf32>
      %add3A_1306 = arith.addf %add3A_1238, %mul3A_1305 : vector<16xf32>
      %sub3A_1307 = arith.subf %get3A_1300, %max3A_725 : vector<16xf32>
      %exp3A_1308 = math.exp %sub3A_1307 : vector<16xf32>
      %add3A_1309 = arith.addf %add3A_1241, %exp3A_1308 : vector<16xf32>
      %get3A_1310 = arith.constant 33 : i32
      %get3A_1311 = arith.index_cast %get3A_1310 : i32 to index
      %get3A_1312 = arith.index_cast %multiple_of3A : i32 to index
      %get3A_1313 = tpu.vector_load %arg5[%get3A_1311, %get3A_1312] {strides = array<i32>} : memref<64x128xf32, #tpu.memory_space<vmem>>, vector<16xf32>,
      %get3A_1314 = arith.constant 33 : i32
      %get3A_1315 = arith.index_cast %get3A_1314 : i32 to index
      %get3A_1316 = arith.index_cast %multiple_of3A : i32 to index
      %get3A_1317 = tpu.vector_load %arg6[%get3A_1315, %get3A_1316] {strides = array<i32>} : memref<64x128xf32, #tpu.memory_space<vmem>>, vector<16xf32>,
      %sub3A_1318 = arith.subf %get3A_1313, %max3A_722 : vector<16xf32>
      %exp3A_1319 = math.exp %sub3A_1318 : vector<16xf32>
      %add3A_1320 = arith.addf %add3A_1252, %exp3A_1319 : vector<16xf32>
      %sub3A_1321 = arith.subf %get3A_1313, %get3A_1317 : vector<16xf32>
      %mul3A_1322 = arith.mulf %exp3A_1319, %sub3A_1321 : vector<16xf32>
      %add3A_1323 = arith.addf %add3A_1255, %mul3A_1322 : vector<16xf32>
      %sub3A_1324 = arith.subf %get3A_1317, %max3A_725 : vector<16xf32>
      %exp3A_1325 = math.exp %sub3A_1324 : vector<16xf32>
      %add3A_1326 = arith.addf %add3A_1258, %exp3A_1325 : vector<16xf32>
      %get3A_1327 = arith.constant 34 : i32
      %get3A_1328 = arith.index_cast %get3A_1327 : i32 to index
      %get3A_1329 = arith.index_cast %multiple_of3A : i32 to index
      %get3A_1330 = tpu.vector_load %arg5[%get3A_1328, %get3A_1329] {strides = array<i32>} : memref<64x128xf32, #tpu.memory_space<vmem>>, vector<16xf32>,
      %get3A_1331 = arith.constant 34 : i32
      %get3A_1332 = arith.index_cast %get3A_1331 : i32 to index
      %get3A_1333 = arith.index_cast %multiple_of3A : i32 to index
      %get3A_1334 = tpu.vector_load %arg6[%get3A_1332, %get3A_1333] {strides = array<i32>} : memref<64x128xf32, #tpu.memory_space<vmem>>, vector<16xf32>,
      %sub3A_1335 = arith.subf %get3A_1330, %max3A_722 : vector<16xf32>
      %exp3A_1336 = math.exp %sub3A_1335 : vector<16xf32>
      %add3A_1337 = arith.addf %add3A_1269, %exp3A_1336 : vector<16xf32>
      %sub3A_1338 = arith.subf %get3A_1330, %get3A_1334 : vector<16xf32>
      %mul3A_1339 = arith.mulf %exp3A_1336, %sub3A_1338 : vector<16xf32>
      %add3A_1340 = arith.addf %add3A_1272, %mul3A_1339 : vector<16xf32>
      %sub3A_1341 = arith.subf %get3A_1334, %max3A_725 : vector<16xf32>
      %exp3A_1342 = math.exp %sub3A_1341 : vector<16xf32>
      %add3A_1343 = arith.addf %add3A_1275, %exp3A_1342 : vector<16xf32>
      %get3A_1344 = arith.constant 35 : i32
      %get3A_1345 = arith.index_cast %get3A_1344 : i32 to index
      %get3A_1346 = arith.index_cast %multiple_of3A : i32 to index
      %get3A_1347 = tpu.vector_load %arg5[%get3A_1345, %get3A_1346] {strides = array<i32>} : memref<64x128xf32, #tpu.memory_space<vmem>>, vector<16xf32>,
      %get3A_1348 = arith.constant 35 : i32
      %get3A_1349 = arith.index_cast %get3A_1348 : i32 to index
      %get3A_1350 = arith.index_cast %multiple_of3A : i32 to index
      %get3A_1351 = tpu.vector_load %arg6[%get3A_1349, %get3A_1350] {strides = array<i32>} : memref<64x128xf32, #tpu.memory_space<vmem>>, vector<16xf32>,
      %sub3A_1352 = arith.subf %get3A_1347, %max3A_722 : vector<16xf32>
      %exp3A_1353 = math.exp %sub3A_1352 : vector<16xf32>
      %add3A_1354 = arith.addf %add3A_1286, %exp3A_1353 : vector<16xf32>
      %sub3A_1355 = arith.subf %get3A_1347, %get3A_1351 : vector<16xf32>
      %mul3A_1356 = arith.mulf %exp3A_1353, %sub3A_1355 : vector<16xf32>
      %add3A_1357 = arith.addf %add3A_1289, %mul3A_1356 : vector<16xf32>
      %sub3A_1358 = arith.subf %get3A_1351, %max3A_725 : vector<16xf32>
      %exp3A_1359 = math.exp %sub3A_1358 : vector<16xf32>
      %add3A_1360 = arith.addf %add3A_1292, %exp3A_1359 : vector<16xf32>
      %get3A_1361 = arith.constant 36 : i32
      %get3A_1362 = arith.index_cast %get3A_1361 : i32 to index
      %get3A_1363 = arith.index_cast %multiple_of3A : i32 to index
      %get3A_1364 = tpu.vector_load %arg5[%get3A_1362, %get3A_1363] {strides = array<i32>} : memref<64x128xf32, #tpu.memory_space<vmem>>, vector<16xf32>,
      %get3A_1365 = arith.constant 36 : i32
      %get3A_1366 = arith.index_cast %get3A_1365 : i32 to index
      %get3A_1367 = arith.index_cast %multiple_of3A : i32 to index
      %get3A_1368 = tpu.vector_load %arg6[%get3A_1366, %get3A_1367] {strides = array<i32>} : memref<64x128xf32, #tpu.memory_space<vmem>>, vector<16xf32>,
      %sub3A_1369 = arith.subf %get3A_1364, %max3A_722 : vector<16xf32>
      %exp3A_1370 = math.exp %sub3A_1369 : vector<16xf32>
      %add3A_1371 = arith.addf %add3A_1303, %exp3A_1370 : vector<16xf32>
      %sub3A_1372 = arith.subf %get3A_1364, %get3A_1368 : vector<16xf32>
      %mul3A_1373 = arith.mulf %exp3A_1370, %sub3A_1372 : vector<16xf32>
      %add3A_1374 = arith.addf %add3A_1306, %mul3A_1373 : vector<16xf32>
      %sub3A_1375 = arith.subf %get3A_1368, %max3A_725 : vector<16xf32>
      %exp3A_1376 = math.exp %sub3A_1375 : vector<16xf32>
      %add3A_1377 = arith.addf %add3A_1309, %exp3A_1376 : vector<16xf32>
      %get3A_1378 = arith.constant 37 : i32
      %get3A_1379 = arith.index_cast %get3A_1378 : i32 to index
      %get3A_1380 = arith.index_cast %multiple_of3A : i32 to index
      %get3A_1381 = tpu.vector_load %arg5[%get3A_1379, %get3A_1380] {strides = array<i32>} : memref<64x128xf32, #tpu.memory_space<vmem>>, vector<16xf32>,
      %get3A_1382 = arith.constant 37 : i32
      %get3A_1383 = arith.index_cast %get3A_1382 : i32 to index
      %get3A_1384 = arith.index_cast %multiple_of3A : i32 to index
      %get3A_1385 = tpu.vector_load %arg6[%get3A_1383, %get3A_1384] {strides = array<i32>} : memref<64x128xf32, #tpu.memory_space<vmem>>, vector<16xf32>,
      %sub3A_1386 = arith.subf %get3A_1381, %max3A_722 : vector<16xf32>
      %exp3A_1387 = math.exp %sub3A_1386 : vector<16xf32>
      %add3A_1388 = arith.addf %add3A_1320, %exp3A_1387 : vector<16xf32>
      %sub3A_1389 = arith.subf %get3A_1381, %get3A_1385 : vector<16xf32>
      %mul3A_1390 = arith.mulf %exp3A_1387, %sub3A_1389 : vector<16xf32>
      %add3A_1391 = arith.addf %add3A_1323, %mul3A_1390 : vector<16xf32>
      %sub3A_1392 = arith.subf %get3A_1385, %max3A_725 : vector<16xf32>
      %exp3A_1393 = math.exp %sub3A_1392 : vector<16xf32>
      %add3A_1394 = arith.addf %add3A_1326, %exp3A_1393 : vector<16xf32>
      %get3A_1395 = arith.constant 38 : i32
      %get3A_1396 = arith.index_cast %get3A_1395 : i32 to index
      %get3A_1397 = arith.index_cast %multiple_of3A : i32 to index
      %get3A_1398 = tpu.vector_load %arg5[%get3A_1396, %get3A_1397] {strides = array<i32>} : memref<64x128xf32, #tpu.memory_space<vmem>>, vector<16xf32>,
      %get3A_1399 = arith.constant 38 : i32
      %get3A_1400 = arith.index_cast %get3A_1399 : i32 to index
      %get3A_1401 = arith.index_cast %multiple_of3A : i32 to index
      %get3A_1402 = tpu.vector_load %arg6[%get3A_1400, %get3A_1401] {strides = array<i32>} : memref<64x128xf32, #tpu.memory_space<vmem>>, vector<16xf32>,
      %sub3A_1403 = arith.subf %get3A_1398, %max3A_722 : vector<16xf32>
      %exp3A_1404 = math.exp %sub3A_1403 : vector<16xf32>
      %add3A_1405 = arith.addf %add3A_1337, %exp3A_1404 : vector<16xf32>
      %sub3A_1406 = arith.subf %get3A_1398, %get3A_1402 : vector<16xf32>
      %mul3A_1407 = arith.mulf %exp3A_1404, %sub3A_1406 : vector<16xf32>
      %add3A_1408 = arith.addf %add3A_1340, %mul3A_1407 : vector<16xf32>
      %sub3A_1409 = arith.subf %get3A_1402, %max3A_725 : vector<16xf32>
      %exp3A_1410 = math.exp %sub3A_1409 : vector<16xf32>
      %add3A_1411 = arith.addf %add3A_1343, %exp3A_1410 : vector<16xf32>
      %get3A_1412 = arith.constant 39 : i32
      %get3A_1413 = arith.index_cast %get3A_1412 : i32 to index
      %get3A_1414 = arith.index_cast %multiple_of3A : i32 to index
      %get3A_1415 = tpu.vector_load %arg5[%get3A_1413, %get3A_1414] {strides = array<i32>} : memref<64x128xf32, #tpu.memory_space<vmem>>, vector<16xf32>,
      %get3A_1416 = arith.constant 39 : i32
      %get3A_1417 = arith.index_cast %get3A_1416 : i32 to index
      %get3A_1418 = arith.index_cast %multiple_of3A : i32 to index
      %get3A_1419 = tpu.vector_load %arg6[%get3A_1417, %get3A_1418] {strides = array<i32>} : memref<64x128xf32, #tpu.memory_space<vmem>>, vector<16xf32>,
      %sub3A_1420 = arith.subf %get3A_1415, %max3A_722 : vector<16xf32>
      %exp3A_1421 = math.exp %sub3A_1420 : vector<16xf32>
      %add3A_1422 = arith.addf %add3A_1354, %exp3A_1421 : vector<16xf32>
      %sub3A_1423 = arith.subf %get3A_1415, %get3A_1419 : vector<16xf32>
      %mul3A_1424 = arith.mulf %exp3A_1421, %sub3A_1423 : vector<16xf32>
      %add3A_1425 = arith.addf %add3A_1357, %mul3A_1424 : vector<16xf32>
      %sub3A_1426 = arith.subf %get3A_1419, %max3A_725 : vector<16xf32>
      %exp3A_1427 = math.exp %sub3A_1426 : vector<16xf32>
      %add3A_1428 = arith.addf %add3A_1360, %exp3A_1427 : vector<16xf32>
      %get3A_1429 = arith.constant 40 : i32
      %get3A_1430 = arith.index_cast %get3A_1429 : i32 to index
      %get3A_1431 = arith.index_cast %multiple_of3A : i32 to index
      %get3A_1432 = tpu.vector_load %arg5[%get3A_1430, %get3A_1431] {strides = array<i32>} : memref<64x128xf32, #tpu.memory_space<vmem>>, vector<16xf32>,
      %get3A_1433 = arith.constant 40 : i32
      %get3A_1434 = arith.index_cast %get3A_1433 : i32 to index
      %get3A_1435 = arith.index_cast %multiple_of3A : i32 to index
      %get3A_1436 = tpu.vector_load %arg6[%get3A_1434, %get3A_1435] {strides = array<i32>} : memref<64x128xf32, #tpu.memory_space<vmem>>, vector<16xf32>,
      %sub3A_1437 = arith.subf %get3A_1432, %max3A_722 : vector<16xf32>
      %exp3A_1438 = math.exp %sub3A_1437 : vector<16xf32>
      %add3A_1439 = arith.addf %add3A_1371, %exp3A_1438 : vector<16xf32>
      %sub3A_1440 = arith.subf %get3A_1432, %get3A_1436 : vector<16xf32>
      %mul3A_1441 = arith.mulf %exp3A_1438, %sub3A_1440 : vector<16xf32>
      %add3A_1442 = arith.addf %add3A_1374, %mul3A_1441 : vector<16xf32>
      %sub3A_1443 = arith.subf %get3A_1436, %max3A_725 : vector<16xf32>
      %exp3A_1444 = math.exp %sub3A_1443 : vector<16xf32>
      %add3A_1445 = arith.addf %add3A_1377, %exp3A_1444 : vector<16xf32>
      %get3A_1446 = arith.constant 41 : i32
      %get3A_1447 = arith.index_cast %get3A_1446 : i32 to index
      %get3A_1448 = arith.index_cast %multiple_of3A : i32 to index
      %get3A_1449 = tpu.vector_load %arg5[%get3A_1447, %get3A_1448] {strides = array<i32>} : memref<64x128xf32, #tpu.memory_space<vmem>>, vector<16xf32>,
      %get3A_1450 = arith.constant 41 : i32
      %get3A_1451 = arith.index_cast %get3A_1450 : i32 to index
      %get3A_1452 = arith.index_cast %multiple_of3A : i32 to index
      %get3A_1453 = tpu.vector_load %arg6[%get3A_1451, %get3A_1452] {strides = array<i32>} : memref<64x128xf32, #tpu.memory_space<vmem>>, vector<16xf32>,
      %sub3A_1454 = arith.subf %get3A_1449, %max3A_722 : vector<16xf32>
      %exp3A_1455 = math.exp %sub3A_1454 : vector<16xf32>
      %add3A_1456 = arith.addf %add3A_1388, %exp3A_1455 : vector<16xf32>
      %sub3A_1457 = arith.subf %get3A_1449, %get3A_1453 : vector<16xf32>
      %mul3A_1458 = arith.mulf %exp3A_1455, %sub3A_1457 : vector<16xf32>
      %add3A_1459 = arith.addf %add3A_1391, %mul3A_1458 : vector<16xf32>
      %sub3A_1460 = arith.subf %get3A_1453, %max3A_725 : vector<16xf32>
      %exp3A_1461 = math.exp %sub3A_1460 : vector<16xf32>
      %add3A_1462 = arith.addf %add3A_1394, %exp3A_1461 : vector<16xf32>
      %get3A_1463 = arith.constant 42 : i32
      %get3A_1464 = arith.index_cast %get3A_1463 : i32 to index
      %get3A_1465 = arith.index_cast %multiple_of3A : i32 to index
      %get3A_1466 = tpu.vector_load %arg5[%get3A_1464, %get3A_1465] {strides = array<i32>} : memref<64x128xf32, #tpu.memory_space<vmem>>, vector<16xf32>,
      %get3A_1467 = arith.constant 42 : i32
      %get3A_1468 = arith.index_cast %get3A_1467 : i32 to index
      %get3A_1469 = arith.index_cast %multiple_of3A : i32 to index
      %get3A_1470 = tpu.vector_load %arg6[%get3A_1468, %get3A_1469] {strides = array<i32>} : memref<64x128xf32, #tpu.memory_space<vmem>>, vector<16xf32>,
      %sub3A_1471 = arith.subf %get3A_1466, %max3A_722 : vector<16xf32>
      %exp3A_1472 = math.exp %sub3A_1471 : vector<16xf32>
      %add3A_1473 = arith.addf %add3A_1405, %exp3A_1472 : vector<16xf32>
      %sub3A_1474 = arith.subf %get3A_1466, %get3A_1470 : vector<16xf32>
      %mul3A_1475 = arith.mulf %exp3A_1472, %sub3A_1474 : vector<16xf32>
      %add3A_1476 = arith.addf %add3A_1408, %mul3A_1475 : vector<16xf32>
      %sub3A_1477 = arith.subf %get3A_1470, %max3A_725 : vector<16xf32>
      %exp3A_1478 = math.exp %sub3A_1477 : vector<16xf32>
      %add3A_1479 = arith.addf %add3A_1411, %exp3A_1478 : vector<16xf32>
      %get3A_1480 = arith.constant 43 : i32
      %get3A_1481 = arith.index_cast %get3A_1480 : i32 to index
      %get3A_1482 = arith.index_cast %multiple_of3A : i32 to index
      %get3A_1483 = tpu.vector_load %arg5[%get3A_1481, %get3A_1482] {strides = array<i32>} : memref<64x128xf32, #tpu.memory_space<vmem>>, vector<16xf32>,
      %get3A_1484 = arith.constant 43 : i32
      %get3A_1485 = arith.index_cast %get3A_1484 : i32 to index
      %get3A_1486 = arith.index_cast %multiple_of3A : i32 to index
      %get3A_1487 = tpu.vector_load %arg6[%get3A_1485, %get3A_1486] {strides = array<i32>} : memref<64x128xf32, #tpu.memory_space<vmem>>, vector<16xf32>,
      %sub3A_1488 = arith.subf %get3A_1483, %max3A_722 : vector<16xf32>
      %exp3A_1489 = math.exp %sub3A_1488 : vector<16xf32>
      %add3A_1490 = arith.addf %add3A_1422, %exp3A_1489 : vector<16xf32>
      %sub3A_1491 = arith.subf %get3A_1483, %get3A_1487 : vector<16xf32>
      %mul3A_1492 = arith.mulf %exp3A_1489, %sub3A_1491 : vector<16xf32>
      %add3A_1493 = arith.addf %add3A_1425, %mul3A_1492 : vector<16xf32>
      %sub3A_1494 = arith.subf %get3A_1487, %max3A_725 : vector<16xf32>
      %exp3A_1495 = math.exp %sub3A_1494 : vector<16xf32>
      %add3A_1496 = arith.addf %add3A_1428, %exp3A_1495 : vector<16xf32>
      %get3A_1497 = arith.constant 44 : i32
      %get3A_1498 = arith.index_cast %get3A_1497 : i32 to index
      %get3A_1499 = arith.index_cast %multiple_of3A : i32 to index
      %get3A_1500 = tpu.vector_load %arg5[%get3A_1498, %get3A_1499] {strides = array<i32>} : memref<64x128xf32, #tpu.memory_space<vmem>>, vector<16xf32>,
      %get3A_1501 = arith.constant 44 : i32
      %get3A_1502 = arith.index_cast %get3A_1501 : i32 to index
      %get3A_1503 = arith.index_cast %multiple_of3A : i32 to index
      %get3A_1504 = tpu.vector_load %arg6[%get3A_1502, %get3A_1503] {strides = array<i32>} : memref<64x128xf32, #tpu.memory_space<vmem>>, vector<16xf32>,
      %sub3A_1505 = arith.subf %get3A_1500, %max3A_722 : vector<16xf32>
      %exp3A_1506 = math.exp %sub3A_1505 : vector<16xf32>
      %add3A_1507 = arith.addf %add3A_1439, %exp3A_1506 : vector<16xf32>
      %sub3A_1508 = arith.subf %get3A_1500, %get3A_1504 : vector<16xf32>
      %mul3A_1509 = arith.mulf %exp3A_1506, %sub3A_1508 : vector<16xf32>
      %add3A_1510 = arith.addf %add3A_1442, %mul3A_1509 : vector<16xf32>
      %sub3A_1511 = arith.subf %get3A_1504, %max3A_725 : vector<16xf32>
      %exp3A_1512 = math.exp %sub3A_1511 : vector<16xf32>
      %add3A_1513 = arith.addf %add3A_1445, %exp3A_1512 : vector<16xf32>
      %get3A_1514 = arith.constant 45 : i32
      %get3A_1515 = arith.index_cast %get3A_1514 : i32 to index
      %get3A_1516 = arith.index_cast %multiple_of3A : i32 to index
      %get3A_1517 = tpu.vector_load %arg5[%get3A_1515, %get3A_1516] {strides = array<i32>} : memref<64x128xf32, #tpu.memory_space<vmem>>, vector<16xf32>,
      %get3A_1518 = arith.constant 45 : i32
      %get3A_1519 = arith.index_cast %get3A_1518 : i32 to index
      %get3A_1520 = arith.index_cast %multiple_of3A : i32 to index
      %get3A_1521 = tpu.vector_load %arg6[%get3A_1519, %get3A_1520] {strides = array<i32>} : memref<64x128xf32, #tpu.memory_space<vmem>>, vector<16xf32>,
      %sub3A_1522 = arith.subf %get3A_1517, %max3A_722 : vector<16xf32>
      %exp3A_1523 = math.exp %sub3A_1522 : vector<16xf32>
      %add3A_1524 = arith.addf %add3A_1456, %exp3A_1523 : vector<16xf32>
      %sub3A_1525 = arith.subf %get3A_1517, %get3A_1521 : vector<16xf32>
      %mul3A_1526 = arith.mulf %exp3A_1523, %sub3A_1525 : vector<16xf32>
      %add3A_1527 = arith.addf %add3A_1459, %mul3A_1526 : vector<16xf32>
      %sub3A_1528 = arith.subf %get3A_1521, %max3A_725 : vector<16xf32>
      %exp3A_1529 = math.exp %sub3A_1528 : vector<16xf32>
      %add3A_1530 = arith.addf %add3A_1462, %exp3A_1529 : vector<16xf32>
      %get3A_1531 = arith.constant 46 : i32
      %get3A_1532 = arith.index_cast %get3A_1531 : i32 to index
      %get3A_1533 = arith.index_cast %multiple_of3A : i32 to index
      %get3A_1534 = tpu.vector_load %arg5[%get3A_1532, %get3A_1533] {strides = array<i32>} : memref<64x128xf32, #tpu.memory_space<vmem>>, vector<16xf32>,
      %get3A_1535 = arith.constant 46 : i32
      %get3A_1536 = arith.index_cast %get3A_1535 : i32 to index
      %get3A_1537 = arith.index_cast %multiple_of3A : i32 to index
      %get3A_1538 = tpu.vector_load %arg6[%get3A_1536, %get3A_1537] {strides = array<i32>} : memref<64x128xf32, #tpu.memory_space<vmem>>, vector<16xf32>,
      %sub3A_1539 = arith.subf %get3A_1534, %max3A_722 : vector<16xf32>
      %exp3A_1540 = math.exp %sub3A_1539 : vector<16xf32>
      %add3A_1541 = arith.addf %add3A_1473, %exp3A_1540 : vector<16xf32>
      %sub3A_1542 = arith.subf %get3A_1534, %get3A_1538 : vector<16xf32>
      %mul3A_1543 = arith.mulf %exp3A_1540, %sub3A_1542 : vector<16xf32>
      %add3A_1544 = arith.addf %add3A_1476, %mul3A_1543 : vector<16xf32>
      %sub3A_1545 = arith.subf %get3A_1538, %max3A_725 : vector<16xf32>
      %exp3A_1546 = math.exp %sub3A_1545 : vector<16xf32>
      %add3A_1547 = arith.addf %add3A_1479, %exp3A_1546 : vector<16xf32>
      %get3A_1548 = arith.constant 47 : i32
      %get3A_1549 = arith.index_cast %get3A_1548 : i32 to index
      %get3A_1550 = arith.index_cast %multiple_of3A : i32 to index
      %get3A_1551 = tpu.vector_load %arg5[%get3A_1549, %get3A_1550] {strides = array<i32>} : memref<64x128xf32, #tpu.memory_space<vmem>>, vector<16xf32>,
      %get3A_1552 = arith.constant 47 : i32
      %get3A_1553 = arith.index_cast %get3A_1552 : i32 to index
      %get3A_1554 = arith.index_cast %multiple_of3A : i32 to index
      %get3A_1555 = tpu.vector_load %arg6[%get3A_1553, %get3A_1554] {strides = array<i32>} : memref<64x128xf32, #tpu.memory_space<vmem>>, vector<16xf32>,
      %sub3A_1556 = arith.subf %get3A_1551, %max3A_722 : vector<16xf32>
      %exp3A_1557 = math.exp %sub3A_1556 : vector<16xf32>
      %add3A_1558 = arith.addf %add3A_1490, %exp3A_1557 : vector<16xf32>
      %sub3A_1559 = arith.subf %get3A_1551, %get3A_1555 : vector<16xf32>
      %mul3A_1560 = arith.mulf %exp3A_1557, %sub3A_1559 : vector<16xf32>
      %add3A_1561 = arith.addf %add3A_1493, %mul3A_1560 : vector<16xf32>
      %sub3A_1562 = arith.subf %get3A_1555, %max3A_725 : vector<16xf32>
      %exp3A_1563 = math.exp %sub3A_1562 : vector<16xf32>
      %add3A_1564 = arith.addf %add3A_1496, %exp3A_1563 : vector<16xf32>
      %get3A_1565 = arith.constant 48 : i32
      %get3A_1566 = arith.index_cast %get3A_1565 : i32 to index
      %get3A_1567 = arith.index_cast %multiple_of3A : i32 to index
      %get3A_1568 = tpu.vector_load %arg5[%get3A_1566, %get3A_1567] {strides = array<i32>} : memref<64x128xf32, #tpu.memory_space<vmem>>, vector<16xf32>,
      %get3A_1569 = arith.constant 48 : i32
      %get3A_1570 = arith.index_cast %get3A_1569 : i32 to index
      %get3A_1571 = arith.index_cast %multiple_of3A : i32 to index
      %get3A_1572 = tpu.vector_load %arg6[%get3A_1570, %get3A_1571] {strides = array<i32>} : memref<64x128xf32, #tpu.memory_space<vmem>>, vector<16xf32>,
      %sub3A_1573 = arith.subf %get3A_1568, %max3A_722 : vector<16xf32>
      %exp3A_1574 = math.exp %sub3A_1573 : vector<16xf32>
      %add3A_1575 = arith.addf %add3A_1507, %exp3A_1574 : vector<16xf32>
      %sub3A_1576 = arith.subf %get3A_1568, %get3A_1572 : vector<16xf32>
      %mul3A_1577 = arith.mulf %exp3A_1574, %sub3A_1576 : vector<16xf32>
      %add3A_1578 = arith.addf %add3A_1510, %mul3A_1577 : vector<16xf32>
      %sub3A_1579 = arith.subf %get3A_1572, %max3A_725 : vector<16xf32>
      %exp3A_1580 = math.exp %sub3A_1579 : vector<16xf32>
      %add3A_1581 = arith.addf %add3A_1513, %exp3A_1580 : vector<16xf32>
      %get3A_1582 = arith.constant 49 : i32
      %get3A_1583 = arith.index_cast %get3A_1582 : i32 to index
      %get3A_1584 = arith.index_cast %multiple_of3A : i32 to index
      %get3A_1585 = tpu.vector_load %arg5[%get3A_1583, %get3A_1584] {strides = array<i32>} : memref<64x128xf32, #tpu.memory_space<vmem>>, vector<16xf32>,
      %get3A_1586 = arith.constant 49 : i32
      %get3A_1587 = arith.index_cast %get3A_1586 : i32 to index
      %get3A_1588 = arith.index_cast %multiple_of3A : i32 to index
      %get3A_1589 = tpu.vector_load %arg6[%get3A_1587, %get3A_1588] {strides = array<i32>} : memref<64x128xf32, #tpu.memory_space<vmem>>, vector<16xf32>,
      %sub3A_1590 = arith.subf %get3A_1585, %max3A_722 : vector<16xf32>
      %exp3A_1591 = math.exp %sub3A_1590 : vector<16xf32>
      %add3A_1592 = arith.addf %add3A_1524, %exp3A_1591 : vector<16xf32>
      %sub3A_1593 = arith.subf %get3A_1585, %get3A_1589 : vector<16xf32>
      %mul3A_1594 = arith.mulf %exp3A_1591, %sub3A_1593 : vector<16xf32>
      %add3A_1595 = arith.addf %add3A_1527, %mul3A_1594 : vector<16xf32>
      %sub3A_1596 = arith.subf %get3A_1589, %max3A_725 : vector<16xf32>
      %exp3A_1597 = math.exp %sub3A_1596 : vector<16xf32>
      %add3A_1598 = arith.addf %add3A_1530, %exp3A_1597 : vector<16xf32>
      %get3A_1599 = arith.constant 50 : i32
      %get3A_1600 = arith.index_cast %get3A_1599 : i32 to index
      %get3A_1601 = arith.index_cast %multiple_of3A : i32 to index
      %get3A_1602 = tpu.vector_load %arg5[%get3A_1600, %get3A_1601] {strides = array<i32>} : memref<64x128xf32, #tpu.memory_space<vmem>>, vector<16xf32>,
      %get3A_1603 = arith.constant 50 : i32
      %get3A_1604 = arith.index_cast %get3A_1603 : i32 to index
      %get3A_1605 = arith.index_cast %multiple_of3A : i32 to index
      %get3A_1606 = tpu.vector_load %arg6[%get3A_1604, %get3A_1605] {strides = array<i32>} : memref<64x128xf32, #tpu.memory_space<vmem>>, vector<16xf32>,
      %sub3A_1607 = arith.subf %get3A_1602, %max3A_722 : vector<16xf32>
      %exp3A_1608 = math.exp %sub3A_1607 : vector<16xf32>
      %add3A_1609 = arith.addf %add3A_1541, %exp3A_1608 : vector<16xf32>
      %sub3A_1610 = arith.subf %get3A_1602, %get3A_1606 : vector<16xf32>
      %mul3A_1611 = arith.mulf %exp3A_1608, %sub3A_1610 : vector<16xf32>
      %add3A_1612 = arith.addf %add3A_1544, %mul3A_1611 : vector<16xf32>
      %sub3A_1613 = arith.subf %get3A_1606, %max3A_725 : vector<16xf32>
      %exp3A_1614 = math.exp %sub3A_1613 : vector<16xf32>
      %add3A_1615 = arith.addf %add3A_1547, %exp3A_1614 : vector<16xf32>
      %get3A_1616 = arith.constant 51 : i32
      %get3A_1617 = arith.index_cast %get3A_1616 : i32 to index
      %get3A_1618 = arith.index_cast %multiple_of3A : i32 to index
      %get3A_1619 = tpu.vector_load %arg5[%get3A_1617, %get3A_1618] {strides = array<i32>} : memref<64x128xf32, #tpu.memory_space<vmem>>, vector<16xf32>,
      %get3A_1620 = arith.constant 51 : i32
      %get3A_1621 = arith.index_cast %get3A_1620 : i32 to index
      %get3A_1622 = arith.index_cast %multiple_of3A : i32 to index
      %get3A_1623 = tpu.vector_load %arg6[%get3A_1621, %get3A_1622] {strides = array<i32>} : memref<64x128xf32, #tpu.memory_space<vmem>>, vector<16xf32>,
      %sub3A_1624 = arith.subf %get3A_1619, %max3A_722 : vector<16xf32>
      %exp3A_1625 = math.exp %sub3A_1624 : vector<16xf32>
      %add3A_1626 = arith.addf %add3A_1558, %exp3A_1625 : vector<16xf32>
      %sub3A_1627 = arith.subf %get3A_1619, %get3A_1623 : vector<16xf32>
      %mul3A_1628 = arith.mulf %exp3A_1625, %sub3A_1627 : vector<16xf32>
      %add3A_1629 = arith.addf %add3A_1561, %mul3A_1628 : vector<16xf32>
      %sub3A_1630 = arith.subf %get3A_1623, %max3A_725 : vector<16xf32>
      %exp3A_1631 = math.exp %sub3A_1630 : vector<16xf32>
      %add3A_1632 = arith.addf %add3A_1564, %exp3A_1631 : vector<16xf32>
      %get3A_1633 = arith.constant 52 : i32
      %get3A_1634 = arith.index_cast %get3A_1633 : i32 to index
      %get3A_1635 = arith.index_cast %multiple_of3A : i32 to index
      %get3A_1636 = tpu.vector_load %arg5[%get3A_1634, %get3A_1635] {strides = array<i32>} : memref<64x128xf32, #tpu.memory_space<vmem>>, vector<16xf32>,
      %get3A_1637 = arith.constant 52 : i32
      %get3A_1638 = arith.index_cast %get3A_1637 : i32 to index
      %get3A_1639 = arith.index_cast %multiple_of3A : i32 to index
      %get3A_1640 = tpu.vector_load %arg6[%get3A_1638, %get3A_1639] {strides = array<i32>} : memref<64x128xf32, #tpu.memory_space<vmem>>, vector<16xf32>,
      %sub3A_1641 = arith.subf %get3A_1636, %max3A_722 : vector<16xf32>
      %exp3A_1642 = math.exp %sub3A_1641 : vector<16xf32>
      %add3A_1643 = arith.addf %add3A_1575, %exp3A_1642 : vector<16xf32>
      %sub3A_1644 = arith.subf %get3A_1636, %get3A_1640 : vector<16xf32>
      %mul3A_1645 = arith.mulf %exp3A_1642, %sub3A_1644 : vector<16xf32>
      %add3A_1646 = arith.addf %add3A_1578, %mul3A_1645 : vector<16xf32>
      %sub3A_1647 = arith.subf %get3A_1640, %max3A_725 : vector<16xf32>
      %exp3A_1648 = math.exp %sub3A_1647 : vector<16xf32>
      %add3A_1649 = arith.addf %add3A_1581, %exp3A_1648 : vector<16xf32>
      %get3A_1650 = arith.constant 53 : i32
      %get3A_1651 = arith.index_cast %get3A_1650 : i32 to index
      %get3A_1652 = arith.index_cast %multiple_of3A : i32 to index
      %get3A_1653 = tpu.vector_load %arg5[%get3A_1651, %get3A_1652] {strides = array<i32>} : memref<64x128xf32, #tpu.memory_space<vmem>>, vector<16xf32>,
      %get3A_1654 = arith.constant 53 : i32
      %get3A_1655 = arith.index_cast %get3A_1654 : i32 to index
      %get3A_1656 = arith.index_cast %multiple_of3A : i32 to index
      %get3A_1657 = tpu.vector_load %arg6[%get3A_1655, %get3A_1656] {strides = array<i32>} : memref<64x128xf32, #tpu.memory_space<vmem>>, vector<16xf32>,
      %sub3A_1658 = arith.subf %get3A_1653, %max3A_722 : vector<16xf32>
      %exp3A_1659 = math.exp %sub3A_1658 : vector<16xf32>
      %add3A_1660 = arith.addf %add3A_1592, %exp3A_1659 : vector<16xf32>
      %sub3A_1661 = arith.subf %get3A_1653, %get3A_1657 : vector<16xf32>
      %mul3A_1662 = arith.mulf %exp3A_1659, %sub3A_1661 : vector<16xf32>
      %add3A_1663 = arith.addf %add3A_1595, %mul3A_1662 : vector<16xf32>
      %sub3A_1664 = arith.subf %get3A_1657, %max3A_725 : vector<16xf32>
      %exp3A_1665 = math.exp %sub3A_1664 : vector<16xf32>
      %add3A_1666 = arith.addf %add3A_1598, %exp3A_1665 : vector<16xf32>
      %get3A_1667 = arith.constant 54 : i32
      %get3A_1668 = arith.index_cast %get3A_1667 : i32 to index
      %get3A_1669 = arith.index_cast %multiple_of3A : i32 to index
      %get3A_1670 = tpu.vector_load %arg5[%get3A_1668, %get3A_1669] {strides = array<i32>} : memref<64x128xf32, #tpu.memory_space<vmem>>, vector<16xf32>,
      %get3A_1671 = arith.constant 54 : i32
      %get3A_1672 = arith.index_cast %get3A_1671 : i32 to index
      %get3A_1673 = arith.index_cast %multiple_of3A : i32 to index
      %get3A_1674 = tpu.vector_load %arg6[%get3A_1672, %get3A_1673] {strides = array<i32>} : memref<64x128xf32, #tpu.memory_space<vmem>>, vector<16xf32>,
      %sub3A_1675 = arith.subf %get3A_1670, %max3A_722 : vector<16xf32>
      %exp3A_1676 = math.exp %sub3A_1675 : vector<16xf32>
      %add3A_1677 = arith.addf %add3A_1609, %exp3A_1676 : vector<16xf32>
      %sub3A_1678 = arith.subf %get3A_1670, %get3A_1674 : vector<16xf32>
      %mul3A_1679 = arith.mulf %exp3A_1676, %sub3A_1678 : vector<16xf32>
      %add3A_1680 = arith.addf %add3A_1612, %mul3A_1679 : vector<16xf32>
      %sub3A_1681 = arith.subf %get3A_1674, %max3A_725 : vector<16xf32>
      %exp3A_1682 = math.exp %sub3A_1681 : vector<16xf32>
      %add3A_1683 = arith.addf %add3A_1615, %exp3A_1682 : vector<16xf32>
      %get3A_1684 = arith.constant 55 : i32
      %get3A_1685 = arith.index_cast %get3A_1684 : i32 to index
      %get3A_1686 = arith.index_cast %multiple_of3A : i32 to index
      %get3A_1687 = tpu.vector_load %arg5[%get3A_1685, %get3A_1686] {strides = array<i32>} : memref<64x128xf32, #tpu.memory_space<vmem>>, vector<16xf32>,
      %get3A_1688 = arith.constant 55 : i32
      %get3A_1689 = arith.index_cast %get3A_1688 : i32 to index
      %get3A_1690 = arith.index_cast %multiple_of3A : i32 to index
      %get3A_1691 = tpu.vector_load %arg6[%get3A_1689, %get3A_1690] {strides = array<i32>} : memref<64x128xf32, #tpu.memory_space<vmem>>, vector<16xf32>,
      %sub3A_1692 = arith.subf %get3A_1687, %max3A_722 : vector<16xf32>
      %exp3A_1693 = math.exp %sub3A_1692 : vector<16xf32>
      %add3A_1694 = arith.addf %add3A_1626, %exp3A_1693 : vector<16xf32>
      %sub3A_1695 = arith.subf %get3A_1687, %get3A_1691 : vector<16xf32>
      %mul3A_1696 = arith.mulf %exp3A_1693, %sub3A_1695 : vector<16xf32>
      %add3A_1697 = arith.addf %add3A_1629, %mul3A_1696 : vector<16xf32>
      %sub3A_1698 = arith.subf %get3A_1691, %max3A_725 : vector<16xf32>
      %exp3A_1699 = math.exp %sub3A_1698 : vector<16xf32>
      %add3A_1700 = arith.addf %add3A_1632, %exp3A_1699 : vector<16xf32>
      %get3A_1701 = arith.constant 56 : i32
      %get3A_1702 = arith.index_cast %get3A_1701 : i32 to index
      %get3A_1703 = arith.index_cast %multiple_of3A : i32 to index
      %get3A_1704 = tpu.vector_load %arg5[%get3A_1702, %get3A_1703] {strides = array<i32>} : memref<64x128xf32, #tpu.memory_space<vmem>>, vector<16xf32>,
      %get3A_1705 = arith.constant 56 : i32
      %get3A_1706 = arith.index_cast %get3A_1705 : i32 to index
      %get3A_1707 = arith.index_cast %multiple_of3A : i32 to index
      %get3A_1708 = tpu.vector_load %arg6[%get3A_1706, %get3A_1707] {strides = array<i32>} : memref<64x128xf32, #tpu.memory_space<vmem>>, vector<16xf32>,
      %sub3A_1709 = arith.subf %get3A_1704, %max3A_722 : vector<16xf32>
      %exp3A_1710 = math.exp %sub3A_1709 : vector<16xf32>
      %add3A_1711 = arith.addf %add3A_1643, %exp3A_1710 : vector<16xf32>
      %sub3A_1712 = arith.subf %get3A_1704, %get3A_1708 : vector<16xf32>
      %mul3A_1713 = arith.mulf %exp3A_1710, %sub3A_1712 : vector<16xf32>
      %add3A_1714 = arith.addf %add3A_1646, %mul3A_1713 : vector<16xf32>
      %sub3A_1715 = arith.subf %get3A_1708, %max3A_725 : vector<16xf32>
      %exp3A_1716 = math.exp %sub3A_1715 : vector<16xf32>
      %add3A_1717 = arith.addf %add3A_1649, %exp3A_1716 : vector<16xf32>
      %get3A_1718 = arith.constant 57 : i32
      %get3A_1719 = arith.index_cast %get3A_1718 : i32 to index
      %get3A_1720 = arith.index_cast %multiple_of3A : i32 to index
      %get3A_1721 = tpu.vector_load %arg5[%get3A_1719, %get3A_1720] {strides = array<i32>} : memref<64x128xf32, #tpu.memory_space<vmem>>, vector<16xf32>,
      %get3A_1722 = arith.constant 57 : i32
      %get3A_1723 = arith.index_cast %get3A_1722 : i32 to index
      %get3A_1724 = arith.index_cast %multiple_of3A : i32 to index
      %get3A_1725 = tpu.vector_load %arg6[%get3A_1723, %get3A_1724] {strides = array<i32>} : memref<64x128xf32, #tpu.memory_space<vmem>>, vector<16xf32>,
      %sub3A_1726 = arith.subf %get3A_1721, %max3A_722 : vector<16xf32>
      %exp3A_1727 = math.exp %sub3A_1726 : vector<16xf32>
      %add3A_1728 = arith.addf %add3A_1660, %exp3A_1727 : vector<16xf32>
      %sub3A_1729 = arith.subf %get3A_1721, %get3A_1725 : vector<16xf32>
      %mul3A_1730 = arith.mulf %exp3A_1727, %sub3A_1729 : vector<16xf32>
      %add3A_1731 = arith.addf %add3A_1663, %mul3A_1730 : vector<16xf32>
      %sub3A_1732 = arith.subf %get3A_1725, %max3A_725 : vector<16xf32>
      %exp3A_1733 = math.exp %sub3A_1732 : vector<16xf32>
      %add3A_1734 = arith.addf %add3A_1666, %exp3A_1733 : vector<16xf32>
      %get3A_1735 = arith.constant 58 : i32
      %get3A_1736 = arith.index_cast %get3A_1735 : i32 to index
      %get3A_1737 = arith.index_cast %multiple_of3A : i32 to index
      %get3A_1738 = tpu.vector_load %arg5[%get3A_1736, %get3A_1737] {strides = array<i32>} : memref<64x128xf32, #tpu.memory_space<vmem>>, vector<16xf32>,
      %get3A_1739 = arith.constant 58 : i32
      %get3A_1740 = arith.index_cast %get3A_1739 : i32 to index
      %get3A_1741 = arith.index_cast %multiple_of3A : i32 to index
      %get3A_1742 = tpu.vector_load %arg6[%get3A_1740, %get3A_1741] {strides = array<i32>} : memref<64x128xf32, #tpu.memory_space<vmem>>, vector<16xf32>,
      %sub3A_1743 = arith.subf %get3A_1738, %max3A_722 : vector<16xf32>
      %exp3A_1744 = math.exp %sub3A_1743 : vector<16xf32>
      %add3A_1745 = arith.addf %add3A_1677, %exp3A_1744 : vector<16xf32>
      %sub3A_1746 = arith.subf %get3A_1738, %get3A_1742 : vector<16xf32>
      %mul3A_1747 = arith.mulf %exp3A_1744, %sub3A_1746 : vector<16xf32>
      %add3A_1748 = arith.addf %add3A_1680, %mul3A_1747 : vector<16xf32>
      %sub3A_1749 = arith.subf %get3A_1742, %max3A_725 : vector<16xf32>
      %exp3A_1750 = math.exp %sub3A_1749 : vector<16xf32>
      %add3A_1751 = arith.addf %add3A_1683, %exp3A_1750 : vector<16xf32>
      %get3A_1752 = arith.constant 59 : i32
      %get3A_1753 = arith.index_cast %get3A_1752 : i32 to index
      %get3A_1754 = arith.index_cast %multiple_of3A : i32 to index
      %get3A_1755 = tpu.vector_load %arg5[%get3A_1753, %get3A_1754] {strides = array<i32>} : memref<64x128xf32, #tpu.memory_space<vmem>>, vector<16xf32>,
      %get3A_1756 = arith.constant 59 : i32
      %get3A_1757 = arith.index_cast %get3A_1756 : i32 to index
      %get3A_1758 = arith.index_cast %multiple_of3A : i32 to index
      %get3A_1759 = tpu.vector_load %arg6[%get3A_1757, %get3A_1758] {strides = array<i32>} : memref<64x128xf32, #tpu.memory_space<vmem>>, vector<16xf32>,
      %sub3A_1760 = arith.subf %get3A_1755, %max3A_722 : vector<16xf32>
      %exp3A_1761 = math.exp %sub3A_1760 : vector<16xf32>
      %add3A_1762 = arith.addf %add3A_1694, %exp3A_1761 : vector<16xf32>
      %sub3A_1763 = arith.subf %get3A_1755, %get3A_1759 : vector<16xf32>
      %mul3A_1764 = arith.mulf %exp3A_1761, %sub3A_1763 : vector<16xf32>
      %add3A_1765 = arith.addf %add3A_1697, %mul3A_1764 : vector<16xf32>
      %sub3A_1766 = arith.subf %get3A_1759, %max3A_725 : vector<16xf32>
      %exp3A_1767 = math.exp %sub3A_1766 : vector<16xf32>
      %add3A_1768 = arith.addf %add3A_1700, %exp3A_1767 : vector<16xf32>
      %get3A_1769 = arith.constant 60 : i32
      %get3A_1770 = arith.index_cast %get3A_1769 : i32 to index
      %get3A_1771 = arith.index_cast %multiple_of3A : i32 to index
      %get3A_1772 = tpu.vector_load %arg5[%get3A_1770, %get3A_1771] {strides = array<i32>} : memref<64x128xf32, #tpu.memory_space<vmem>>, vector<16xf32>,
      %get3A_1773 = arith.constant 60 : i32
      %get3A_1774 = arith.index_cast %get3A_1773 : i32 to index
      %get3A_1775 = arith.index_cast %multiple_of3A : i32 to index
      %get3A_1776 = tpu.vector_load %arg6[%get3A_1774, %get3A_1775] {strides = array<i32>} : memref<64x128xf32, #tpu.memory_space<vmem>>, vector<16xf32>,
      %sub3A_1777 = arith.subf %get3A_1772, %max3A_722 : vector<16xf32>
      %exp3A_1778 = math.exp %sub3A_1777 : vector<16xf32>
      %add3A_1779 = arith.addf %add3A_1711, %exp3A_1778 : vector<16xf32>
      %sub3A_1780 = arith.subf %get3A_1772, %get3A_1776 : vector<16xf32>
      %mul3A_1781 = arith.mulf %exp3A_1778, %sub3A_1780 : vector<16xf32>
      %add3A_1782 = arith.addf %add3A_1714, %mul3A_1781 : vector<16xf32>
      %sub3A_1783 = arith.subf %get3A_1776, %max3A_725 : vector<16xf32>
      %exp3A_1784 = math.exp %sub3A_1783 : vector<16xf32>
      %add3A_1785 = arith.addf %add3A_1717, %exp3A_1784 : vector<16xf32>
      %get3A_1786 = arith.constant 61 : i32
      %get3A_1787 = arith.index_cast %get3A_1786 : i32 to index
      %get3A_1788 = arith.index_cast %multiple_of3A : i32 to index
      %get3A_1789 = tpu.vector_load %arg5[%get3A_1787, %get3A_1788] {strides = array<i32>} : memref<64x128xf32, #tpu.memory_space<vmem>>, vector<16xf32>,
      %get3A_1790 = arith.constant 61 : i32
      %get3A_1791 = arith.index_cast %get3A_1790 : i32 to index
      %get3A_1792 = arith.index_cast %multiple_of3A : i32 to index
      %get3A_1793 = tpu.vector_load %arg6[%get3A_1791, %get3A_1792] {strides = array<i32>} : memref<64x128xf32, #tpu.memory_space<vmem>>, vector<16xf32>,
      %sub3A_1794 = arith.subf %get3A_1789, %max3A_722 : vector<16xf32>
      %exp3A_1795 = math.exp %sub3A_1794 : vector<16xf32>
      %add3A_1796 = arith.addf %add3A_1728, %exp3A_1795 : vector<16xf32>
      %sub3A_1797 = arith.subf %get3A_1789, %get3A_1793 : vector<16xf32>
      %mul3A_1798 = arith.mulf %exp3A_1795, %sub3A_1797 : vector<16xf32>
      %add3A_1799 = arith.addf %add3A_1731, %mul3A_1798 : vector<16xf32>
      %sub3A_1800 = arith.subf %get3A_1793, %max3A_725 : vector<16xf32>
      %exp3A_1801 = math.exp %sub3A_1800 : vector<16xf32>
      %add3A_1802 = arith.addf %add3A_1734, %exp3A_1801 : vector<16xf32>
      %get3A_1803 = arith.constant 62 : i32
      %get3A_1804 = arith.index_cast %get3A_1803 : i32 to index
      %get3A_1805 = arith.index_cast %multiple_of3A : i32 to index
      %get3A_1806 = tpu.vector_load %arg5[%get3A_1804, %get3A_1805] {strides = array<i32>} : memref<64x128xf32, #tpu.memory_space<vmem>>, vector<16xf32>,
      %get3A_1807 = arith.constant 62 : i32
      %get3A_1808 = arith.index_cast %get3A_1807 : i32 to index
      %get3A_1809 = arith.index_cast %multiple_of3A : i32 to index
      %get3A_1810 = tpu.vector_load %arg6[%get3A_1808, %get3A_1809] {strides = array<i32>} : memref<64x128xf32, #tpu.memory_space<vmem>>, vector<16xf32>,
      %sub3A_1811 = arith.subf %get3A_1806, %max3A_722 : vector<16xf32>
      %exp3A_1812 = math.exp %sub3A_1811 : vector<16xf32>
      %add3A_1813 = arith.addf %add3A_1745, %exp3A_1812 : vector<16xf32>
      %sub3A_1814 = arith.subf %get3A_1806, %get3A_1810 : vector<16xf32>
      %mul3A_1815 = arith.mulf %exp3A_1812, %sub3A_1814 : vector<16xf32>
      %add3A_1816 = arith.addf %add3A_1748, %mul3A_1815 : vector<16xf32>
      %sub3A_1817 = arith.subf %get3A_1810, %max3A_725 : vector<16xf32>
      %exp3A_1818 = math.exp %sub3A_1817 : vector<16xf32>
      %add3A_1819 = arith.addf %add3A_1751, %exp3A_1818 : vector<16xf32>
      %get3A_1820 = arith.constant 63 : i32
      %get3A_1821 = arith.index_cast %get3A_1820 : i32 to index
      %get3A_1822 = arith.index_cast %multiple_of3A : i32 to index
      %get3A_1823 = tpu.vector_load %arg5[%get3A_1821, %get3A_1822] {strides = array<i32>} : memref<64x128xf32, #tpu.memory_space<vmem>>, vector<16xf32>,
      %get3A_1824 = arith.constant 63 : i32
      %get3A_1825 = arith.index_cast %get3A_1824 : i32 to index
      %get3A_1826 = arith.index_cast %multiple_of3A : i32 to index
      %get3A_1827 = tpu.vector_load %arg6[%get3A_1825, %get3A_1826] {strides = array<i32>} : memref<64x128xf32, #tpu.memory_space<vmem>>, vector<16xf32>,
      %sub3A_1828 = arith.subf %get3A_1823, %max3A_722 : vector<16xf32>
      %exp3A_1829 = math.exp %sub3A_1828 : vector<16xf32>
      %add3A_1830 = arith.addf %add3A_1762, %exp3A_1829 : vector<16xf32>
      %sub3A_1831 = arith.subf %get3A_1823, %get3A_1827 : vector<16xf32>
      %mul3A_1832 = arith.mulf %exp3A_1829, %sub3A_1831 : vector<16xf32>
      %add3A_1833 = arith.addf %add3A_1765, %mul3A_1832 : vector<16xf32>
      %sub3A_1834 = arith.subf %get3A_1827, %max3A_725 : vector<16xf32>
      %exp3A_1835 = math.exp %sub3A_1834 : vector<16xf32>
      %add3A_1836 = arith.addf %add3A_1768, %exp3A_1835 : vector<16xf32>
      %add3A_1837 = arith.addf %add3A_1779, %add3A_1796 : vector<16xf32>
      %add3A_1838 = arith.addf %add3A_1813, %add3A_1830 : vector<16xf32>
      %add3A_1839 = arith.addf %add3A_1837, %add3A_1838 : vector<16xf32>
      %add3A_1840 = arith.addf %add3A_1785, %add3A_1802 : vector<16xf32>
      %add3A_1841 = arith.addf %add3A_1819, %add3A_1836 : vector<16xf32>
      %add3A_1842 = arith.addf %add3A_1840, %add3A_1841 : vector<16xf32>
      %add3A_1843 = arith.addf %add3A_1782, %add3A_1799 : vector<16xf32>
      %add3A_1844 = arith.addf %add3A_1816, %add3A_1833 : vector<16xf32>
      %add3A_1845 = arith.addf %add3A_1843, %add3A_1844 : vector<16xf32>
      %div3A_1846 = arith.divf %add3A_1845, %add3A_1839 : vector<16xf32>
      %bitcast3A = vector.bitcast %add3A_1842 : vector<16xf32> to vector<16xi32>
      %shift_right_arithmetic3A = arith.constant 23 : i32
      %shift_right_arithmetic3A_1847 = vector.broadcast %shift_right_arithmetic3A : i32 to vector<16xi32>
      %shift_right_arithmetic3A_1848 = arith.shrsi %bitcast3A, %shift_right_arithmetic3A_1847 : vector<16xi32>
      %sub3A_1849 = arith.constant 127 : i32
      %sub3A_1850 = vector.broadcast %sub3A_1849 : i32 to vector<16xi32>
      %sub3A_1851 = arith.subi %shift_right_arithmetic3A_1848, %sub3A_1850 : vector<16xi32>
      %and3A_1852 = arith.constant 8388607 : i32
      %and3A_1853 = vector.broadcast %and3A_1852 : i32 to vector<16xi32>
      %and3A_1854 = arith.andi %bitcast3A, %and3A_1853 : vector<16xi32>
      %or3A = arith.constant 1065353216 : i32
      %or3A_1855 = vector.broadcast %or3A : i32 to vector<16xi32>
      %or3A_1856 = arith.ori %and3A_1854, %or3A_1855 : vector<16xi32>
      %bitcast3A_1857 = vector.bitcast %or3A_1856 : vector<16xi32> to vector<16xf32>
      %gt3A = arith.constant 1.41421354 : f32
      %gt3A_1858 = vector.broadcast %gt3A : f32 to vector<16xf32>
      %gt3A_1859 = arith.cmpf ogt, %bitcast3A_1857, %gt3A_1858 : vector<16xf32>
      %mul3A_1860 = arith.constant 5.000000e-01 : f32
      %mul3A_1861 = vector.broadcast %mul3A_1860 : f32 to vector<16xf32>
      %mul3A_1862 = arith.mulf %bitcast3A_1857, %mul3A_1861 : vector<16xf32>
      %select_n3A_1863 = arith.select %gt3A_1859, %mul3A_1862, %bitcast3A_1857 : vector<16xi1>, vector<16xf32>
      %add3A_1864 = arith.constant 1 : i32
      %add3A_1865 = vector.broadcast %add3A_1864 : i32 to vector<16xi32>
      %add3A_1866 = arith.addi %sub3A_1851, %add3A_1865 : vector<16xi32>
      %select_n3A_1867 = arith.select %gt3A_1859, %add3A_1866, %sub3A_1851 : vector<16xi1>, vector<16xi32>
      %sub3A_1868 = arith.constant 1.000000e+00 : f32
      %sub3A_1869 = vector.broadcast %sub3A_1868 : f32 to vector<16xf32>
      %sub3A_1870 = arith.subf %select_n3A_1863, %sub3A_1869 : vector<16xf32>
      %add3A_1871 = arith.constant 1.000000e+00 : f32
      %add3A_1872 = vector.broadcast %add3A_1871 : f32 to vector<16xf32>
      %add3A_1873 = arith.addf %select_n3A_1863, %add3A_1872 : vector<16xf32>
      %div3A_1874 = arith.divf %sub3A_1870, %add3A_1873 : vector<16xf32>
      %mul3A_1875 = arith.mulf %div3A_1874, %div3A_1874 : vector<16xf32>
      %mul3A_1876 = arith.constant 0.222222224 : f32
      %mul3A_1877 = vector.broadcast %mul3A_1876 : f32 to vector<16xf32>
      %mul3A_1878 = arith.mulf %mul3A_1875, %mul3A_1877 : vector<16xf32>
      %add3A_1879 = arith.constant 0.285714298 : f32
      %add3A_1880 = vector.broadcast %add3A_1879 : f32 to vector<16xf32>
      %add3A_1881 = arith.addf %add3A_1880, %mul3A_1878 : vector<16xf32>
      %mul3A_1882 = arith.mulf %mul3A_1875, %add3A_1881 : vector<16xf32>
      %add3A_1883 = arith.constant 4.000000e-01 : f32
      %add3A_1884 = vector.broadcast %add3A_1883 : f32 to vector<16xf32>
      %add3A_1885 = arith.addf %add3A_1884, %mul3A_1882 : vector<16xf32>
      %mul3A_1886 = arith.mulf %mul3A_1875, %add3A_1885 : vector<16xf32>
      %add3A_1887 = arith.constant 0.666666686 : f32
      %add3A_1888 = vector.broadcast %add3A_1887 : f32 to vector<16xf32>
      %add3A_1889 = arith.addf %add3A_1888, %mul3A_1886 : vector<16xf32>
      %mul3A_1890 = arith.mulf %mul3A_1875, %add3A_1889 : vector<16xf32>
      %add3A_1891 = arith.constant 2.000000e+00 : f32
      %add3A_1892 = vector.broadcast %add3A_1891 : f32 to vector<16xf32>
      %add3A_1893 = arith.addf %add3A_1892, %mul3A_1890 : vector<16xf32>
      %mul3A_1894 = arith.mulf %div3A_1874, %add3A_1893 : vector<16xf32>
      %convert_element_type3A = arith.sitofp %select_n3A_1867 : vector<16xi32> to vector<16xf32>
      %mul3A_1895 = arith.constant 0.693147182 : f32
      %mul3A_1896 = vector.broadcast %mul3A_1895 : f32 to vector<16xf32>
      %mul3A_1897 = arith.mulf %convert_element_type3A, %mul3A_1896 : vector<16xf32>
      %add3A_1898 = arith.addf %mul3A_1897, %mul3A_1894 : vector<16xf32>
      %add3A_1899 = arith.addf %max3A_725, %add3A_1898 : vector<16xf32>
      %add3A_1900 = arith.addf %div3A_1846, %add3A_1899 : vector<16xf32>
      %bitcast3A_1901 = vector.bitcast %add3A_1839 : vector<16xf32> to vector<16xi32>
      %shift_right_arithmetic3A_1902 = arith.constant 23 : i32
      %shift_right_arithmetic3A_1903 = vector.broadcast %shift_right_arithmetic3A_1902 : i32 to vector<16xi32>
      %shift_right_arithmetic3A_1904 = arith.shrsi %bitcast3A_1901, %shift_right_arithmetic3A_1903 : vector<16xi32>
      %sub3A_1905 = arith.constant 127 : i32
      %sub3A_1906 = vector.broadcast %sub3A_1905 : i32 to vector<16xi32>
      %sub3A_1907 = arith.subi %shift_right_arithmetic3A_1904, %sub3A_1906 : vector<16xi32>
      %and3A_1908 = arith.constant 8388607 : i32
      %and3A_1909 = vector.broadcast %and3A_1908 : i32 to vector<16xi32>
      %and3A_1910 = arith.andi %bitcast3A_1901, %and3A_1909 : vector<16xi32>
      %or3A_1911 = arith.constant 1065353216 : i32
      %or3A_1912 = vector.broadcast %or3A_1911 : i32 to vector<16xi32>
      %or3A_1913 = arith.ori %and3A_1910, %or3A_1912 : vector<16xi32>
      %bitcast3A_1914 = vector.bitcast %or3A_1913 : vector<16xi32> to vector<16xf32>
      %gt3A_1915 = arith.constant 1.41421354 : f32
      %gt3A_1916 = vector.broadcast %gt3A_1915 : f32 to vector<16xf32>
      %gt3A_1917 = arith.cmpf ogt, %bitcast3A_1914, %gt3A_1916 : vector<16xf32>
      %mul3A_1918 = arith.constant 5.000000e-01 : f32
      %mul3A_1919 = vector.broadcast %mul3A_1918 : f32 to vector<16xf32>
      %mul3A_1920 = arith.mulf %bitcast3A_1914, %mul3A_1919 : vector<16xf32>
      %select_n3A_1921 = arith.select %gt3A_1917, %mul3A_1920, %bitcast3A_1914 : vector<16xi1>, vector<16xf32>
      %add3A_1922 = arith.constant 1 : i32
      %add3A_1923 = vector.broadcast %add3A_1922 : i32 to vector<16xi32>
      %add3A_1924 = arith.addi %sub3A_1907, %add3A_1923 : vector<16xi32>
      %select_n3A_1925 = arith.select %gt3A_1917, %add3A_1924, %sub3A_1907 : vector<16xi1>, vector<16xi32>
      %sub3A_1926 = arith.constant 1.000000e+00 : f32
      %sub3A_1927 = vector.broadcast %sub3A_1926 : f32 to vector<16xf32>
      %sub3A_1928 = arith.subf %select_n3A_1921, %sub3A_1927 : vector<16xf32>
      %add3A_1929 = arith.constant 1.000000e+00 : f32
      %add3A_1930 = vector.broadcast %add3A_1929 : f32 to vector<16xf32>
      %add3A_1931 = arith.addf %select_n3A_1921, %add3A_1930 : vector<16xf32>
      %div3A_1932 = arith.divf %sub3A_1928, %add3A_1931 : vector<16xf32>
      %mul3A_1933 = arith.mulf %div3A_1932, %div3A_1932 : vector<16xf32>
      %mul3A_1934 = arith.constant 0.222222224 : f32
      %mul3A_1935 = vector.broadcast %mul3A_1934 : f32 to vector<16xf32>
      %mul3A_1936 = arith.mulf %mul3A_1933, %mul3A_1935 : vector<16xf32>
      %add3A_1937 = arith.constant 0.285714298 : f32
      %add3A_1938 = vector.broadcast %add3A_1937 : f32 to vector<16xf32>
      %add3A_1939 = arith.addf %add3A_1938, %mul3A_1936 : vector<16xf32>
      %mul3A_1940 = arith.mulf %mul3A_1933, %add3A_1939 : vector<16xf32>
      %add3A_1941 = arith.constant 4.000000e-01 : f32
      %add3A_1942 = vector.broadcast %add3A_1941 : f32 to vector<16xf32>
      %add3A_1943 = arith.addf %add3A_1942, %mul3A_1940 : vector<16xf32>
      %mul3A_1944 = arith.mulf %mul3A_1933, %add3A_1943 : vector<16xf32>
      %add3A_1945 = arith.constant 0.666666686 : f32
      %add3A_1946 = vector.broadcast %add3A_1945 : f32 to vector<16xf32>
      %add3A_1947 = arith.addf %add3A_1946, %mul3A_1944 : vector<16xf32>
      %mul3A_1948 = arith.mulf %mul3A_1933, %add3A_1947 : vector<16xf32>
      %add3A_1949 = arith.constant 2.000000e+00 : f32
      %add3A_1950 = vector.broadcast %add3A_1949 : f32 to vector<16xf32>
      %add3A_1951 = arith.addf %add3A_1950, %mul3A_1948 : vector<16xf32>
      %mul3A_1952 = arith.mulf %div3A_1932, %add3A_1951 : vector<16xf32>
      %convert_element_type3A_1953 = arith.sitofp %select_n3A_1925 : vector<16xi32> to vector<16xf32>
      %mul3A_1954 = arith.constant 0.693147182 : f32
      %mul3A_1955 = vector.broadcast %mul3A_1954 : f32 to vector<16xf32>
      %mul3A_1956 = arith.mulf %convert_element_type3A_1953, %mul3A_1955 : vector<16xf32>
      %add3A_1957 = arith.addf %mul3A_1956, %mul3A_1952 : vector<16xf32>
      %add3A_1958 = arith.addf %max3A_722, %add3A_1957 : vector<16xf32>
      %sub3A_1959 = arith.subf %add3A_1900, %add3A_1958 : vector<16xf32>
      %add3A_1960 = arith.addf %scan3A_63, %sub3A_1959 : vector<16xf32>
      scf.yield %add3A_1960 : vector<16xf32>
    }
    %scan3A_60 = arith.constant 8 : i32
    %swap3A = arith.constant 0 : index
    %swap3A_61 = tpu.vector_load %arg7[%swap3A] {strides = array<i32>} : memref<16xf32, #tpu.memory_space<vmem>>, vector<16xf32>,
    tpu.vector_store %arg7[%swap3A], %scan3A_59 {strides = array<i32>} : memref<16xf32, #tpu.memory_space<vmem>>, vector<16xf32>,
    "tpu.region"() ({
      %run_scoped3A = tpu.sem_alloc : memref<!tpu.dma_semaphore, #tpu.memory_space<semaphore_mem>>
      %dma_start3A_62 = arith.constant 0 : i32
      %dma_start3A_63 = tpu.memref_slice %arg4[%add3A, %dma_start3A_62] : memref<32x16xf32, #tpu.memory_space<hbm>> -> memref<1x16xf32, #tpu.memory_space<hbm>>
      %dma_start3A_64 = tpu.memref_squeeze %dma_start3A_63 : memref<1x16xf32, #tpu.memory_space<hbm>> -> memref<16xf32, #tpu.memory_space<hbm>>
      %dma_start3A_65 = arith.constant 0 : i32
      %dma_start3A_66 = tpu.memref_slice %arg4[%add3A, %dma_start3A_65] : memref<32x16xf32, #tpu.memory_space<hbm>> -> memref<1x16xf32, #tpu.memory_space<hbm>>
      %dma_start3A_67 = tpu.memref_squeeze %dma_start3A_66 : memref<1x16xf32, #tpu.memory_space<hbm>> -> memref<16xf32, #tpu.memory_space<hbm>>
      tpu.enqueue_dma source(%arg7 : memref<16xf32, #tpu.memory_space<vmem>>) target(%dma_start3A_67 : memref<16xf32, #tpu.memory_space<hbm>>) target_semaphore(%run_scoped3A : memref<!tpu.dma_semaphore, #tpu.memory_space<semaphore_mem>>)
      %dma_wait3A_68 = arith.constant 0 : i32
      %dma_wait3A_69 = tpu.memref_slice %arg4[%add3A, %dma_wait3A_68] : memref<32x16xf32, #tpu.memory_space<hbm>> -> memref<1x16xf32, #tpu.memory_space<hbm>>
      %dma_wait3A_70 = tpu.memref_squeeze %dma_wait3A_69 : memref<1x16xf32, #tpu.memory_space<hbm>> -> memref<16xf32, #tpu.memory_space<hbm>>
      %dma_wait3A_71 = arith.constant 0 : i32
      %dma_wait3A_72 = tpu.memref_slice %arg4[%add3A, %dma_wait3A_71] : memref<32x16xf32, #tpu.memory_space<hbm>> -> memref<1x16xf32, #tpu.memory_space<hbm>>
      %dma_wait3A_73 = tpu.memref_squeeze %dma_wait3A_72 : memref<1x16xf32, #tpu.memory_space<hbm>> -> memref<16xf32, #tpu.memory_space<hbm>>
      tpu.wait_dma2 semaphore(%run_scoped3A : memref<!tpu.dma_semaphore, #tpu.memory_space<semaphore_mem>>) src(%arg7 : memref<16xf32, #tpu.memory_space<vmem>>) dst(%dma_wait3A_73 : memref<16xf32, #tpu.memory_space<hbm>>)
      tpu.yield
    }) : () -> ()
    return
  }
}

module attributes {stable_mosaic.version = 14 : i64} {
  func.func @_tc_body(%arg0: i32, %arg1: memref<1x64x4096xf32, #tpu.memory_space<vmem>>, %arg2: memref<1x64x4096xf32, #tpu.memory_space<vmem>>, %arg3: memref<32x128xf32, #tpu.memory_space<vmem>>) attributes {dimension_semantics = [#tpu.dimension_semantics<arbitrary>], iteration_bounds = array<i64: 3>, scalar_prefetch = 0 : i64, scratch_operands = 0 : i64, tpu.core_type = #tpu.core_type<tc>, window_params = [{transform_indices = @transform_0, window_bounds = array<i64: 1, 64, 4096>}, {transform_indices = @transform_1, window_bounds = array<i64: 1, 64, 4096>}, {pipeline_mode = #tpu.pipeline_mode<synchronous>, transform_indices = @transform_2, window_bounds = array<i64: 32, 128>}]} {
    %get3A = arith.constant 0 : index
    %get3A_0 = arith.constant 0 : index
    %get3A_1 = arith.constant 0 : index
    %get3A_2 = vector.load %arg1[%get3A, %get3A_0, %get3A_1] : memref<1x64x4096xf32, #tpu.memory_space<vmem>>, vector<1x64x4096xf32>
    %get3A_3 = vector.shape_cast %get3A_2 : vector<1x64x4096xf32> to vector<64x4096xf32>
    %get3A_4 = arith.constant 0 : index
    %get3A_5 = arith.constant 0 : index
    %get3A_6 = arith.constant 0 : index
    %get3A_7 = vector.load %arg2[%get3A_4, %get3A_5, %get3A_6] : memref<1x64x4096xf32, #tpu.memory_space<vmem>>, vector<1x64x4096xf32>
    %get3A_8 = vector.shape_cast %get3A_7 : vector<1x64x4096xf32> to vector<64x4096xf32>
    %reduce_max3A = arith.constant dense<0xFF800000> : vector<4096xf32>
    %reduce_max3A_9 = vector.multi_reduction <maximumf>, %get3A_3, %reduce_max3A [0] : vector<64x4096xf32> to vector<4096xf32>
    %reduce_max3A_10 = arith.constant dense<0xFF800000> : vector<4096xf32>
    %reduce_max3A_11 = vector.multi_reduction <maximumf>, %get3A_8, %reduce_max3A_10 [0] : vector<64x4096xf32> to vector<4096xf32>
    %broadcast_in_dim3A = vector.shape_cast %reduce_max3A_9 : vector<4096xf32> to vector<1x4096xf32>
    %sub3A = vector.broadcast %broadcast_in_dim3A : vector<1x4096xf32> to vector<64x4096xf32>
    %sub3A_12 = arith.subf %get3A_3, %sub3A : vector<64x4096xf32>
    %exp3A = math.exp %sub3A_12 : vector<64x4096xf32>
    %reduce_sum3A = arith.constant dense<0.000000e+00> : vector<4096xf32>
    %reduce_sum3A_13 = vector.multi_reduction <add>, %exp3A, %reduce_sum3A [0] : vector<64x4096xf32> to vector<4096xf32>
    %sub3A_14 = arith.subf %get3A_3, %get3A_8 : vector<64x4096xf32>
    %mul3A = arith.mulf %exp3A, %sub3A_14 : vector<64x4096xf32>
    %reduce_sum3A_15 = arith.constant dense<0.000000e+00> : vector<4096xf32>
    %reduce_sum3A_16 = vector.multi_reduction <add>, %mul3A, %reduce_sum3A_15 [0] : vector<64x4096xf32> to vector<4096xf32>
    %broadcast_in_dim3A_17 = vector.shape_cast %reduce_max3A_11 : vector<4096xf32> to vector<1x4096xf32>
    %sub3A_18 = vector.broadcast %broadcast_in_dim3A_17 : vector<1x4096xf32> to vector<64x4096xf32>
    %sub3A_19 = arith.subf %get3A_8, %sub3A_18 : vector<64x4096xf32>
    %exp3A_20 = math.exp %sub3A_19 : vector<64x4096xf32>
    %reduce_sum3A_21 = arith.constant dense<0.000000e+00> : vector<4096xf32>
    %reduce_sum3A_22 = vector.multi_reduction <add>, %exp3A_20, %reduce_sum3A_21 [0] : vector<64x4096xf32> to vector<4096xf32>
    %div3A = arith.divf %reduce_sum3A_16, %reduce_sum3A_13 : vector<4096xf32>
    %log3A = math.log %reduce_sum3A_22 : vector<4096xf32>
    %add3A = arith.addf %reduce_max3A_11, %log3A : vector<4096xf32>
    %add3A_23 = arith.addf %div3A, %add3A : vector<4096xf32>
    %log3A_24 = math.log %reduce_sum3A_13 : vector<4096xf32>
    %add3A_25 = arith.addf %reduce_max3A_9, %log3A_24 : vector<4096xf32>
    %sub3A_26 = arith.subf %add3A_23, %add3A_25 : vector<4096xf32>
    %eq3A = arith.constant 0 : i32
    %eq3A_27 = arith.cmpi eq, %arg0, %eq3A : i32
    %convert_element_type3A = arith.extui %eq3A_27 : i1 to i32
    %cond3A = arith.constant 0 : i32
    %cond3A_28 = arith.cmpi ne, %convert_element_type3A, %cond3A : i32
    scf.if %cond3A_28 {
      %broadcast_in_dim3A_35 = arith.constant 0.000000e+00 : f32
      %broadcast_in_dim3A_36 = vector.broadcast %broadcast_in_dim3A_35 : f32 to vector<32x128xf32>
      %swap3A_37 = arith.constant 0 : index
      %swap3A_38 = arith.constant 0 : index
      %swap3A_39 = vector.load %arg3[%swap3A_37, %swap3A_38] : memref<32x128xf32, #tpu.memory_space<vmem>>, vector<32x128xf32>
      tpu.vector_store %arg3[%swap3A_37, %swap3A_38], %broadcast_in_dim3A_36 {strides = array<i32>} : memref<32x128xf32, #tpu.memory_space<vmem>>, vector<32x128xf32>,
    } else {
    }
    %get3A_29 = arith.constant 0 : index
    %get3A_30 = arith.constant 0 : index
    %get3A_31 = vector.load %arg3[%get3A_29, %get3A_30] : memref<32x128xf32, #tpu.memory_space<vmem>>, vector<32x128xf32>
    %reshape3A = vector.shape_cast %sub3A_26 : vector<4096xf32> to vector<32x128xf32>
    %add3A_32 = arith.addf %get3A_31, %reshape3A : vector<32x128xf32>
    %swap3A = arith.constant 0 : index
    %swap3A_33 = arith.constant 0 : index
    %swap3A_34 = vector.load %arg3[%swap3A, %swap3A_33] : memref<32x128xf32, #tpu.memory_space<vmem>>, vector<32x128xf32>
    tpu.vector_store %arg3[%swap3A, %swap3A_33], %add3A_32 {strides = array<i32>} : memref<32x128xf32, #tpu.memory_space<vmem>>, vector<32x128xf32>,
    return
  }
  func.func @transform_0(%arg0: i32) -> (i32, i32, i32) {
    %add3A = arith.constant 1 : i32
    %add3A_0 = arith.addi %add3A, %arg0 : i32
    %c0_i32 = arith.constant 0 : i32
    %c0_i32_1 = arith.constant 0 : i32
    %c0_i32_2 = arith.constant 0 : i32
    return %add3A_0, %c0_i32, %c0_i32_1 : i32, i32, i32
  }
  func.func @transform_1(%arg0: i32) -> (i32, i32, i32) {
    %add3A = arith.constant 1 : i32
    %add3A_0 = arith.addi %add3A, %arg0 : i32
    %c0_i32 = arith.constant 0 : i32
    %c0_i32_1 = arith.constant 0 : i32
    %c0_i32_2 = arith.constant 0 : i32
    return %add3A_0, %c0_i32, %c0_i32_1 : i32, i32, i32
  }
  func.func @transform_2(%arg0: i32) -> (i32, i32) {
    %c0_i32 = arith.constant 0 : i32
    %c0_i32_0 = arith.constant 0 : i32
    %c0_i32_1 = arith.constant 0 : i32
    return %c0_i32, %c0_i32_0 : i32, i32
  }
}

</mosaic_0001>

<sc_bundles>
// kernel: kernel.4.cloned.1.call-start
scs
__scs_entry_jumppad:
0x0: {  	(pc) =	sbr.rel $0x88, $3  }
0x1: {  	(tag) =	ssettag $0x0;
	lr =	simm.s32 $0x1  }
0x2: {  	[smem:$0x3F9F] =	sst lr;
	_ =	strace $0xD0000000  }
0x3: {  	_ = 	snop  }
0x4: {  	_ = 	snop  }
0x5: {  	_ = 	snop  }
0x6: {  	_ = 	snop  }
0x7: {  	_ = 	snop  }
__scs_overlays_trampoline_lowered:
0x8: {  	[smem:$0x3FAE] =	sst s0  }
0x9: {  	[smem:$0x3FAF] =	sst s1  }
0xa: {  	[smem:$0x3FB0] =	sst s2  }
0xb: {  	[smem:$0x3FB1] =	sst s3  }
0xc: {  	[smem:$0x3FB2] =	sst s4  }
0xd: {  	[smem:$0x3FB3] =	sst s5  }
0xe: {  	[smem:$0x3FB4] =	sst s6  }
0xf: {  	[smem:$0x3FB5] =	sst s7  }
0x10: {  	[smem:$0x3FB6] =	sst s8  }
0x11: {  	[smem:$0x3FB7] =	sst s9;
	s0 =	simm.s32 @!p0 $0x0  }
0x12: {  	s1 =	sld [smem:$0x3F9D];
	s0 =	simm.s32 @p0 $0x1  }
0x13: {  	[smem:$0x3FB8] =	sst s0;
	s0 =	simm.s32 @!p1 $0x0  }
0x14: {  	s2 =	sld [smem:$0x3F9C];
	s0 =	simm.s32 @p1 $0x1  }
0x15: {  	[smem:$0x3FB9] =	sst s0;
	s0 =	simm.s32 @!p2 $0x0  }
0x16: {  	s3 =	sld [smem:$0x3FDB];
	s0 =	simm.s32 @p2 $0x1  }
0x17: {  	s4 =	simm.s32 $0x1BF5;
	[smem:$0x3FBB] =	sst s0  }
0x18: {  	s0 =	sld [smem:$0x3F9E];
	_ =	swait.ge [sflag:s4], $0x0  }
0x19: {  	s7 =	sld [smem:$0x3F9F]  }
0x1a: {  	s8 =	sadd.s32 $0xFFFFE003, lr  }
0x1b: {  	s9 =	sadd.s32 $0xFFFFFEF7, lr;
	s5 =	simm.s32 $0xFFFFFFFF;
	p2 =	slt.u32 s8, $0xFFFFF086  }
0x1c: {  	p1 =	slt.u32 s9, $0xF7A;
	s5 =	simm.s32 @!p2 $0x0  }
0x1d: {  	s5 =	simm.s32 @p1 $0x1;
	p0 =	seq.s32 s7, s2  }
0x1e: {  	s7 =	smul.u32 @!p0 $0xF7A, s2;
	p2 =	seq.s32 @!p0 s5, $0x0  }
0x1f: {  	s9 =	smul.u32 $0xF7A, s1;
	s8 =	simm.s32 @!p0 $0x1BF5;
	p2 =	por !p2, p0  }
0x20: {  	[sflag:s8] =	ssyncset.s32 @!p0 $0xFFFFF086;
	s6 =	sadd.s32 @!p0 s3, s7;
	s7 =	simm.s32 @!p0 $0x108  }
0x21: {  	s3 =	sadd.s32 s3, s9;
	s6 =	sadd.s32 @!p0 $0x88, s6;
	s7 =	simm.s32 @p2 $0x1082  }
0x22: {  	[simem:s7], [sflag:s8] =	dma.local @!p0 [hbm:s6], $0xF7A  }
0x23: {  	s9 =	sor.u32 $0xD0000000, s2;
	s6 =	simm.s32 $0x108;
	_ =	swait.ge @!p0 [sflag:s8], $0x0  }
0x24: {  	s3 =	sadd.s32 $0x88, s3;
	s6 =	simm.s32 @!p1 $0x1082;
	[sflag:s4] =	ssyncset.s32 $0xFFFFF086  }
0x25: {  	[simem:s6], [sflag:s4] =	dma.local [hbm:s3], $0xF7A  }
0x26: {  	[smem:$0x3F9F] =	sst s1;
	(tag) =	ssettag s2;
	_ =	strace s9  }
0x27: {  	s1 =	sld [smem:$0x3FAF]  }
0x28: {  	s2 =	sld [smem:$0x3FB0]  }
0x29: {  	s4 =	sld [smem:$0x3FB2]  }
0x2a: {  	p0 =	seq.s32 s5, $0x0;
	s5 =	sld [smem:$0x3FB3]  }
0x2b: {  	s6 =	sld [smem:$0x3FB4]  }
0x2c: {  	s7 =	sld [smem:$0x3FB5]  }
0x2d: {  	s3 =	simm.s32 $0x108;
	s8 =	sld [smem:$0x3FB6]  }
0x2e: {  	s3 =	simm.s32 @!p0 $0x1082;
	s9 =	sld [smem:$0x3FB7]  }
0x2f: {  	lr =	sadd.s32 s0, s3;
	s0 =	sld [smem:$0x3FAE]  }
0x30: {  	s3 =	sld [smem:$0x3FB1]  }
0x31: {  	[smem:$0x3FBA] =	sst s10  }
0x32: {  	s10 =	sld [smem:$0x3FB8];
	_ =	sdelay $0x3  }
0x33: {  	p0 =	seq.s32 s10, $0x1;
	s10 =	sld [smem:$0x3FBA];
	_ =	sdelay $0x3  }
0x34: {  	[smem:$0x3FBA] =	sst s10  }
0x35: {  	s10 =	sld [smem:$0x3FB9];
	_ =	sdelay $0x3  }
0x36: {  	p1 =	seq.s32 s10, $0x1;
	s10 =	sld [smem:$0x3FBA];
	_ =	sdelay $0x3  }
0x37: {  	[smem:$0x3FBA] =	sst s10  }
0x38: {  	s10 =	sld [smem:$0x3FBB]  }
0x39: {  	_ = 	snop;
	(pc) =	sbr.ind lr, $3  }
0x3a: {  	_ = 	snop  }
0x3b: {  	_ = 	snop  }
0x3c: {  	p2 =	seq.s32 s10, $0x1;
	s10 =	sld [smem:$0x3FBA]  }
0x3d: {  	_ =	shalt  }
0x3e: {  	_ =	shalt  }
0x3f: {  	_ =	shalt  }
0x40: {  	_ =	shalt  }
0x41: {  	_ =	shalt  }
0x42: {  	_ =	shalt  }
0x43: {  	_ =	shalt  }
0x44: {  	_ =	shalt  }
0x45: {  	_ =	shalt  }
0x46: {  	_ =	shalt  }
0x47: {  	_ =	shalt  }
0x48: {  	_ =	shalt  }
0x49: {  	_ =	shalt  }
0x4a: {  	_ =	shalt  }
0x4b: {  	_ =	shalt  }
0x4c: {  	_ =	shalt  }
0x4d: {  	_ =	shalt  }
0x4e: {  	_ =	shalt  }
0x4f: {  	_ =	shalt  }
0x50: {  	_ =	shalt  }
0x51: {  	_ =	shalt  }
0x52: {  	_ =	shalt  }
0x53: {  	_ =	shalt  }
0x54: {  	_ =	shalt  }
0x55: {  	_ =	shalt  }
0x56: {  	_ =	shalt  }
0x57: {  	_ =	shalt  }
0x58: {  	_ =	shalt  }
0x59: {  	_ =	shalt  }
0x5a: {  	_ =	shalt  }
0x5b: {  	_ =	shalt  }
0x5c: {  	_ =	shalt  }
0x5d: {  	_ =	shalt  }
0x5e: {  	_ =	shalt  }
0x5f: {  	_ =	shalt  }
0x60: {  	_ =	shalt  }
0x61: {  	_ =	shalt  }
0x62: {  	_ =	shalt  }
0x63: {  	_ =	shalt  }
0x64: {  	_ =	shalt  }
0x65: {  	_ =	shalt  }
0x66: {  	_ =	shalt  }
0x67: {  	_ =	shalt  }
0x68: {  	_ =	shalt  }
0x69: {  	_ =	shalt  }
0x6a: {  	_ =	shalt  }
0x6b: {  	_ =	shalt  }
0x6c: {  	_ =	shalt  }
0x6d: {  	_ =	shalt  }
0x6e: {  	_ =	shalt  }
0x6f: {  	_ =	shalt  }
0x70: {  	_ =	shalt  }
0x71: {  	_ =	shalt  }
0x72: {  	_ =	shalt  }
0x73: {  	_ =	shalt  }
0x74: {  	_ =	shalt  }
0x75: {  	_ =	shalt  }
0x76: {  	_ =	shalt  }
0x77: {  	_ =	shalt  }
0x78: {  	_ =	shalt  }
0x79: {  	_ =	shalt  }
0x7a: {  	_ =	shalt  }
0x7b: {  	_ =	shalt  }
0x7c: {  	_ =	shalt  }
0x7d: {  	_ =	shalt  }
0x7e: {  	_ =	shalt  }
0x7f: {  	_ =	shalt  }
0x80: {  	_ =	shalt  }
0x81: {  	_ =	shalt  }
0x82: {  	_ =	shalt  }
0x83: {  	_ =	shalt  }
0x84: {  	_ =	shalt  }
0x85: {  	_ =	shalt  }
0x86: {  	_ =	shalt  }
0x87: {  	_ =	shalt  }
.Lfunc_end0:
.L_simem_size_0:
called_computation_lowered:
.L_overlay_start_0:
0x88: {  	s2 =	sld [smem:$0x3FD9]  }
0x89: {  	s3 =	sld [smem:$0x3FFE];
	_ =	sdelay $0x1  }
0x8a: {  	s1 =	srdreg.scid  }
0x8b: {  	s0 =	sand.u32 $0x1, s1  }
0x8c: {  	s17 =	sshll.u32 s0, $0xA;
	s2 =	sadd.s32 s3, s2  }
0x8d: {  	s2 =	sadd.s32 s2, s17  }
0x8e: {  	[smem:$0x3FC6] =	sst s2  }
0x8f: {  	_ = 	snop  }
0x90: {  	s2 =	sld [smem:$0x3FC9]  }
0x91: {  	s18 =	sld [smem:$0x3FC8];
	(tm) =	ssettm $0x1  }
0x92: {  	s4 =	sld [smem:$0x3FFB];
	_ =	sdelay $0x3  }
0x93: {  	_ =	strace s4  }
0x94: {  	s4 =	sld [smem:$0x3FFC];
	_ =	sdelay $0x3  }
0x95: {  	_ =	strace s4  }
0x96: {  	s4 =	sld [smem:$0x3FFD];
	_ =	sdelay $0x3  }
0x97: {  	_ =	strace s4  }
0x98: {  	_ =	strace $0x8FFFFFFF  }
0x99: {  	s19 =	sld [smem:$0x3FDB];
	_ =	sdelay $0x1  }
0x9a: {  	s5 =	simm.s32 $_scs_section_size  }
0x9b: {  	s6 =	simm.s32 $_size__tile_overlayer_lowered;
	s7 =	simm.s32 $_tile_overlayer_lowered  }
0x9c: {  	s22 =	simm.s32 $0x1BFF;
	s21 =	sshll.u32 s7, $0x1;
	s4 =	sadd.s32 s5, s19  }
0x9d: {  	s8 =	simm.s32 $0x0;
	s20 =	sshll.u32 s6, $0x1;
	s6 =	sadd.s32 s21, s4  }
0x9e: {  	[timem:s8], [sflag:s22] =	dma.local [hbm:s6], s20  }
0x9f: {  	_ =	swait.ge [sflag:s22], s20  }
0xa0: {  	s5 =	ssub.s32 $0x0, s20;
	[sflag:s22] =	ssyncset.done $0x0  }
0xa1: {  	[sflag:s22] =	ssyncadd.s32 s5;
	_ =	sdelay $0x1  }
0xa2: {  	s23 =	simm.s32 $0x1B8B  }
0xa3: {  	_ =	swait.ge [sflag:s23], $0x1  }
0xa4: {  	[sflag:s23] =	ssyncset.done $0x0  }
0xa5: {  	s25 =	simm.s32 $0x1B8E;
	s24 =	sld [smem:$0x3FFE];
	[sflag:s23] =	ssyncadd.s32 $0xFFFFFFFF  }
0xa6: {  	s26 =	simm.s32 $execute0_lowered;
	[smem:$0x3FD2] =	sst s25  }
0xa7: {  	s6 =	sshll.u32 s26, $0x1;
	_ =	strace $0x80000046;
	[dreg:$0x1] =	wrdreg $0xFFFFFFFF  }
0xa8: {  	s28 =	simm.s32 $_size_execute0_lowered;
	s4 =	sadd.s32 s4, s6;
	[dreg:$0x0] =	wrdreg $0x0  }
0xa9: {  	s6 =	sshll.u32 s28, $0x1;
	[dreg:$0x2] =	wrdreg s4  }
0xaa: {  	[dreg:$0x3] =	wrdreg s6  }
0xab: {  	[dreg:$0x4] =	wrdreg $0xC0  }
0xac: {  	_ =	task [dreg:s8], $0x5FFFF  }
0xad: {  	[dreg:$0x1] =	wrdreg $0xFFFFFFFF  }
0xae: {  	[dreg:$0x0] =	wrdreg $0x60  }
0xaf: {  	[dreg:$0x2] =	wrdreg s2  }
0xb0: {  	[dreg:$0x3] =	wrdreg s18  }
0xb1: {  	[dreg:$0x4] =	wrdreg s24  }
0xb2: {  	[dreg:$0x5] =	wrdreg $0x9  }
0xb3: {  	_ =	task.clear_ibuf [dreg:s8], $0x6FFFF;
	_ =	strace $0x90000046  }
0xb4: {  	s29 =	simm.s32 $0x9;
	_ =	strace $0x80000048  }
0xb5: {  	_ =	swait.ge [sflag:s29], $0x1  }
0xb6: {  	[sflag:s29] =	ssyncadd.s32 $0xFFFFFFFF  }
0xb7: {  	_ =	strace $0x90000048  }
0xb8: {  	_ =	sfence  }
0xb9: {  	s30 =	sld [smem:$0x0];
	_ =	sdelay $0x2  }
0xba: {  	s31 =	sshll.u32 s1, $0xD;
	s1 =	sshrl.u32 s1, $0x2  }
0xbb: {  	s3 =	sand.u32 $0x4000, s31;
	s1 =	sadd.s32 s1, s30  }
0xbc: {  	s0 =	sor.u32 s3, s0;
	s1 =	sshll.u32 s1, $0x11  }
0xbd: {  	s0 =	sor.u32 s1, s0  }
0xbe: {  	s0 =	sadd.s32 $0x8F2B, s0  }
0xbf: {  	[sflag:s0] =	ssyncadd.remote.s32 $0x1  }
0xc0: {  	_ =	sfence.sel $0xFFFF  }
0xc1: {  	[dreg:$0x0] =	wrdreg $0xFFFFFFFF;
	(pc) =	sbr.abs _section_cstart, $3  }
0xc2: {  	[dreg:$0x1] =	wrdreg $0xFFFFFFFF  }
0xc3: {  	_ =	task.clear_ibuf [dreg:s8], $0x2FFFF;
	_ =	strace $0x9FFFFFFF  }
0xc4: {  	(tm) =	ssettm $0x7FFFFFFF  }
0xc5: {  	_ =	shalt  }
tec
execute0_lowered:
.L_overlay_start_1:
0x0: {  	(tag) =	ssettag $0x1  }
0x1: {  	s3 =	rddreg [dreg:$0x0]  }
0x2: {  	s4 =	rddreg [dreg:$0x1]  }
0x3: {  	s5 =	rddreg [dreg:$0x2]  }
0x4: {  	s0 =	rddreg [dreg:$0x3];
	s6 =	srdreg.scid  }
0x5: {  	s2 =	simm.s32 $0x0;
	s1 =	stileid.u32;
	s10 =	simm.s32 $0x1  }
0x6: {  	s11 =	simm.s32 $0x2;
	s12 =	simm.s32 $0x4000;
	s13 =	simm.s32 $0x3  }
0x7: {  	s14 =	simm.s32 $0x0;
	s6 =	sand.u32 $0x1, s6;
	s8 =	sshll.u32 s1, $0x8  }
0x8: {  	[smem:$0x7FF] =	sst s2;
	s7 =	ssub.s32 $0x2, s6;
	s6 =	sshll.u32 s6, $0x7  }
0x9: {  	_ =	strace $0x80000047;
	s9 =	sshrl.u32 s7, $0x1;
	s6 =	sor.u32 s6, s8  }
0xa: {  	s7 =	ssub.s32 s7, s9;
	s8 =	sshrl.u32 s6, $0x3;
	s3 =	sadd.s32 s3, s6  }
0xb: {  	s4 =	sadd.s32 s4, s6;
	s9 =	simm.s32 $0x2000;
	s5 =	sadd.s32 s5, s8  }
0xc: {  	s6 =	smax.u32 s7, $0x1;
	s7 =	simm.s32 $0x400;
	s8 =	simm.s32 $0x8000  }
.LBB2_1:
0xd: {  	[tilespmem:s2], [sflag:$0x1] =	stream.strided.gather [hbm4b:s3+s7], $0x2000, s8, s7, $0x38;
	[tilespmem:$0x4080] =	vst v63  }
0xe: {  	_ = 	snop  }
0xf: {  	[tilespmem:s9], [sflag:$0x2] =	stream.strided.gather [hbm4b:s4+s7], $0x2000, s8, s7, $0x38;
	[tilespmem:$0x4080] =	vst v63  }
0x10: {  	_ =	swait.ge [sflag:s10], $0x2000  }
0x11: {  	[sflag:s10] =	ssyncset.done $0x0  }
0x12: {  	[sflag:s10] =	ssyncadd.s32 $0xFFFFE000  }
0x13: {  	_ =	swait.ge [sflag:s11], $0x2000  }
0x14: {  	[sflag:s11] =	ssyncset.done $0x0  }
0x15: {  	v0 =	vimm.f32 $0.0e+00;
	s15 =	simm.s32 $0xFFFFFE00;
	[sflag:s11] =	ssyncadd.s32 $0xFFFFE000  }
.LBB2_2:
0x16: {  	s16 =	sshra.s32 s15, $0x2  }
0x17: {  	v2 =	vld [tilespmem:s16+$0x2480];
	_ =	sdelay $0x4  }
0x18: {  	[tilespmem:$0x1F860] =	vst v2;
	v2 =	vld [tilespmem:s16+$0x2500];
	_ =	sdelay $0x4  }
0x19: {  	[tilespmem:$0x1F890] =	vst v2;
	v2 =	vld [tilespmem:s16+$0x2580];
	_ =	sdelay $0x4  }
0x1a: {  	[tilespmem:$0x1F8D0] =	vst v2;
	v2 =	vld [tilespmem:s16+$0x2600];
	_ =	sdelay $0x4  }
0x1b: {  	[tilespmem:$0x1F8E0] =	vst v2;
	v2 =	vld [tilespmem:s16+$0x2680];
	_ =	sdelay $0x4  }
0x1c: {  	[tilespmem:$0x1F8F0] =	vst v2;
	v2 =	vld [tilespmem:s16+$0x2700];
	_ =	sdelay $0x4  }
0x1d: {  	[tilespmem:$0x1F900] =	vst v2;
	v2 =	vld [tilespmem:s16+$0x2780];
	_ =	sdelay $0x3  }
0x1e: {  	v16 =	vld [tilespmem:s16+$0x80]  }
0x1f: {  	[tilespmem:$0x1F910] =	vst v2;
	v2 =	vld [tilespmem:s16+$0x2800]  }
0x20: {  	v48 =	vld [tilespmem:s16+$0x100]  }
0x21: {  	v47 =	vld [tilespmem:s16+$0x180]  }
0x22: {  	v45 =	vld [tilespmem:s16+$0x2180]  }
0x23: {  	v46 =	vld [tilespmem:s16+$0x200]  }
0x24: {  	[tilespmem:$0x1F920] =	vst v2;
	v2 =	vld [tilespmem:s16+$0x2880]  }
0x25: {  	v5 =	vld [tilespmem:s16+$0x280]  }
0x26: {  	v53 =	vld [tilespmem:s16+$0x2280]  }
0x27: {  	v27 =	vld [tilespmem:s16+$0x300]  }
0x28: {  	v1 =	vld [tilespmem:s16+$0x380]  }
0x29: {  	[tilespmem:$0x1F930] =	vst v2;
	v2 =	vld [tilespmem:s16+$0x2900]  }
0x2a: {  	v15 =	vld [tilespmem:s16+$0x400];
	[tilespmem:$0x1FFF0] =	vst v0  }
0x2b: {  	v44 =	vld [tilespmem:s16+$0x500];
	[tilespmem:$0x1F9D0] =	vst v16  }
0x2c: {  	v43 =	vld [tilespmem:s16+$0x580];
	[tilespmem:$0x1F9E0] =	vst v48  }
0x2d: {  	v9 =	vld [tilespmem:s16+$0x600];
	[tilespmem:$0x1F9F0] =	vst v47  }
0x2e: {  	[tilespmem:$0x1F940] =	vst v2;
	v2 =	vld [tilespmem:s16+$0x2980]  }
0x2f: {  	v42 =	vld [tilespmem:s16+$0x680];
	[tilespmem:$0x1FA00] =	vst v46  }
0x30: {  	v41 =	vld [tilespmem:s16+$0x700];
	[tilespmem:$0x1FA10] =	vst v5  }
0x31: {  	v14 =	vld [tilespmem:s16+$0x780];
	[tilespmem:$0x1FA20] =	vst v27  }
0x32: {  	v40 =	vld [tilespmem:s16+$0x800];
	[tilespmem:$0x1FA30] =	vst v1  }
0x33: {  	[tilespmem:$0x1F950] =	vst v2;
	v2 =	vld [tilespmem:s16+$0x2A00]  }
0x34: {  	v39 =	vld [tilespmem:s16+$0x880];
	[tilespmem:$0x1FA40] =	vst v15  }
0x35: {  	v13 =	vld [tilespmem:s16+$0x900];
	[tilespmem:$0x1FA60] =	vst v44  }
0x36: {  	v38 =	vld [tilespmem:s16+$0x980];
	[tilespmem:$0x1FA70] =	vst v43  }
0x37: {  	v37 =	vld [tilespmem:s16+$0xA00];
	[tilespmem:$0x1FA80] =	vst v9  }
0x38: {  	[tilespmem:$0x1F960] =	vst v2;
	v2 =	vld [tilespmem:s16+$0x2A80]  }
0x39: {  	v12 =	vld [tilespmem:s16+$0xA80];
	[tilespmem:$0x1FA90] =	vst v42  }
0x3a: {  	v36 =	vld [tilespmem:s16+$0xB00];
	[tilespmem:$0x1FAA0] =	vst v41  }
0x3b: {  	v35 =	vld [tilespmem:s16+$0xB80];
	[tilespmem:$0x1FAB0] =	vst v14  }
0x3c: {  	v11 =	vld [tilespmem:s16+$0xC00];
	[tilespmem:$0x1FAC0] =	vst v40  }
0x3d: {  	[tilespmem:$0x1F970] =	vst v2;
	v2 =	vld [tilespmem:s16+$0x2B00]  }
0x3e: {  	v34 =	vld [tilespmem:s16+$0xC80];
	[tilespmem:$0x1FAD0] =	vst v39  }
0x3f: {  	v33 =	vld [tilespmem:s16+$0xD00];
	[tilespmem:$0x1FAE0] =	vst v13  }
0x40: {  	v10 =	vld [tilespmem:s16+$0xD80];
	[tilespmem:$0x1FAF0] =	vst v38  }
0x41: {  	v32 =	vld [tilespmem:s16+$0xE00];
	[tilespmem:$0x1FB00] =	vst v37  }
0x42: {  	[tilespmem:$0x1F980] =	vst v2;
	v2 =	vld [tilespmem:s16+$0x2B80]  }
0x43: {  	v31 =	vld [tilespmem:s16+$0xE80];
	[tilespmem:$0x1FB10] =	vst v12  }
0x44: {  	v7 =	vld [tilespmem:s16+$0xF00];
	[tilespmem:$0x1FB20] =	vst v36  }
0x45: {  	v30 =	vld [tilespmem:s16+$0xF80];
	[tilespmem:$0x1FB30] =	vst v35  }
0x46: {  	v62 =	vld [tilespmem:s16+$0x2F80];
	[tilespmem:$0x1FB40] =	vst v11  }
0x47: {  	[tilespmem:$0x1F990] =	vst v2;
	v2 =	vld [tilespmem:s16+$0x2C00]  }
0x48: {  	v29 =	vld [tilespmem:s16+$0x1000];
	[tilespmem:$0x1FB50] =	vst v34  }
0x49: {  	v63 =	vld [tilespmem:s16+$0x3000];
	[tilespmem:$0x1FB60] =	vst v33  }
0x4a: {  	v4 =	vld [tilespmem:s16+$0x1080];
	[tilespmem:$0x1FB80] =	vst v10  }
0x4b: {  	v0 =	vld [tilespmem:s16+$0x2080];
	[tilespmem:$0x1FBA0] =	vst v32  }
0x4c: {  	[tilespmem:$0x1F9A0] =	vst v2;
	v2 =	vld [tilespmem:s16+$0x2C80]  }
0x4d: {  	v58 =	vld [tilespmem:s16+$0x3080];
	[tilespmem:$0x1FBB0] =	vst v31  }
0x4e: {  	v28 =	vld [tilespmem:s16+$0x1100];
	[tilespmem:$0x1FBD0] =	vst v7  }
0x4f: {  	v56 =	vld [tilespmem:s16+$0x3100];
	[tilespmem:$0x1FBF0] =	vst v30  }
0x50: {  	[tilespmem:$0x1F850] =	vst v0;
	v0 =	vld [tilespmem:s16+$0x2100]  }
0x51: {  	[tilespmem:$0x1F9B0] =	vst v2;
	v2 =	vld [tilespmem:s16+$0x2D00]  }
0x52: {  	v25 =	vld [tilespmem:s16+$0x1180];
	[tilespmem:$0x1FC00] =	vst v62  }
0x53: {  	v61 =	vld [tilespmem:s16+$0x3180];
	[tilespmem:$0x1FC10] =	vst v29  }
0x54: {  	v8 =	vld [tilespmem:s16+$0x1200];
	[tilespmem:$0x1FC20] =	vst v4  }
0x55: {  	[tilespmem:$0x1F880] =	vst v0;
	v0 =	vld [tilespmem:s16+$0x2200]  }
0x56: {  	[tilespmem:$0x1FB70] =	vst v2;
	v2 =	vld [tilespmem:s16+$0x2D80]  }
0x57: {  	v55 =	vld [tilespmem:s16+$0x3200];
	[tilespmem:$0x1FC30] =	vst v58  }
0x58: {  	v24 =	vld [tilespmem:s16+$0x1280];
	[tilespmem:$0x1FC40] =	vst v28  }
0x59: {  	v59 =	vld [tilespmem:s16+$0x3280];
	[tilespmem:$0x1FC50] =	vst v56  }
0x5a: {  	[tilespmem:$0x1F8C0] =	vst v0;
	v0 =	vld [tilespmem:s16+$0x2300]  }
0x5b: {  	[tilespmem:$0x1FB90] =	vst v2;
	v2 =	vld [tilespmem:s16+$0x2E00]  }
0x5c: {  	v23 =	vld [tilespmem:s16+$0x1300];
	[tilespmem:$0x1FC60] =	vst v25  }
0x5d: {  	v57 =	vld [tilespmem:s16+$0x3300];
	[tilespmem:$0x1FC70] =	vst v8  }
0x5e: {  	v6 =	vld [tilespmem:s16+$0x1380];
	[tilespmem:$0x1FC80] =	vst v55  }
0x5f: {  	[tilespmem:$0x1F870] =	vst v0;
	v0 =	vld [tilespmem:s16+$0x2380]  }
0x60: {  	[tilespmem:$0x1F9C0] =	vst v2;
	v2 =	vld [tilespmem:s16+$0x2E80]  }
0x61: {  	v22 =	vld [tilespmem:s16+$0x1400];
	[tilespmem:$0x1FC90] =	vst v24  }
0x62: {  	v21 =	vld [tilespmem:s16+$0x1480];
	[tilespmem:$0x1FCA0] =	vst v23  }
0x63: {  	v3 =	vld [tilespmem:s16+$0x1500];
	[tilespmem:$0x1FCB0] =	vst v6  }
0x64: {  	[tilespmem:$0x1F8A0] =	vst v0;
	v0 =	vld [tilespmem:s16+$0x2400]  }
0x65: {  	[tilespmem:$0x1FBC0] =	vst v2;
	v2 =	vld [tilespmem:s16+$0x2F00]  }
0x66: {  	v20 =	vld [tilespmem:s16+$0x1580];
	[tilespmem:$0x1FCC0] =	vst v22  }
0x67: {  	v19 =	vld [tilespmem:s16+$0x1600];
	[tilespmem:$0x1FCD0] =	vst v21  }
0x68: {  	v50 =	vld [tilespmem:s16+$0x3600];
	[tilespmem:$0x1FCE0] =	vst v3  }
0x69: {  	[tilespmem:$0x1F8B0] =	vst v0;
	v0 =	vld [tilespmem:s16+$0x480]  }
0x6a: {  	[tilespmem:$0x1FBE0] =	vst v2;
	v2 =	vld [tilespmem:s16+$0x1680]  }
0x6b: {  	v60 =	vld [tilespmem:s16+$0x3380];
	[tilespmem:$0x1FCF0] =	vst v20  }
0x6c: {  	v54 =	vld [tilespmem:s16+$0x3400];
	[tilespmem:$0x1FDF0] =	vst v19  }
0x6d: {  	v52 =	vld [tilespmem:s16+$0x3480];
	[tilespmem:$0x1FD00] =	vst v50  }
0x6e: {  	v51 =	vld [tilespmem:s16+$0x3500];
	[tilespmem:$0x1FA50] =	vst v0  }
0x6f: {  	v49 =	vld [tilespmem:s16+$0x3580];
	[tilespmem:$0x1FE10] =	vst v2  }
0x70: {  	v18 =	vld [tilespmem:s16+$0x1700]  }
0x71: {  	v17 =	vld [tilespmem:s16+$0x1780]  }
0x72: {  	v26 =	vmax.f32 v16, v5;
	v5 =	vld [tilespmem:s16+$0x1800]  }
0x73: {  	v27 =	vmax.f32 v48, v27;
	v16 =	vld [tilespmem:s16+$0x1880]  }
0x74: {  	v26 =	vmax.f32 v26, v0;
	v0 =	vmax.f32 v47, v1;
	v1 =	vmax.f32 v46, v15;
	v15 =	vld [tilespmem:s16+$0x1900]  }
0x75: {  	v27 =	vmax.f32 v27, v44;
	v0 =	vmax.f32 v0, v43;
	v48 =	vld [tilespmem:s16+$0x1980]  }
0x76: {  	v27 =	vmax.f32 v27, v41;
	v0 =	vmax.f32 v0, v14;
	v14 =	vld [tilespmem:s16+$0x1A00]  }
0x77: {  	v27 =	vmax.f32 v27, v13;
	v26 =	vmax.f32 v26, v42;
	v13 =	vld [tilespmem:s16+$0x1A80]  }
0x78: {  	v27 =	vmax.f32 v27, v36;
	v1 =	vmax.f32 v1, v9;
	v26 =	vmax.f32 v26, v39;
	v39 =	vld [tilespmem:s16+$0x1B00]  }
0x79: {  	v27 =	vmax.f32 v27, v33;
	v1 =	vmax.f32 v1, v40;
	v40 =	vld [tilespmem:s16+$0x1B80]  }
0x7a: {  	v27 =	vmax.f32 v27, v7;
	v26 =	vmax.f32 v26, v12;
	v41 =	vld [tilespmem:s16+$0x1C00]  }
0x7b: {  	v27 =	vmax.f32 v27, v28;
	v26 =	vmax.f32 v26, v34;
	v42 =	vld [tilespmem:s16+$0x1C80]  }
0x7c: {  	v27 =	vmax.f32 v27, v23;
	v0 =	vmax.f32 v0, v38;
	v26 =	vmax.f32 v26, v31;
	v43 =	vld [tilespmem:s16+$0x1D00]  }
0x7d: {  	v27 =	vmax.f32 v27, v3;
	v0 =	vmax.f32 v0, v35;
	v26 =	vmax.f32 v26, v4;
	v44 =	vld [tilespmem:s16+$0x1D80]  }
0x7e: {  	v1 =	vmax.f32 v1, v37;
	v0 =	vmax.f32 v0, v10;
	v26 =	vmax.f32 v26, v24;
	v46 =	vld [tilespmem:s16+$0x1E00]  }
0x7f: {  	v1 =	vmax.f32 v1, v11;
	v0 =	vmax.f32 v0, v30;
	v26 =	vmax.f32 v26, v21;
	v3 =	vld [tilespmem:s16+$0x1E80]  }
0x80: {  	v1 =	vmax.f32 v1, v32;
	v0 =	vmax.f32 v0, v25;
	v26 =	vmax.f32 v26, v2;
	v2 =	vld [tilespmem:s16+$0x1F00]  }
0x81: {  	v1 =	vmax.f32 v1, v29;
	v0 =	vmax.f32 v0, v6;
	v47 =	vld [tilespmem:s16+$0x1F80]  }
0x82: {  	v1 =	vmax.f32 v1, v8;
	v0 =	vmax.f32 v0, v20;
	v20 =	vld [tilespmem:s16+$0x3680]  }
0x83: {  	v1 =	vmax.f32 v1, v22;
	v7 =	vld [tilespmem:s16+$0x3700]  }
0x84: {  	v1 =	vmax.f32 v1, v19;
	v19 =	vld [tilespmem:s16+$0x3780]  }
0x85: {  	v9 =	vld [tilespmem:s16+$0x3880]  }
0x86: {  	v21 =	vld [tilespmem:$0x1F880]  }
0x87: {  	v30 =	vld [tilespmem:$0x1F8E0]  }
0x88: {  	v37 =	vld [tilespmem:$0x1F8F0]  }
0x89: {  	v12 =	vld [tilespmem:s16+$0x3A00]  }
0x8a: {  	v24 =	vld [tilespmem:$0x1F900]  }
0x8b: {  	v10 =	vld [tilespmem:s16+$0x3A80]  }
0x8c: {  	v36 =	vld [tilespmem:$0x1F930];
	v0 =	vmax.f32 v0, v17  }
0x8d: {  	[tilespmem:$0x1FEE0] =	vst v48;
	v0 =	vmax.f32 v0, v48;
	v48 =	vld [tilespmem:s16+$0x2000]  }
0x8e: {  	v38 =	vld [tilespmem:$0x1F940];
	v1 =	vmax.f32 v1, v5  }
0x8f: {  	v25 =	vld [tilespmem:$0x1F950];
	v1 =	vmax.f32 v1, v14  }
0x90: {  	v28 =	vld [tilespmem:$0x1F960];
	v27 =	vmax.f32 v27, v18;
	v1 =	vmax.f32 v1, v41  }
0x91: {  	v32 =	vld [tilespmem:$0x1F970];
	v27 =	vmax.f32 v27, v15;
	v1 =	vmax.f32 v1, v46  }
0x92: {  	v27 =	vmax.f32 v27, v39;
	[tilespmem:$0x1FDB0] =	vst v48;
	v1 =	vmax.f32 v1, v48;
	v48 =	vld [tilespmem:$0x1F850]  }
0x93: {  	[tilespmem:$0x1FFC0] =	vst v43;
	v27 =	vmax.f32 v27, v43;
	v43 =	vld [tilespmem:$0x1F860]  }
0x94: {  	v35 =	vld [tilespmem:$0x1F980]  }
0x95: {  	v34 =	vld [tilespmem:$0x1F990]  }
0x96: {  	v31 =	vld [tilespmem:$0x1F9A0]  }
0x97: {  	v33 =	vld [tilespmem:$0x1F9B0];
	v22 =	vmax.f32 v48, v53  }
0x98: {  	[tilespmem:$0x1FD70] =	vst v2;
	v27 =	vmax.f32 v27, v2;
	v2 =	vmax.f32 v22, v43;
	v22 =	vld [tilespmem:$0x1F870]  }
0x99: {  	[tilespmem:$0x1FF80] =	vst v41;
	v41 =	vld [tilespmem:$0x1F890]  }
0x9a: {  	v29 =	vld [tilespmem:$0x1FB70];
	v26 =	vmax.f32 v26, v16  }
0x9b: {  	v8 =	vld [tilespmem:$0x1FB90];
	v26 =	vmax.f32 v26, v13  }
0x9c: {  	v6 =	vld [tilespmem:s16+$0x3C80];
	v26 =	vmax.f32 v26, v42  }
0x9d: {  	v11 =	vld [tilespmem:$0x1FBC0];
	[tilespmem:$0x1FE60] =	vst v17;
	v26 =	vmax.f32 v26, v3;
	v23 =	vmax.f32 v21, v22  }
0x9e: {  	[tilespmem:$0x1FEA0] =	vst v16;
	v26 =	vmax.f32 v26, v27;
	v27 =	vmax.f32 v23, v41;
	v23 =	vld [tilespmem:$0x1F8A0]  }
0x9f: {  	[tilespmem:$0x1FFA0] =	vst v42;
	v17 =	vld [tilespmem:s16+$0x3980]  }
0xa0: {  	[tilespmem:$0x1FD20] =	vst v44;
	v16 =	vld [tilespmem:s16+$0x3B00];
	v0 =	vmax.f32 v0, v40  }
0xa1: {  	[tilespmem:$0x1FD30] =	vst v46;
	v42 =	vld [tilespmem:$0x1F8D0];
	v0 =	vmax.f32 v0, v44  }
0xa2: {  	[tilespmem:$0x1FD90] =	vst v47;
	v44 =	vld [tilespmem:$0x1F8B0];
	v0 =	vmax.f32 v0, v47  }
0xa3: {  	v46 =	vmovc v45;
	v47 =	vmax.f32 v0, v1;
	v2 =	vmax.f32 v2, v37;
	v0 =	vmax.f32 v45, v23;
	v45 =	vld [tilespmem:$0x1F8C0]  }
0xa4: {  	[tilespmem:$0x1FF60] =	vst v40;
	v40 =	vld [tilespmem:$0x1F910];
	v2 =	vmax.f32 v2, v36  }
0xa5: {  	[tilespmem:$0x1FF40] =	vst v39;
	v39 =	vld [tilespmem:$0x1F920];
	v2 =	vmax.f32 v2, v32;
	v27 =	vmax.f32 v27, v24  }
0xa6: {  	[tilespmem:$0x1FD10] =	vst v18;
	v18 =	vld [tilespmem:s16+$0x3C00];
	v2 =	vmax.f32 v2, v33;
	v27 =	vmax.f32 v27, v38  }
0xa7: {  	[tilespmem:$0x1FF20] =	vst v13;
	v13 =	vld [tilespmem:$0x1FBE0];
	v2 =	vmax.f32 v2, v11;
	v27 =	vmax.f32 v27, v35  }
0xa8: {  	v2 =	vmax.f32 v2, v58;
	v27 =	vmax.f32 v27, v29;
	v29 =	vld [tilespmem:$0x1F9C0];
	v1 =	vmax.f32 v45, v44  }
0xa9: {  	[tilespmem:$0x1FF00] =	vst v14;
	v14 =	vld [tilespmem:s16+$0x3800];
	v2 =	vmax.f32 v2, v59;
	v0 =	vmax.f32 v0, v42;
	v1 =	vmax.f32 v1, v30  }
0xaa: {  	[tilespmem:$0x1FEC0] =	vst v15;
	v15 =	vld [tilespmem:s16+$0x3900];
	v2 =	vmax.f32 v2, v52;
	v0 =	vmax.f32 v0, v40;
	v1 =	vmax.f32 v1, v39  }
0xab: {  	[tilespmem:$0x1FD50] =	vst v3;
	v3 =	vld [tilespmem:s16+$0x3B80];
	v2 =	vmax.f32 v2, v20;
	v0 =	vmax.f32 v0, v25;
	v1 =	vmax.f32 v1, v28  }
0xac: {  	v11 =	vld [tilespmem:s16+$0x3D00];
	v2 =	vmax.f32 v2, v9;
	v0 =	vmax.f32 v0, v34;
	v1 =	vmax.f32 v1, v31  }
0xad: {  	v27 =	vmax.f32 v27, v13;
	v13 =	vld [tilespmem:s16+$0x3E00];
	v0 =	vmax.f32 v0, v8;
	v1 =	vmax.f32 v1, v29  }
0xae: {  	v27 =	vmax.f32 v27, v56;
	v56 =	vld [tilespmem:s16+$0x3F80];
	v0 =	vmax.f32 v0, v62;
	v1 =	vmax.f32 v1, v63  }
0xaf: {  	v2 =	vmax.f32 v2, v10;
	v8 =	vld [tilespmem:s16+$0x3D80];
	v0 =	vmax.f32 v0, v61;
	v1 =	vmax.f32 v1, v55  }
0xb0: {  	v27 =	vmax.f32 v27, v57;
	v0 =	vmax.f32 v0, v60;
	v55 =	vld [tilespmem:s16+$0x3F00];
	v1 =	vmax.f32 v1, v54  }
0xb1: {  	[tilespmem:$0x1FE90] =	vst v14;
	v62 =	vmovc v63;
	v0 =	vmax.f32 v0, v49;
	v63 =	vmov v54;
	v54 =	vld [tilespmem:s16+$0x3E80];
	v1 =	vmax.f32 v1, v50  }
0xb2: {  	v27 =	vmax.f32 v27, v51;
	v0 =	vmax.f32 v0, v19;
	v50 =	vmovc v14;
	v1 =	vmax.f32 v1, v14;
	v14 =	vld [tilespmem:s16+$0x4000]  }
0xb3: {  	v2 =	vmax.f32 v2, v6;
	v27 =	vmax.f32 v27, v7;
	v0 =	vmax.f32 v0, v17  }
0xb4: {  	[tilespmem:$0x1FE30] =	vst v7;
	v7 =	vld [tilespmem:$0x1F9D0];
	v27 =	vmax.f32 v27, v15;
	v0 =	vmax.f32 v0, v3;
	v1 =	vmax.f32 v1, v12  }
0xb5: {  	v27 =	vmax.f32 v27, v16;
	v0 =	vmax.f32 v0, v8;
	v1 =	vmax.f32 v1, v18  }
0xb6: {  	[tilespmem:$0x1FFD0] =	vst v11;
	v27 =	vmax.f32 v27, v11;
	v11 =	vld [tilespmem:$0x1F9E0];
	v0 =	vmax.f32 v0, v56;
	v1 =	vmax.f32 v1, v13  }
0xb7: {  	v27 =	vmax.f32 v27, v55;
	v2 =	vmax.f32 v2, v54;
	v1 =	vmax.f32 v1, v14  }
0xb8: {  	[tilespmem:$0x1FF10] =	vst v12;
	v26 =	vmax.f32 v26, v47;
	v12 =	vld [tilespmem:$0x1F9F0];
	v2 =	vmax.f32 v2, v27;
	v0 =	vmax.f32 v0, v1  }
0xb9: {  	v27 =	vmax.f32 v2, v0;
	v0 =	vsub.f32 v7, v26  }
0xba: {  	[tilespmem:$0x1FDC0] =	vst v14;
	v14 =	vld [tilespmem:$0x1FA00];
	v1 =	vsub.f32 v48, v27  }
0xbb: {  	v2 =	vsub.f32 v11, v26;
	v0 =	vmul.f32 $1.442695020e+00, v0  }
0xbc: {  	[tilespmem:$0x1FF70] =	vst v3;
	v47 =	vld [tilespmem:$0x1FA10];
	v3 =	vsub.f32 v21, v27;
	v1 =	vmul.f32 $1.442695020e+00, v1  }
0xbd: {  	(erf) = vpow2.f32 v0;
	v0 =	vmul.f32 $1.442695020e+00, v2;
	v2 =	vsub.f32 v12, v26  }
0xbe: {  	(erf) = vpow2.f32 v1;
	v1 =	vmul.f32 $1.442695020e+00, v3;
	v3 =	vsub.f32 v46, v27  }
0xbf: {  	(erf) = vpow2.f32 v0;
	v0 =	vmul.f32 $1.442695020e+00, v2;
	v2 =	vsub.f32 v14, v26  }
0xc0: {  	(erf) = vpow2.f32 v1;
	v1 =	vmul.f32 $1.442695020e+00, v3;
	v3 =	vsub.f32 v45, v27  }
0xc1: {  	[tilespmem:$0x1FD60] =	vst v54;
	v54 =	vld [tilespmem:$0x1FA20];
	(erf) = vpow2.f32 v0;
	v0 =	vmul.f32 $1.442695020e+00, v2;
	v2 =	vsub.f32 v47, v26  }
0xc2: {  	(erf) = vpow2.f32 v1;
	v1 =	vmul.f32 $1.442695020e+00, v3  }
0xc3: {  	(erf) = vpow2.f32 v0;
	v0 =	vmul.f32 $1.442695020e+00, v2  }
0xc4: {  	(erf) = vpow2.f32 v1  }
0xc5: {  	[tilespmem:$0x1FF50] =	vst v16;
	v16 =	vld [tilespmem:$0x1FA30];
	(erf) = vpow2.f32 v0;
	v0 =	vsub.f32 v53, v27  }
0xc6: {  	v2 =	vsub.f32 v54, v26  }
0xc7: {  	[tilespmem:$0x1FFB0] =	vst v6;
	v3 =	vpop (erf);
	v1 =	vmul.f32 $1.442695020e+00, v0  }
0xc8: {  	[tilespmem:$0x1FD80] =	vst v55;
	v2 =	vmul.f32 $1.442695020e+00, v2;
	v55 =	vpop (erf);
	v0 =	vsub.f32 v22, v27  }
0xc9: {  	[tilespmem:$0x1FDA0] =	vst v56;
	v56 =	vpop (erf);
	(erf) = vpow2.f32 v1  }
0xca: {  	[tilespmem:$0x1FEF0] =	vst v17;
	v6 =	vpop (erf);
	v1 =	vmul.f32 $1.442695020e+00, v0;
	v0 =	vsub.f32 v16, v26;
	(erf) = vpow2.f32 v2  }
0xcb: {  	[tilespmem:$0x1FF90] =	vst v18;
	v58 =	vmov v52;
	v17 =	vld [tilespmem:$0x1FA40];
	v18 =	vsub.f32 v7, v48;
	v11 =	vsub.f32 v11, v21  }
0xcc: {  	v52 =	vsub.f32 v54, v22;
	v12 =	vsub.f32 v12, v46;
	v2 =	vpop (erf);
	v0 =	vmul.f32 $1.442695020e+00, v0  }
0xcd: {  	[tilespmem:$0x1FF30] =	vst v10;
	v47 =	vsub.f32 v47, v53;
	v53 =	vmul.f32 v56, v11;
	v10 =	vpop (erf);
	(erf) = vpow2.f32 v1  }
0xce: {  	v4 =	vadd.f32 $0.0e+00, v56;
	v56 =	vsub.f32 v23, v27;
	(erf) = vpow2.f32 v0  }
0xcf: {  	[tilespmem:$0x1FE80] =	vst v5;
	v46 =	vsub.f32 v16, v23;
	v14 =	vsub.f32 v14, v45;
	v48 =	vmul.f32 v3, v18;
	v1 =	vpop (erf)  }
0xd0: {  	[tilespmem:$0x1FEB0] =	vst v9;
	v45 =	vsub.f32 v17, v26;
	v3 =	vadd.f32 $0.0e+00, v3;
	v18 =	vmul.f32 $1.442695020e+00, v56;
	v9 =	vpop (erf)  }
0xd1: {  	[tilespmem:$0x1FFE0] =	vst v8;
	v5 =	vadd.f32 $0.0e+00, v55;
	v8 =	vadd.f32 $0.0e+00, v48;
	v0 =	vpop (erf)  }
0xd2: {  	v48 =	vsub.f32 v44, v27;
	(erf) = vpow2.f32 v18;
	v7 =	vmul.f32 v0, v47;
	v54 =	vpop (erf)  }
0xd3: {  	v6 =	vadd.f32 $0.0e+00, v6;
	v0 =	vadd.f32 v3, v0;
	v55 =	vpop (erf)  }
0xd4: {  	v3 =	vadd.f32 v8, v7;
	v7 =	vmul.f32 v55, v52;
	v4 =	vadd.f32 v4, v55;
	v55 =	vld [tilespmem:$0x1FA50]  }
0xd5: {  	v11 =	vmul.f32 $1.442695020e+00, v45;
	v5 =	vadd.f32 v5, v54;
	v54 =	vsub.f32 v43, v27  }
0xd6: {  	v22 =	vadd.f32 $0.0e+00, v2;
	v8 =	vadd.f32 $0.0e+00, v53;
	v53 =	vmul.f32 $1.442695020e+00, v48;
	v21 =	vpop (erf)  }
0xd7: {  	v2 =	vmul.f32 v2, v12;
	v10 =	vadd.f32 $0.0e+00, v10;
	(erf) = vpow2.f32 v11;
	v47 =	vpop (erf)  }
0xd8: {  	(erf) = vpow2.f32 v53;
	v53 =	vld [tilespmem:$0x1FA60];
	v7 =	vadd.f32 v8, v7;
	v8 =	vadd.f32 v22, v47  }
0xd9: {  	v18 =	vmul.f32 $1.442695020e+00, v54;
	v54 =	vmovc v41;
	v22 =	vsub.f32 v41, v27;
	v41 =	vld [tilespmem:$0x1FA70];
	v52 =	vsub.f32 v55, v26  }
0xda: {  	v2 =	vadd.f32 $0.0e+00, v2;
	v9 =	vadd.f32 $0.0e+00, v9  }
0xdb: {  	v6 =	vadd.f32 v6, v21;
	v12 =	vmul.f32 v47, v46;
	v48 =	vpop (erf);
	v56 =	vmul.f32 $1.442695020e+00, v52  }
0xdc: {  	v46 =	vsub.f32 v42, v27;
	v10 =	vadd.f32 v10, v48  }
0xdd: {  	v21 =	vsub.f32 v53, v26;
	v2 =	vadd.f32 v2, v12;
	(erf) = vpow2.f32 v56  }
0xde: {  	v11 =	vmul.f32 $1.442695020e+00, v22;
	v45 =	vsub.f32 v41, v26;
	(erf) = vpow2.f32 v18;
	v18 =	vld [tilespmem:$0x1FA80]  }
0xdf: {  	v53 =	vsub.f32 v53, v54;
	v23 =	vmul.f32 $1.442695020e+00, v21;
	v21 =	vsub.f32 v17, v44;
	v17 =	vld [tilespmem:$0x1FA90]  }
0xe0: {  	v44 =	vsub.f32 v30, v27;
	v56 =	vmul.f32 $1.442695020e+00, v46;
	v47 =	vmul.f32 $1.442695020e+00, v45  }
0xe1: {  	(erf) = vpow2.f32 v23;
	v23 =	vmul.f32 v1, v14;
	v1 =	vadd.f32 $0.0e+00, v1  }
0xe2: {  	v14 =	vmul.f32 $1.442695020e+00, v44;
	v44 =	vsub.f32 v37, v27;
	(erf) = vpow2.f32 v11;
	v45 =	vpop (erf)  }
0xe3: {  	(erf) = vpow2.f32 v47;
	v47 =	vsub.f32 v55, v43;
	v43 =	vmovc v37;
	v37 =	vld [tilespmem:$0x1FAA0];
	v52 =	vsub.f32 v18, v26  }
0xe4: {  	[tilespmem:$0x1FD40] =	vst v13;
	v46 =	vsub.f32 v17, v26;
	v11 =	vadd.f32 $0.0e+00, v23;
	v13 =	vmul.f32 v45, v21  }
0xe5: {  	v1 =	vadd.f32 v1, v45;
	v48 =	vpop (erf);
	(erf) = vpow2.f32 v56;
	v22 =	vmul.f32 $1.442695020e+00, v52  }
0xe6: {  	[tilespmem:$0x1FED0] =	vst v15;
	v15 =	vmul.f32 $1.442695020e+00, v46;
	v9 =	vadd.f32 v9, v48;
	v56 =	vsub.f32 v41, v42  }
0xe7: {  	v11 =	vadd.f32 v11, v13;
	v23 =	vsub.f32 v18, v30;
	v18 =	vld [tilespmem:$0x1FAB0];
	(erf) = vpow2.f32 v22;
	v52 =	vpop (erf)  }
0xe8: {  	v46 =	vsub.f32 v37, v26;
	(erf) = vpow2.f32 v14;
	v12 =	vmul.f32 v52, v47  }
0xe9: {  	v54 =	vpop (erf);
	v0 =	vadd.f32 v0, v52;
	v47 =	vsub.f32 v17, v43;
	(erf) = vpow2.f32 v15  }
0xea: {  	v13 =	vmul.f32 $1.442695020e+00, v44;
	v52 =	vsub.f32 v24, v27;
	v17 =	vld [tilespmem:$0x1FAC0];
	v43 =	vsub.f32 v36, v27;
	v55 =	vpop (erf)  }
0xeb: {  	v5 =	vadd.f32 v5, v54;
	v3 =	vadd.f32 v3, v12;
	v14 =	vmul.f32 v55, v53  }
0xec: {  	v21 =	vpop (erf);
	v4 =	vadd.f32 v4, v55;
	(erf) = vpow2.f32 v13;
	v53 =	vsub.f32 v18, v26  }
0xed: {  	v54 =	vmul.f32 $1.442695020e+00, v52;
	v55 =	vsub.f32 v40, v27;
	v22 =	vpop (erf);
	v6 =	vadd.f32 v6, v21  }
0xee: {  	v7 =	vadd.f32 v7, v14;
	v12 =	vmul.f32 v22, v56;
	v8 =	vadd.f32 v8, v22  }
0xef: {  	v30 =	vpop (erf);
	v14 =	vmul.f32 $1.442695020e+00, v46;
	v56 =	vmul.f32 $1.442695020e+00, v53;
	v53 =	vld [tilespmem:$0x1FAD0];
	v21 =	vsub.f32 v17, v26  }
0xf0: {  	v22 =	vmul.f32 $1.442695020e+00, v55;
	v46 =	vmul.f32 $1.442695020e+00, v43;
	v55 =	vsub.f32 v37, v24;
	v41 =	vpop (erf)  }
0xf1: {  	v37 =	vsub.f32 v25, v27;
	v10 =	vadd.f32 v10, v30;
	v30 =	vmul.f32 $1.442695020e+00, v21;
	v45 =	vpop (erf)  }
0xf2: {  	v2 =	vadd.f32 v2, v12;
	v21 =	vld [tilespmem:$0x1FAF0];
	v42 =	vmul.f32 v41, v23;
	v48 =	vpop (erf);
	(erf) = vpow2.f32 v14  }
0xf3: {  	v1 =	vadd.f32 v1, v41;
	v23 =	vsub.f32 v39, v27;
	(erf) = vpow2.f32 v54;
	v54 =	vmovc v36;
	v36 =	vld [tilespmem:$0x1FAE0]  }
0xf4: {  	v43 =	vmul.f32 $1.442695020e+00, v37;
	v41 =	vsub.f32 v53, v26;
	v9 =	vadd.f32 v9, v45  }
0xf5: {  	v11 =	vadd.f32 v11, v42;
	v0 =	vadd.f32 v0, v48;
	v12 =	vmul.f32 v48, v47  }
0xf6: {  	v44 =	vmul.f32 $1.442695020e+00, v41;
	v41 =	vsub.f32 v18, v40;
	v18 =	vld [tilespmem:$0x1FB00];
	(erf) = vpow2.f32 v56  }
0xf7: {  	v42 =	vmul.f32 $1.442695020e+00, v23;
	v47 =	vsub.f32 v38, v27;
	(erf) = vpow2.f32 v22  }
0xf8: {  	v52 =	vsub.f32 v21, v26;
	(erf) = vpow2.f32 v30;
	v45 =	vsub.f32 v36, v26  }
0xf9: {  	v37 =	vsub.f32 v21, v25;
	v56 =	vmul.f32 $1.442695020e+00, v47;
	(erf) = vpow2.f32 v42  }
0xfa: {  	v21 =	vld [tilespmem:$0x1FB10];
	v3 =	vadd.f32 v3, v12;
	v22 =	vpop (erf);
	(erf) = vpow2.f32 v44;
	v48 =	vmul.f32 $1.442695020e+00, v45  }
0xfb: {  	v5 =	vadd.f32 v5, v22;
	(erf) = vpow2.f32 v46;
	v45 =	vsub.f32 v18, v26  }
0xfc: {  	v23 =	vmul.f32 $1.442695020e+00, v52;
	v46 =	vsub.f32 v17, v39;
	v24 =	vpop (erf);
	(erf) = vpow2.f32 v48  }
0xfd: {  	v30 =	vmul.f32 v24, v55;
	v4 =	vadd.f32 v4, v24;
	v48 =	vmul.f32 $1.442695020e+00, v45  }
0xfe: {  	v42 =	vpop (erf);
	v55 =	vsub.f32 v53, v54;
	v53 =	vsub.f32 v35, v27;
	(erf) = vpow2.f32 v56  }
0xff: {  	v44 =	vpop (erf);
	v6 =	vadd.f32 v6, v42;
	v42 =	vsub.f32 v21, v26;
	(erf) = vpow2.f32 v23  }
0x100: {  	v7 =	vadd.f32 v7, v30;
	v13 =	vmul.f32 v44, v41;
	v8 =	vadd.f32 v8, v44  }
0x101: {  	v47 =	vpop (erf);
	v30 =	vsub.f32 v36, v38;
	v41 =	vsub.f32 v28, v27;
	(erf) = vpow2.f32 v43  }
0x102: {  	v17 =	vld [tilespmem:$0x1FB30];
	v52 =	vpop (erf);
	v10 =	vadd.f32 v10, v47;
	v44 =	vmul.f32 $1.442695020e+00, v42;
	v47 =	vsub.f32 v18, v28  }
0x103: {  	v42 =	vsub.f32 v33, v27;
	v2 =	vadd.f32 v2, v13;
	v12 =	vmul.f32 v52, v46  }
0x104: {  	v28 =	vld [tilespmem:$0x1FB20];
	v56 =	vpop (erf);
	v1 =	vadd.f32 v1, v52;
	(erf) = vpow2.f32 v48;
	v43 =	vmul.f32 $1.442695020e+00, v41  }
0x105: {  	v46 =	vsub.f32 v32, v27;
	v22 =	vpop (erf);
	v9 =	vadd.f32 v9, v56;
	v56 =	vmul.f32 $1.442695020e+00, v53  }
0x106: {  	v18 =	vmovc v34;
	v11 =	vadd.f32 v11, v12;
	v23 =	vmul.f32 v22, v55;
	v0 =	vadd.f32 v0, v22  }
0x107: {  	v24 =	vpop (erf);
	v13 =	vmul.f32 $1.442695020e+00, v46;
	v55 =	vsub.f32 v17, v26;
	v22 =	vsub.f32 v34, v27;
	v34 =	vld [tilespmem:$0x1FB40]  }
0x108: {  	v46 =	vmul.f32 $1.442695020e+00, v42;
	v5 =	vadd.f32 v5, v24;
	v3 =	vadd.f32 v3, v23  }
0x109: {  	v52 =	vsub.f32 v28, v26;
	v23 =	vmul.f32 $1.442695020e+00, v55;
	v25 =	vmul.f32 $1.442695020e+00, v22;
	v36 =	vpop (erf)  }
0x10a: {  	v53 =	vld [tilespmem:$0x1FB70];
	v38 =	vpop (erf);
	v39 =	vmul.f32 v36, v30;
	v4 =	vadd.f32 v4, v36;
	(erf) = vpow2.f32 v43  }
0x10b: {  	v36 =	vmovc v35;
	v54 =	vmul.f32 $1.442695020e+00, v52;
	v35 =	vmovc v31;
	v43 =	vsub.f32 v21, v32;
	v6 =	vadd.f32 v6, v38  }
0x10c: {  	v40 =	vpop (erf);
	(erf) = vpow2.f32 v44;
	v24 =	vsub.f32 v34, v26;
	v55 =	vsub.f32 v28, v36  }
0x10d: {  	v12 =	vmul.f32 v40, v37;
	v7 =	vadd.f32 v7, v39;
	v45 =	vpop (erf);
	v37 =	vsub.f32 v31, v27;
	v31 =	vld [tilespmem:$0x1FB50]  }
0x10e: {  	v21 =	vld [tilespmem:$0x1FB60];
	v8 =	vadd.f32 v8, v40;
	(erf) = vpow2.f32 v13;
	v10 =	vadd.f32 v10, v45  }
0x10f: {  	v28 =	vld [tilespmem:$0x1FB80];
	(erf) = vpow2.f32 v54;
	v38 =	vmul.f32 $1.442695020e+00, v24;
	v54 =	vsub.f32 v53, v27  }
0x110: {  	v48 =	vpop (erf);
	v24 =	vsub.f32 v17, v18;
	v2 =	vadd.f32 v2, v12;
	(erf) = vpow2.f32 v56  }
0x111: {  	v1 =	vadd.f32 v1, v48;
	v12 =	vmul.f32 v48, v47;
	(erf) = vpow2.f32 v23  }
0x112: {  	v40 =	vmul.f32 $1.442695020e+00, v37;
	(erf) = vpow2.f32 v25;
	v39 =	vsub.f32 v31, v26  }
0x113: {  	v45 =	vsub.f32 v21, v26;
	v22 =	vmul.f32 $1.442695020e+00, v54;
	v11 =	vadd.f32 v11, v12  }
0x114: {  	v36 =	vsub.f32 v28, v26;
	(erf) = vpow2.f32 v38;
	v41 =	vmul.f32 $1.442695020e+00, v39;
	v44 =	vpop (erf)  }
0x115: {  	v52 =	vmul.f32 $1.442695020e+00, v45;
	(erf) = vpow2.f32 v40;
	v40 =	vsub.f32 v34, v35;
	v34 =	vld [tilespmem:$0x1FBB0];
	v47 =	vpop (erf)  }
0x116: {  	v9 =	vadd.f32 v9, v44;
	(erf) = vpow2.f32 v41;
	v48 =	vmul.f32 v47, v43  }
0x117: {  	v0 =	vadd.f32 v0, v47;
	v56 =	vpop (erf);
	v43 =	vsub.f32 v31, v33;
	(erf) = vpow2.f32 v46  }
0x118: {  	v47 =	vld [tilespmem:$0x1FB90];
	v23 =	vpop (erf);
	v5 =	vadd.f32 v5, v56;
	v3 =	vadd.f32 v3, v48;
	(erf) = vpow2.f32 v52  }
0x119: {  	v13 =	vmul.f32 v23, v55;
	v25 =	vpop (erf);
	v4 =	vadd.f32 v4, v23;
	v52 =	vsub.f32 v21, v53  }
0x11a: {  	v39 =	vmul.f32 $1.442695020e+00, v36;
	v21 =	vld [tilespmem:$0x1FBA0];
	v35 =	vsub.f32 v34, v26;
	v37 =	vpop (erf);
	v6 =	vadd.f32 v6, v25  }
0x11b: {  	v36 =	vld [tilespmem:$0x1FBC0];
	(erf) = vpow2.f32 v22;
	v25 =	vsub.f32 v29, v27;
	v7 =	vadd.f32 v7, v13;
	v41 =	vpop (erf)  }
0x11c: {  	v33 =	vld [tilespmem:$0x1FBE0];
	v38 =	vmul.f32 v37, v24;
	v8 =	vadd.f32 v8, v37;
	v10 =	vadd.f32 v10, v41  }
0x11d: {  	(erf) = vpow2.f32 v39;
	v48 =	vsub.f32 v47, v27;
	v30 =	vsub.f32 v28, v47  }
0x11e: {  	v42 =	vpop (erf);
	v12 =	vmul.f32 $1.442695020e+00, v25;
	v41 =	vmul.f32 $1.442695020e+00, v35;
	v28 =	vld [tilespmem:$0x1FBD0];
	v2 =	vadd.f32 v2, v38  }
0x11f: {  	v17 =	vld [tilespmem:$0x1FBF0];
	v44 =	vmul.f32 v42, v40;
	v45 =	vpop (erf);
	v1 =	vadd.f32 v1, v42;
	v56 =	vsub.f32 v21, v26  }
0x120: {  	v35 =	vld [tilespmem:$0x1FC30];
	v40 =	vsub.f32 v36, v27;
	v9 =	vadd.f32 v9, v45;
	v54 =	vmul.f32 $1.442695020e+00, v48  }
0x121: {  	v11 =	vadd.f32 v11, v44;
	v44 =	vsub.f32 v33, v27;
	v46 =	vpop (erf);
	v23 =	vmul.f32 $1.442695020e+00, v56  }
0x122: {  	v56 =	vsub.f32 v21, v29;
	v13 =	vmul.f32 v46, v43;
	v53 =	vpop (erf);
	v0 =	vadd.f32 v0, v46  }
0x123: {  	(erf) = vpow2.f32 v54;
	v42 =	vsub.f32 v28, v26;
	v5 =	vadd.f32 v5, v53;
	v53 =	vld [tilespmem:$0x1FC00]  }
0x124: {  	v18 =	vld [tilespmem:$0x1FC10];
	v43 =	vmul.f32 $1.442695020e+00, v40;
	v46 =	vsub.f32 v17, v26;
	v47 =	vmul.f32 $1.442695020e+00, v44  }
0x125: {  	v37 =	vsub.f32 v35, v27;
	v55 =	vpop (erf);
	(erf) = vpow2.f32 v23;
	v23 =	vsub.f32 v62, v27  }
0x126: {  	v29 =	vld [tilespmem:$0x1FC20];
	v3 =	vadd.f32 v3, v13;
	v22 =	vmul.f32 v55, v52;
	(erf) = vpow2.f32 v12  }
0x127: {  	v4 =	vadd.f32 v4, v55;
	v24 =	vpop (erf);
	v45 =	vmul.f32 $1.442695020e+00, v42;
	(erf) = vpow2.f32 v41  }
0x128: {  	v48 =	vmul.f32 $1.442695020e+00, v46;
	v31 =	vpop (erf);
	(erf) = vpow2.f32 v43;
	v54 =	vsub.f32 v53, v27  }
0x129: {  	v55 =	vsub.f32 v18, v26;
	v13 =	vmul.f32 v31, v30;
	(erf) = vpow2.f32 v45  }
0x12a: {  	v38 =	vld [tilespmem:$0x1FC40];
	v6 =	vadd.f32 v6, v24;
	(erf) = vpow2.f32 v47;
	v21 =	vmul.f32 $1.442695020e+00, v54  }
0x12b: {  	v12 =	vmul.f32 $1.442695020e+00, v55;
	v24 =	vsub.f32 v29, v26;
	(erf) = vpow2.f32 v48  }
0x12c: {  	v25 =	vmul.f32 $1.442695020e+00, v23;
	v2 =	vadd.f32 v2, v13;
	v52 =	vpop (erf);
	(erf) = vpow2.f32 v21  }
0x12d: {  	v13 =	vmul.f32 $1.442695020e+00, v24;
	v53 =	vsub.f32 v17, v53;
	v17 =	vld [tilespmem:$0x1FC70];
	(erf) = vpow2.f32 v12  }
0x12e: {  	v40 =	vsub.f32 v34, v36;
	v7 =	vadd.f32 v7, v22;
	v48 =	vld [tilespmem:$0x1FC50];
	v22 =	vpop (erf);
	(erf) = vpow2.f32 v25  }
0x12f: {  	v39 =	vsub.f32 v38, v26;
	v46 =	vsub.f32 v28, v33;
	v42 =	vpop (erf);
	(erf) = vpow2.f32 v13  }
0x130: {  	v23 =	vsub.f32 v18, v62;
	v8 =	vadd.f32 v8, v31;
	v44 =	vpop (erf)  }
0x131: {  	v41 =	vmul.f32 $1.442695020e+00, v37;
	v30 =	vsub.f32 v29, v35;
	v10 =	vadd.f32 v10, v52;
	v45 =	vpop (erf)  }
0x132: {  	v43 =	vmul.f32 $1.442695020e+00, v39;
	v1 =	vadd.f32 v1, v22;
	v39 =	vsub.f32 v17, v26;
	v47 =	vpop (erf)  }
0x133: {  	v18 =	vld [tilespmem:$0x1FCA0];
	v14 =	vmul.f32 v22, v56;
	v9 =	vadd.f32 v9, v42;
	v52 =	vsub.f32 v48, v27;
	v54 =	vpop (erf)  }
0x134: {  	v21 =	vld [tilespmem:$0x1FC60];
	v33 =	vsub.f32 v38, v48;
	v38 =	vsub.f32 v61, v27;
	(erf) = vpow2.f32 v41;
	v22 =	vpop (erf)  }
0x135: {  	v11 =	vadd.f32 v11, v14;
	v14 =	vmul.f32 v44, v40;
	(erf) = vpow2.f32 v43;
	v24 =	vpop (erf)  }
0x136: {  	v0 =	vadd.f32 v0, v44;
	v44 =	vmul.f32 $1.442695020e+00, v39;
	v5 =	vadd.f32 v5, v45;
	v25 =	vpop (erf)  }
0x137: {  	v42 =	vld [tilespmem:$0x1FC80];
	v56 =	vmul.f32 $1.442695020e+00, v52;
	v3 =	vadd.f32 v3, v14;
	v14 =	vmul.f32 v22, v53;
	v31 =	vpop (erf)  }
0x138: {  	v52 =	vsub.f32 v18, v26;
	v55 =	vmul.f32 v47, v46;
	v4 =	vadd.f32 v4, v47;
	v32 =	vpop (erf)  }
0x139: {  	v36 =	vsub.f32 v21, v26;
	v2 =	vadd.f32 v2, v14;
	v14 =	vmul.f32 v32, v30;
	v30 =	vld [tilespmem:$0x1FC90]  }
0x13a: {  	v40 =	vmul.f32 $1.442695020e+00, v38;
	v47 =	vsub.f32 v59, v27;
	v6 =	vadd.f32 v6, v54  }
0x13b: {  	(erf) = vpow2.f32 v56;
	v54 =	vsub.f32 v57, v27;
	v7 =	vadd.f32 v7, v55  }
0x13c: {  	v37 =	vmul.f32 $1.442695020e+00, v36;
	v43 =	vsub.f32 v42, v27;
	v53 =	vmul.f32 $1.442695020e+00, v47  }
0x13d: {  	v55 =	vmul.f32 $1.442695020e+00, v52;
	v13 =	vmul.f32 v25, v23;
	v1 =	vadd.f32 v1, v25;
	v25 =	vld [tilespmem:$0x1FCB0];
	v34 =	vpop (erf)  }
0x13e: {  	v62 =	vmul.f32 $1.442695020e+00, v54;
	v35 =	vpop (erf);
	(erf) = vpow2.f32 v37;
	v45 =	vsub.f32 v30, v26  }
0x13f: {  	v29 =	vld [tilespmem:$0x1FCC0];
	v46 =	vmul.f32 $1.442695020e+00, v43;
	(erf) = vpow2.f32 v40  }
0x140: {  	(erf) = vpow2.f32 v44;
	v48 =	vmul.f32 $1.442695020e+00, v45  }
0x141: {  	v10 =	vadd.f32 v10, v24;
	v24 =	vsub.f32 v60, v27;
	(erf) = vpow2.f32 v46  }
0x142: {  	v9 =	vadd.f32 v9, v31;
	v56 =	vsub.f32 v25, v26;
	(erf) = vpow2.f32 v48  }
0x143: {  	v5 =	vadd.f32 v5, v34;
	v34 =	vmul.f32 $1.442695020e+00, v24;
	(erf) = vpow2.f32 v53  }
0x144: {  	v39 =	vld [tilespmem:$0x1FCD0];
	v31 =	vsub.f32 v29, v26;
	v41 =	vpop (erf);
	v28 =	vmul.f32 $1.442695020e+00, v56;
	(erf) = vpow2.f32 v55  }
0x145: {  	v11 =	vadd.f32 v11, v13;
	v13 =	vmul.f32 v35, v33;
	(erf) = vpow2.f32 v62  }
0x146: {  	v4 =	vadd.f32 v4, v35;
	v35 =	vmul.f32 $1.442695020e+00, v31;
	(erf) = vpow2.f32 v28  }
0x147: {  	v8 =	vadd.f32 v8, v22;
	v36 =	vpop (erf);
	(erf) = vpow2.f32 v34  }
0x148: {  	v17 =	vsub.f32 v17, v42;
	v37 =	vsub.f32 v63, v27;
	v42 =	vpop (erf);
	(erf) = vpow2.f32 v35  }
0x149: {  	v0 =	vadd.f32 v0, v32;
	v40 =	vsub.f32 v39, v26;
	v44 =	vpop (erf)  }
0x14a: {  	v3 =	vadd.f32 v3, v14;
	v14 =	vadd.f32 v6, v41;
	v41 =	vmul.f32 $1.442695020e+00, v37;
	v47 =	vpop (erf)  }
0x14b: {  	v33 =	vsub.f32 v21, v61;
	v43 =	vmul.f32 $1.442695020e+00, v40;
	v45 =	vsub.f32 v30, v59;
	v48 =	vpop (erf)  }
0x14c: {  	v61 =	vsub.f32 v29, v63;
	v53 =	vsub.f32 v18, v57;
	(erf) = vpow2.f32 v41;
	v55 =	vpop (erf)  }
0x14d: {  	(erf) = vpow2.f32 v43;
	v54 =	vmul.f32 v48, v45;
	v12 =	vadd.f32 v0, v48;
	v0 =	vpop (erf)  }
0x14e: {  	v59 =	vsub.f32 v25, v60;
	v38 =	vmul.f32 v36, v33;
	v8 =	vadd.f32 v8, v36;
	v60 =	vpop (erf)  }
0x14f: {  	v57 =	vadd.f32 v3, v54;
	v3 =	vmul.f32 v0, v53;
	v6 =	vadd.f32 v4, v0;
	v0 =	vpop (erf)  }
0x150: {  	v2 =	vadd.f32 v2, v38;
	v62 =	vmul.f32 v0, v59;
	v63 =	vpop (erf);
	v0 =	vadd.f32 v8, v0  }
0x151: {  	v4 =	vpop (erf)  }
0x152: {  	v46 =	vmul.f32 v44, v17;
	[tilespmem:$0x1FDD0] =	vst v0;
	v0 =	vadd.f32 v2, v62;
	v2 =	vmul.f32 v4, v61;
	_ =	sdelay $0x1  }
0x153: {  	v1 =	vadd.f32 v1, v44;
	v52 =	vadd.f32 v11, v46  }
0x154: {  	v22 =	vsub.f32 v39, v58;
	v17 =	vpop (erf)  }
0x155: {  	[tilespmem:$0x1FE00] =	vst v0;
	v0 =	vadd.f32 v1, v4;
	v1 =	vadd.f32 v52, v2;
	v2 =	vpop (erf)  }
0x156: {  	v39 =	vsub.f32 v20, v27;
	v8 =	vmul.f32 v2, v22;
	_ =	sdelay $0x1  }
0x157: {  	v10 =	vadd.f32 v10, v42;
	v42 =	vmul.f32 $1.442695020e+00, v39;
	v39 =	vld [tilespmem:$0x1FF20];
	[tilespmem:$0x1FDE0] =	vst v0;
	v0 =	vadd.f32 v57, v8  }
0x158: {  	[tilespmem:$0x1FE40] =	vst v1;
	v1 =	vld [tilespmem:$0x1FCE0]  }
0x159: {  	v23 =	vsub.f32 v58, v27;
	v31 =	vsub.f32 v49, v27;
	[tilespmem:$0x1FE50] =	vst v0;
	v0 =	vld [tilespmem:$0x1FDF0]  }
0x15a: {  	v7 =	vadd.f32 v7, v13;
	v25 =	vsub.f32 v51, v27;
	v45 =	vld [tilespmem:$0x1FE60]  }
0x15b: {  	v56 =	vadd.f32 v9, v47;
	v11 =	vadd.f32 v5, v55;
	v5 =	vld [tilespmem:$0x1FCF0]  }
0x15c: {  	v3 =	vadd.f32 v7, v3;
	v7 =	vadd.f32 v12, v2;
	v2 =	vld [tilespmem:$0x1FE10]  }
0x15d: {  	[tilespmem:$0x1FE70] =	vst v19;
	v30 =	vmul.f32 $1.442695020e+00, v25;
	v47 =	vsub.f32 v19, v27;
	v19 =	vsub.f32 v39, v26  }
0x15e: {  	v34 =	vmul.f32 $1.442695020e+00, v31;
	v24 =	vsub.f32 v1, v26;
	v33 =	vsub.f32 v0, v26;
	v0 =	vld [tilespmem:$0x1FD00]  }
0x15f: {  	v9 =	vadd.f32 v14, v60;
	v14 =	vadd.f32 v10, v63;
	v10 =	vmul.f32 $1.442695020e+00, v23  }
0x160: {  	v19 =	vmul.f32 $1.442695020e+00, v19;
	v29 =	vsub.f32 v5, v26;
	v28 =	vmul.f32 $1.442695020e+00, v24  }
0x161: {  	v13 =	vsub.f32 v45, v26;
	(erf) = vpow2.f32 v10;
	v37 =	vsub.f32 v2, v26;
	v2 =	vld [tilespmem:$0x1FD10]  }
0x162: {  	v43 =	vld [tilespmem:$0x1FE30];
	v32 =	vmul.f32 $1.442695020e+00, v29;
	(erf) = vpow2.f32 v28  }
0x163: {  	v48 =	vmul.f32 $1.442695020e+00, v13;
	(erf) = vpow2.f32 v30;
	v35 =	vsub.f32 v0, v27  }
0x164: {  	v53 =	vsub.f32 v50, v27;
	v54 =	vld [tilespmem:$0x1FEA0];
	(erf) = vpow2.f32 v32;
	v36 =	vmul.f32 $1.442695020e+00, v33  }
0x165: {  	v17 =	vadd.f32 v56, v17;
	v4 =	vmovc v49;
	v49 =	vld [tilespmem:$0x1FE80];
	(erf) = vpow2.f32 v34;
	v38 =	vmul.f32 $1.442695020e+00, v35  }
0x166: {  	v60 =	vld [tilespmem:$0x1FED0];
	v40 =	vmul.f32 $1.442695020e+00, v37;
	v41 =	vsub.f32 v2, v26;
	(erf) = vpow2.f32 v36  }
0x167: {  	v59 =	vld [tilespmem:$0x1FEC0];
	v56 =	vmul.f32 $1.442695020e+00, v53;
	v12 =	vsub.f32 v43, v27;
	(erf) = vpow2.f32 v38  }
0x168: {  	v57 =	vld [tilespmem:$0x1FEB0];
	v44 =	vmul.f32 $1.442695020e+00, v41;
	(erf) = vpow2.f32 v40  }
0x169: {  	v61 =	vld [tilespmem:$0x1FEE0];
	v55 =	vsub.f32 v54, v26;
	v46 =	vmul.f32 $1.442695020e+00, v12;
	(erf) = vpow2.f32 v42  }
0x16a: {  	v53 =	vld [tilespmem:$0x1FF90];
	v52 =	vmovc v51;
	v51 =	vmul.f32 $1.442695020e+00, v47;
	v13 =	vsub.f32 v49, v26;
	(erf) = vpow2.f32 v44  }
0x16b: {  	v16 =	vsub.f32 v60, v27;
	v58 =	vmul.f32 $1.442695020e+00, v55;
	v22 =	vld [tilespmem:$0x1FEF0];
	v31 =	vpop (erf);
	(erf) = vpow2.f32 v46  }
0x16c: {  	v15 =	vsub.f32 v59, v26;
	v49 =	vld [tilespmem:$0x1FF80];
	v13 =	vmul.f32 $1.442695020e+00, v13;
	v21 =	vpop (erf);
	(erf) = vpow2.f32 v48  }
0x16d: {  	v63 =	vmul.f32 $1.442695020e+00, v16;
	v24 =	vld [tilespmem:$0x1FF00];
	v12 =	vsub.f32 v57, v27;
	v32 =	vpop (erf);
	(erf) = vpow2.f32 v51  }
0x16e: {  	v29 =	vld [tilespmem:$0x1FF10];
	v15 =	vmul.f32 $1.442695020e+00, v15;
	v8 =	vpop (erf);
	(erf) = vpow2.f32 v13  }
0x16f: {  	v62 =	vsub.f32 v61, v26;
	v12 =	vmul.f32 $1.442695020e+00, v12;
	v41 =	vld [tilespmem:$0x1FF40];
	v33 =	vpop (erf);
	(erf) = vpow2.f32 v56  }
0x170: {  	v54 =	vsub.f32 v53, v27;
	v16 =	vsub.f32 v22, v27;
	v40 =	vld [tilespmem:$0x1FF30];
	v10 =	vpop (erf);
	(erf) = vpow2.f32 v58  }
0x171: {  	v47 =	vld [tilespmem:$0x1FF70];
	v23 =	vmul.f32 $1.442695020e+00, v62;
	v50 =	vsub.f32 v49, v26;
	v34 =	vpop (erf);
	(erf) = vpow2.f32 v12  }
0x172: {  	v28 =	vmul.f32 $1.442695020e+00, v16;
	v25 =	vsub.f32 v24, v26;
	v44 =	vld [tilespmem:$0x1FF50];
	v13 =	vpop (erf);
	(erf) = vpow2.f32 v15  }
0x173: {  	v16 =	vsub.f32 v29, v27;
	v55 =	vmul.f32 $1.442695020e+00, v50;
	v46 =	vld [tilespmem:$0x1FF60];
	v35 =	vpop (erf);
	(erf) = vpow2.f32 v63  }
0x174: {  	v60 =	vld [tilespmem:$0x1FFC0];
	v30 =	vmul.f32 $1.442695020e+00, v25;
	v42 =	vsub.f32 v41, v26;
	v18 =	vpop (erf);
	(erf) = vpow2.f32 v23  }
0x175: {  	[tilespmem:$0x1FE20] =	vst v20;
	v16 =	vmul.f32 $1.442695020e+00, v16;
	v20 =	vsub.f32 v40, v27;
	v56 =	vld [tilespmem:$0x1FFA0];
	v36 =	vpop (erf);
	(erf) = vpow2.f32 v28  }
0x176: {  	v45 =	vmul.f32 $1.442695020e+00, v42;
	v48 =	vsub.f32 v47, v27;
	v63 =	vld [tilespmem:$0x1FFD0];
	v12 =	vpop (erf);
	(erf) = vpow2.f32 v30  }
0x177: {  	v43 =	vmul.f32 $1.442695020e+00, v20;
	v20 =	vsub.f32 v44, v27;
	v37 =	vpop (erf);
	(erf) = vpow2.f32 v16  }
0x178: {  	v57 =	vld [tilespmem:$0x1FFB0];
	v51 =	vmul.f32 $1.442695020e+00, v48;
	v22 =	vsub.f32 v46, v26;
	v15 =	vpop (erf);
	(erf) = vpow2.f32 v19  }
0x179: {  	v61 =	vsub.f32 v60, v26;
	v20 =	vmul.f32 $1.442695020e+00, v20;
	v38 =	vpop (erf);
	(erf) = vpow2.f32 v43  }
0x17a: {  	v22 =	vmul.f32 $1.442695020e+00, v22;
	v24 =	vsub.f32 v56, v26;
	v62 =	vpop (erf);
	(erf) = vpow2.f32 v45  }
0x17b: {  	v23 =	vmul.f32 $1.442695020e+00, v54;
	v16 =	vsub.f32 v63, v27;
	v63 =	vld [tilespmem:$0x1FD20];
	v39 =	vpop (erf);
	(erf) = vpow2.f32 v20  }
0x17c: {  	v47 =	vld [tilespmem:$0x1FFE0];
	v59 =	vmul.f32 $1.442695020e+00, v24;
	v19 =	vpop (erf);
	(erf) = vpow2.f32 v22  }
0x17d: {  	v58 =	vsub.f32 v57, v27;
	v24 =	vmul.f32 $1.442695020e+00, v61;
	v61 =	vld [tilespmem:$0x1FD30];
	v40 =	vpop (erf);
	(erf) = vpow2.f32 v51  }
0x17e: {  	v57 =	vld [tilespmem:$0x1FD40];
	v20 =	vpop (erf);
	(erf) = vpow2.f32 v55  }
0x17f: {  	v25 =	vmul.f32 $1.442695020e+00, v58;
	v41 =	vpop (erf);
	(erf) = vpow2.f32 v23  }
0x180: {  	v58 =	vld [tilespmem:$0x1FD60];
	v45 =	vsub.f32 v63, v26;
	v23 =	vpop (erf);
	(erf) = vpow2.f32 v59  }
0x181: {  	v60 =	vld [tilespmem:$0x1FD50];
	v48 =	vsub.f32 v47, v27;
	v46 =	vmul.f32 $1.442695020e+00, v16;
	v42 =	vpop (erf);
	(erf) = vpow2.f32 v25  }
0x182: {  	v49 =	vsub.f32 v61, v26;
	v29 =	vmul.f32 $1.442695020e+00, v45;
	v16 =	vpop (erf);
	(erf) = vpow2.f32 v24  }
0x183: {  	v50 =	vmul.f32 $1.442695020e+00, v48;
	v51 =	vsub.f32 v57, v27;
	v43 =	vpop (erf);
	(erf) = vpow2.f32 v46  }
0x184: {  	v53 =	vmul.f32 $1.442695020e+00, v49;
	v24 =	vpop (erf);
	(erf) = vpow2.f32 v29  }
0x185: {  	v55 =	vsub.f32 v58, v27;
	v28 =	vmul.f32 $1.442695020e+00, v51;
	v44 =	vpop (erf);
	(erf) = vpow2.f32 v50  }
0x186: {  	v54 =	vsub.f32 v60, v26;
	v59 =	vld [tilespmem:$0x1FD70];
	v25 =	vpop (erf);
	(erf) = vpow2.f32 v53  }
0x187: {  	v46 =	vpop (erf);
	(erf) = vpow2.f32 v28;
	v28 =	vmul.f32 $1.442695020e+00, v55;
	v55 =	vld [tilespmem:$0x1FD90]  }
0x188: {  	v30 =	vmul.f32 $1.442695020e+00, v54;
	v54 =	vld [tilespmem:$0x1FD80];
	_ =	sdelay $0x1  }
0x189: {  	v53 =	vld [tilespmem:$0x1FDA0]  }
0x18a: {  	v52 =	vsub.f32 v1, v52;
	v1 =	vld [tilespmem:$0x1FDD0];
	v47 =	vsub.f32 v59, v26  }
0x18b: {  	v31 =	vadd.f32 v11, v31;
	v56 =	vsub.f32 v55, v26  }
0x18c: {  	v22 =	vsub.f32 v54, v27;
	v29 =	vpop (erf);
	(erf) = vpow2.f32 v30  }
0x18d: {  	v31 =	vadd.f32 v31, v35;
	v30 =	vmul.f32 $1.442695020e+00, v47;
	v48 =	vmul.f32 $1.442695020e+00, v56;
	v56 =	vld [tilespmem:$0x1FDB0]  }
0x18e: {  	v45 =	vmul.f32 $1.442695020e+00, v22;
	v47 =	vpop (erf);
	(erf) = vpow2.f32 v28;
	v22 =	vsub.f32 v53, v27  }
0x18f: {  	v31 =	vadd.f32 v31, v39;
	v39 =	vadd.f32 v1, v8;
	v1 =	vld [tilespmem:$0x1FDE0];
	v28 =	vpop (erf);
	(erf) = vpow2.f32 v30  }
0x190: {  	v9 =	vadd.f32 v9, v32;
	v50 =	vpop (erf);
	(erf) = vpow2.f32 v45;
	v45 =	vmul.f32 $1.442695020e+00, v22;
	v22 =	vld [tilespmem:$0x1FDC0]  }
0x191: {  	v7 =	vadd.f32 v7, v13  }
0x192: {  	v9 =	vadd.f32 v9, v36;
	v51 =	vsub.f32 v56, v26  }
0x193: {  	v14 =	vadd.f32 v14, v33  }
0x194: {  	v7 =	vadd.f32 v7, v62;
	v36 =	vadd.f32 v9, v40  }
0x195: {  	v40 =	vadd.f32 v1, v10;
	v30 =	vpop (erf);
	v49 =	vsub.f32 v22, v27  }
0x196: {  	v7 =	vadd.f32 v7, v16;
	(erf) = vpow2.f32 v48;
	v48 =	vmul.f32 $1.442695020e+00, v51;
	v51 =	vpop (erf)  }
0x197: {  	v36 =	vadd.f32 v36, v44;
	v49 =	vmul.f32 $1.442695020e+00, v49;
	(erf) = vpow2.f32 v45;
	v11 =	vpop (erf)  }
0x198: {  	v31 =	vadd.f32 v31, v43;
	(erf) = vpow2.f32 v48;
	v48 =	vadd.f32 v17, v34;
	v32 =	vpop (erf)  }
0x199: {  	v7 =	vadd.f32 v7, v28;
	v36 =	vadd.f32 v36, v51;
	(erf) = vpow2.f32 v49;
	v17 =	vpop (erf)  }
0x19a: {  	v49 =	vadd.f32 v14, v37;
	v33 =	vadd.f32 v48, v38;
	v35 =	vpop (erf)  }
0x19b: {  	v48 =	vadd.f32 v31, v50;
	v50 =	vadd.f32 v6, v21;
	v14 =	vpop (erf)  }
0x19c: {  	v21 =	vmul.f32 v21, v52;
	v52 =	vsub.f32 v5, v4;
	v34 =	vadd.f32 v49, v41;
	v45 =	vpop (erf)  }
0x19d: {  	v4 =	vadd.f32 v39, v12;
	v33 =	vadd.f32 v33, v42;
	v9 =	vpop (erf)  }
0x19e: {  	v5 =	vadd.f32 v40, v15;
	v34 =	vadd.f32 v34, v46;
	v46 =	vpop (erf)  }
0x19f: {  	v3 =	vadd.f32 v3, v21;
	v33 =	vadd.f32 v33, v47;
	v31 =	vpop (erf)  }
0x1a0: {  	v41 =	vadd.f32 v50, v18;
	v4 =	vadd.f32 v4, v20;
	v49 =	vpop (erf)  }
0x1a1: {  	v42 =	vld [tilespmem:$0x1FDF0];
	v32 =	vadd.f32 v34, v32;
	v33 =	vadd.f32 v33, v35;
	v6 =	vpop (erf)  }
0x1a2: {  	v1 =	vld [tilespmem:$0x1FE10];
	v5 =	vadd.f32 v5, v23;
	v37 =	vadd.f32 v48, v45;
	v51 =	vpop (erf)  }
0x1a3: {  	v44 =	vld [tilespmem:$0x1FE20];
	v32 =	vadd.f32 v32, v49;
	v33 =	vadd.f32 v33, v51  }
0x1a4: {  	v4 =	vadd.f32 v4, v25;
	v5 =	vadd.f32 v5, v29  }
0x1a5: {  	v32 =	vadd.f32 v33, v32;
	v33 =	vadd.f32 v41, v19  }
0x1a6: {  	v34 =	vld [tilespmem:$0x1FE60];
	v36 =	vadd.f32 v36, v46;
	v21 =	vsub.f32 v42, v0  }
0x1a7: {  	v4 =	vadd.f32 v4, v11;
	v35 =	vld [tilespmem:$0x1FE70];
	v33 =	vadd.f32 v33, v24  }
0x1a8: {  	v5 =	vadd.f32 v5, v17;
	v43 =	vmul.f32 v10, v21;
	v10 =	vsub.f32 v1, v44;
	v1 =	vld [tilespmem:$0x1FE30]  }
0x1a9: {  	v0 =	vld [tilespmem:$0x1FE00];
	v38 =	vadd.f32 v36, v37;
	v33 =	vadd.f32 v33, v30  }
0x1aa: {  	v42 =	vld [tilespmem:$0x1FEA0];
	v4 =	vadd.f32 v4, v31;
	v5 =	vadd.f32 v5, v6  }
0x1ab: {  	v7 =	vadd.f32 v7, v14;
	v37 =	vld [tilespmem:$0x1FE80];
	v33 =	vadd.f32 v33, v9  }
0x1ac: {  	v44 =	vld [tilespmem:$0x1FEC0];
	v4 =	vadd.f32 v5, v4;
	v5 =	vadd.f32 v32, v38  }
0x1ad: {  	v45 =	vsub.f32 v2, v1;
	v2 =	vld [tilespmem:$0x1FE50];
	v7 =	vadd.f32 v33, v7  }
0x1ae: {  	v47 =	vmul.f32 v13, v10;
	v13 =	vsub.f32 v34, v35;
	v34 =	vld [tilespmem:$0x1FF80]  }
0x1af: {  	v1 =	vld [tilespmem:$0x1FE40];
	v46 =	vand.u32 $0x7FFFFF, v5;
	v4 =	vadd.f32 v4, v7  }
0x1b0: {  	v8 =	vmul.f32 v8, v52;
	v38 =	vld [tilespmem:$0x1FE90];
	v7 =	vor.u32 $0x3F800000, v46  }
0x1b1: {  	v48 =	vmul.f32 v18, v45;
	v45 =	vld [tilespmem:$0x1FED0];
	v49 =	vmul.f32 $5.000000000e-01, v7;
	v50 =	vand.u32 $0x7FFFFF, v4  }
0x1b2: {  	v2 =	vadd.f32 v2, v47;
	v47 =	vld [tilespmem:$0x1FEF0];
	vm1 =	vgt.f32 v7, $1.414213540e+00;
	v51 =	vor.u32 $0x3F800000, v50  }
0x1b3: {  	v0 =	vadd.f32 v0, v8;
	v46 =	vld [tilespmem:$0x1FEE0];
	v7 =	vsel vm1, v49, v7;
	v52 =	vmul.f32 $5.000000000e-01, v51  }
0x1b4: {  	v3 =	vadd.f32 v3, v48;
	v48 =	vld [tilespmem:$0x1FF00];
	vm0 =	vgt.f32 v51, $1.414213540e+00;
	v36 =	vadd.f32 $1.000000000e+00, v7  }
0x1b5: {  	v1 =	vadd.f32 v1, v43;
	v43 =	vld [tilespmem:$0x1FEB0];
	(erf) = vrcp.f32 v4;
	v8 =	vsel vm0, v52, v51  }
0x1b6: {  	v21 =	vsub.f32 v37, v38;
	v49 =	vld [tilespmem:$0x1FF10];
	(erf) = vrcp.f32 v36;
	v40 =	vadd.f32 $1.000000000e+00, v8  }
0x1b7: {  	v35 =	vld [tilespmem:$0x1FF90];
	v39 =	vmul.f32 v12, v13;
	v18 =	vsub.f32 v44, v45  }
0x1b8: {  	v41 =	vmul.f32 v15, v21;
	v21 =	vsub.f32 v46, v47;
	v46 =	vld [tilespmem:$0x1FFE0];
	(erf) = vrcp.f32 v40  }
0x1b9: {  	v54 =	vsub.f32 v59, v54;
	v55 =	vsub.f32 v55, v53;
	v51 =	vmul.f32 v19, v18;
	v18 =	vld [tilespmem:$0x1FF20]  }
0x1ba: {  	v0 =	vadd.f32 v0, v39;
	v5 =	vshra.s32 v5, $0x17;
	v15 =	vsub.f32 v42, v43;
	v19 =	vld [tilespmem:$0x1FF30]  }
0x1bb: {  	v9 =	vmul.f32 v9, v54;
	v52 =	vmul.f32 v20, v21;
	v20 =	vld [tilespmem:$0x1FF40];
	v32 =	vsub.f32 v48, v49  }
0x1bc: {  	v1 =	vadd.f32 v1, v41;
	v50 =	vmul.f32 v62, v15;
	v7 =	vadd.f32 $-1.000000000e+00, v7;
	v21 =	vld [tilespmem:$0x1FF50]  }
0x1bd: {  	v47 =	vsub.f32 v61, v57;
	v57 =	vsub.f32 v56, v22;
	v62 =	vmul.f32 v23, v32;
	v23 =	vld [tilespmem:$0x1FF60]  }
0x1be: {  	v4 =	vshra.s32 v4, $0x17;
	v2 =	vadd.f32 v2, v50;
	v8 =	vadd.f32 $-1.000000000e+00, v8;
	v32 =	vld [tilespmem:$0x1FF70];
	v33 =	vpop (erf)  }
0x1bf: {  	v42 =	vld [tilespmem:$0x1FFC0];
	v6 =	vmul.f32 v6, v57;
	v3 =	vadd.f32 v3, v51;
	v10 =	vsub.f32 v18, v19;
	v36 =	vpop (erf)  }
0x1c0: {  	v43 =	vld [tilespmem:$0x1FFD0];
	v49 =	vmul.f32 v17, v47;
	v51 =	vsub.f32 v60, v58;
	v7 =	vmul.f32 v36, v7  }
0x1c1: {  	v41 =	vld [tilespmem:$0x1FFB0];
	v0 =	vadd.f32 v0, v52;
	v12 =	vsub.f32 v20, v21;
	v10 =	vmul.f32 v16, v10;
	v38 =	vpop (erf)  }
0x1c2: {  	v40 =	vld [tilespmem:$0x1FFA0];
	v19 =	vsub.f32 v63, v46;
	v39 =	vmul.f32 v7, v7;
	v8 =	vmul.f32 v38, v8  }
0x1c3: {  	v16 =	vsub.f32 v34, v35;
	v12 =	vmul.f32 v24, v12;
	v13 =	vsub.f32 v23, v32  }
0x1c4: {  	v2 =	vadd.f32 v2, v10;
	v44 =	vmul.f32 $2.222222240e-01, v39;
	v45 =	vmul.f32 v8, v8  }
0x1c5: {  	v37 =	vmul.f32 v29, v16;
	v16 =	vsub.f32 v42, v43;
	v13 =	vmul.f32 v25, v13  }
0x1c6: {  	v3 =	vadd.f32 v3, v12;
	v10 =	vadd.f32 $2.857142980e-01, v44;
	v48 =	vmul.f32 $2.222222240e-01, v45  }
0x1c7: {  	v58 =	vmul.f32 v31, v55;
	v0 =	vadd.f32 v0, v13;
	v13 =	vsub.f32 v40, v41  }
0x1c8: {  	v16 =	vmul.f32 v30, v16;
	v10 =	vmul.f32 v10, v39;
	v50 =	vadd.f32 $2.857142980e-01, v48  }
0x1c9: {  	v1 =	vadd.f32 v1, v62;
	v11 =	vmul.f32 v11, v19;
	v13 =	vmul.f32 v28, v13  }
0x1ca: {  	v3 =	vadd.f32 v3, v16;
	v10 =	vadd.f32 $4.000000060e-01, v10;
	v52 =	vmul.f32 v50, v45  }
0x1cb: {  	v0 =	vadd.f32 v0, v11;
	v11 =	vmul.f32 v14, v51;
	v2 =	vadd.f32 v2, v13  }
0x1cc: {  	v1 =	vadd.f32 v1, v37;
	v10 =	vmul.f32 v10, v39;
	v13 =	vadd.f32 $4.000000060e-01, v52  }
0x1cd: {  	v60 =	vimm.s32 $0xFFFFFF81;
	v3 =	vadd.f32 v3, v9;
	v2 =	vadd.f32 v2, v11  }
0x1ce: {  	v63 =	vsel vm0, $0xFFFFFF82, v60;
	v10 =	vadd.f32 $6.666666860e-01, v10;
	v13 =	vmul.f32 v13, v45  }
0x1cf: {  	v4 =	vadd.s32 v4, v63;
	v1 =	vadd.f32 v1, v49;
	v2 =	vadd.f32 v3, v2  }
0x1d0: {  	v3 =	vsel vm1, $0xFFFFFF82, v60;
	v59 =	vmul.f32 v10, v39;
	v61 =	vadd.f32 $6.666666860e-01, v13  }
0x1d1: {  	v1 =	vadd.f32 v1, v6;
	v0 =	vadd.f32 v0, v58;
	v3 =	vadd.s32 v5, v3  }
0x1d2: {  	v3 =	vcvt.s32.f32 v3;
	v6 =	vadd.f32 $2.000000000e+00, v59;
	v62 =	vmul.f32 v61, v45  }
0x1d3: {  	v4 =	vcvt.s32.f32 v4;
	v0 =	vadd.f32 v1, v0  }
0x1d4: {  	v3 =	vmul.f32 $6.931471820e-01, v3;
	v1 =	vmul.f32 v6, v7;
	v5 =	vadd.f32 $2.000000000e+00, v62  }
0x1d5: {  	v0 =	vadd.f32 v0, v2  }
0x1d6: {  	v1 =	vadd.f32 v1, v3;
	v3 =	vmul.f32 $6.931471820e-01, v4;
	v2 =	vmul.f32 v5, v8;
	_ =	sdelay $0x1  }
0x1d7: {  	v0 =	vmul.f32 v33, v0;
	v1 =	vadd.f32 v1, v27;
	v2 =	vadd.f32 v2, v3;
	_ =	sdelay $0x1  }
0x1d8: {  	v0 =	vadd.f32 v1, v0;
	v1 =	vadd.f32 v2, v26;
	_ =	sdelay $0x1  }
0x1d9: {  	v0 =	vsub.f32 v0, v1;
	v1 =	vld [tilespmem:$0x1FFF0];
	_ =	sdelay $0x2  }
0x1da: {  	p0 =	sne.s32 s15, $0xFFFFFFC0  }
.Ltmp0:
0x1db: {  	_ = 	snop;
	(pc) =	sbr.rel @p0 .LBB2_2-.Ltmp0, $3  }
0x1dc: {  	v1 =	vadd.f32 v0, v1;
	_ =	sdelay $0x1  }
0x1dd: {  	[tilespmem:$0x1FFF0] =	vst v1  }
0x1de: {  	s15 =	sadd.s32 $0x40, s15;
	v0 =	vld [tilespmem:$0x1FFF0]  }
0x1df: {  	_ =	sdelay $0x1  }
0x1e0: {  	s14 =	sadd.s32 $0x1, s14  }
0x1e1: {  	p0 =	sne.s32 s14, s6  }
.Ltmp1:
0x1e2: {  	[tilespmem:$0x4000] =	vst v0;
	(pc) =	sbr.rel @p0 .LBB2_1-.Ltmp1, $4  }
0x1e3: {  	[hbm4b:s5+s2] =	stream.linear.scatter [tilespmem:s12], [sflag:$0x3], $0x80, $0x38;
	[tilespmem:$0x4080] =	vst v63  }
0x1e4: {  	_ =	swait.ge [sflag:s13], $0x80  }
0x1e5: {  	[sflag:s13] =	ssyncset.done $0x0  }
0x1e6: {  	[sflag:s13] =	ssyncadd.s32 $0xFFFFFF80  }
0x1e7: {  	_ =	sfence.sel $0x180000  }
0x1e8: {  	[bflag:$0x0] =	sbarrier.arrive $0xFFFF  }
0x1e9: {  	p0 =	sne.s32 s1, $0x0;
	_ =	strace $0x90000047  }
0x1ea: {  	s0 =	sadd.s32 @!p0 $0x100000, s0;
	[bflag:$0x2] =	sbarrier.arrive $0xFFFF  }
0x1eb: {  	[sflag:s0] =	ssyncadd.tile.s32 @!p0 $0x1;
	_ =	shalt  }
.Lfunc_end2:
_tile_overlayer_lowered:
.L_overlay_start_2:
0x1ec: {  	(tag) =	ssettag $0x2  }
0x1ed: {  	s0 =	rddreg [dreg:$0x0];
	s2 =	stileid.u32  }
0x1ee: {  	s1 =	rddreg [dreg:$0x1];
	p0 =	sne.s32 s2, $0x0  }
0x1ef: {  	s3 =	rddreg [dreg:$0x2];
	[bflag:$0x3] =	sbarrier.arrive $0xFFFF;
	s2 =	simm.s32 @!p0 $0x1C03  }
0x1f0: {  	[timem:s3], [sflag:s2] =	dma.local @!p0 [hbm:s0], s1  }
0x1f1: {  	s0 =	simm.s32 @!p0 $0x3  }
0x1f2: {  	_ =	swait.ge @!p0 [sflag:s0], s1  }
0x1f3: {  	s1 =	ssub.s32 @!p0 $0x0, s1;
	[sflag:s0] =	ssyncset.done @!p0 $0x0  }
0x1f4: {  	[sflag:s0] =	ssyncadd.s32 @!p0 s1  }
0x1f5: {  	[bflag:$0x3] =	sbarrier.arrive $0xFFFF  }
0x1f6: {  	_ =	shalt  }

</sc_bundles>
